<compile_context>
chip_gen: v7x
topology: tpu7x:2x2x1
jax: 0.10.2.dev20260603
libtpu: 0.0.44.dev20260713+nightly
codegen_flags: <defaults>
</compile_context>

<pallas_src>
import functools

import jax
import jax.numpy as jnp
from jax import lax
from jax.experimental import pallas as pl
from jax.experimental.pallas import tpu as pltpu
from jax.experimental.pallas import tpu_sc as plsc

N = 10000
E = 320000
D = 128
T = 16

NC = 2
NS = 16
NW = NC * NS

CHUNK = 112
NCH = 181
EPAD = NS * NCH * CHUNK

DH = D // NC
NPAD = 10016
ROWS_PER_TILE = NPAD // NS
ZROWS = 626
NHC = N // NC
NTC = NHC * T
NTPAD = 81920
CNT_PER_TILE = NTPAD // NS


def _sc_body(xs_hbm, eidx_hbm, et_hbm, z2d_hbm, zc_hbm,
             aggp_hbm, cntp_hbm,
             src_v, dst_v, key_v,
             rows_a, rows_b, rows_cc, ones_v,
             agg_sh, cnt_sh,
             sem_a, sem_b, sem_cc, sem_s, sem_c):
    c = lax.axis_index("c")
    s = lax.axis_index("s")

    pltpu.async_copy(eidx_hbm.at[0, s], src_v, sem_a)
    pltpu.async_copy(eidx_hbm.at[1, s], dst_v, sem_b)
    pltpu.async_copy(et_hbm.at[s], key_v, sem_c)

    for g in range(CHUNK // 16):
        ones_v[pl.ds(g * 16, 16)] = jnp.ones((16,), jnp.float32)
    row0 = s * ROWS_PER_TILE
    pltpu.sync_copy(z2d_hbm.at[pl.ds(row0, ROWS_PER_TILE)],
                    agg_sh.at[pl.ds(row0, ROWS_PER_TILE)])
    cnt0 = s * CNT_PER_TILE
    pltpu.sync_copy(zc_hbm.at[pl.ds(cnt0, CNT_PER_TILE)],
                    cnt_sh.at[pl.ds(cnt0, CNT_PER_TILE)])

    pltpu.make_async_copy(eidx_hbm.at[0, s], src_v, sem_a).wait()
    pltpu.make_async_copy(eidx_hbm.at[1, s], dst_v, sem_b).wait()
    pltpu.make_async_copy(et_hbm.at[s], key_v, sem_c).wait()

    kbase = c * NTC

    def xform(j):
        for g in range(CHUNK // 16):
            sl = pl.ds(g * 16, 16)
            src_v[j, sl] = src_v[j, sl] * 2 + c
            key = dst_v[j, sl] * T + key_v[j, sl]
            k0 = key - kbase
            valid = (k0 >= 0) & (k0 < NTC)
            sink = NTC + (key & 1023)
            key_v[j, sl] = jnp.where(valid, k0, sink)

    xform(0)
    xform(1)
    bufs = (rows_a, rows_b, rows_cc)
    sems = (sem_a, sem_b, sem_cc)
    pltpu.async_copy(xs_hbm.at[src_v.at[0]], rows_a, sem_a)
    pltpu.async_copy(xs_hbm.at[src_v.at[1]], rows_b, sem_b)

    plsc.subcore_barrier()

    def chunk_body(i, _):
        j3 = i * 3
        for p in range(3):
            j = j3 + p
            buf = bufs[p]
            pbuf = bufs[(p - 1) % 3]
            pltpu.make_async_copy(xs_hbm.at[src_v.at[j]], buf, sems[p]).wait()

            @pl.when(j >= 1)
            def _():
                pltpu.make_async_copy(pbuf, agg_sh.at[dst_v.at[j - 1]], sem_s).wait()
            pltpu.async_copy(buf, agg_sh.at[dst_v.at[j]], sem_s, add=True)
            pltpu.async_copy(ones_v, cnt_sh.at[key_v.at[j]], sem_c, add=True)

            @pl.when(j + 2 < NCH)
            def _():
                xform(j + 2)
                pltpu.async_copy(xs_hbm.at[src_v.at[j + 2]], pbuf, sems[(p - 1) % 3])

            @pl.when(j >= 3)
            def _():
                pltpu.make_async_copy(ones_v, cnt_sh.at[key_v.at[j - 3]], sem_c).wait()
        return 0
    lax.fori_loop(0, (NCH - 1) // 3, chunk_body, 0)
    jt = NCH - 1
    pltpu.make_async_copy(xs_hbm.at[src_v.at[jt]], rows_a, sem_a).wait()
    pltpu.make_async_copy(rows_cc, agg_sh.at[dst_v.at[jt - 1]], sem_s).wait()
    pltpu.async_copy(rows_a, agg_sh.at[dst_v.at[jt]], sem_s, add=True)
    pltpu.async_copy(ones_v, cnt_sh.at[key_v.at[jt]], sem_c, add=True)
    pltpu.make_async_copy(rows_a, agg_sh.at[dst_v.at[jt]], sem_s).wait()
    for k in range(4):
        pltpu.make_async_copy(ones_v, cnt_sh.at[key_v.at[NCH - 4 + k]], sem_c).wait()

    plsc.subcore_barrier()

    for k in range(ROWS_PER_TILE // ZROWS):
        off = s * ROWS_PER_TILE + k * ZROWS
        pltpu.sync_copy(agg_sh.at[pl.ds(off, ZROWS)], aggp_hbm.at[c, pl.ds(off, ZROWS)])
    pltpu.sync_copy(cnt_sh.at[pl.ds(s * CNT_PER_TILE, CNT_PER_TILE)],
                    cntp_hbm.at[pl.ds(c * NTPAD + s * CNT_PER_TILE, CNT_PER_TILE)])


_sc_scatter = functools.partial(
    pl.kernel,
    out_type=(
        jax.ShapeDtypeStruct((NC, NPAD, DH), jnp.float32),
        jax.ShapeDtypeStruct((NC * NTPAD,), jnp.float32),
    ),
    mesh=plsc.VectorSubcoreMesh(core_axis_name="c", subcore_axis_name="s"),
    compiler_params=pltpu.CompilerParams(use_tc_tiling_on_sc=False),
    scratch_types=[
        pltpu.VMEM((NCH, CHUNK), jnp.int32),
        pltpu.VMEM((NCH, CHUNK), jnp.int32),
        pltpu.VMEM((NCH, CHUNK), jnp.int32),
        pltpu.VMEM((CHUNK, DH), jnp.float32),
        pltpu.VMEM((CHUNK, DH), jnp.float32),
        pltpu.VMEM((CHUNK, DH), jnp.float32),
        pltpu.VMEM((CHUNK,), jnp.float32),
        pltpu.VMEM_SHARED((NPAD, DH), jnp.float32),
        pltpu.VMEM_SHARED((NTPAD,), jnp.float32),
        pltpu.SemaphoreType.DMA,
        pltpu.SemaphoreType.DMA,
        pltpu.SemaphoreType.DMA,
        pltpu.SemaphoreType.DMA,
        pltpu.SemaphoreType.DMA,
    ],
)(_sc_body)


BLK = 2000


def _tc_body(aggp_ref, cntp_ref, x_ref, emb_ref, wrel_ref, brel_ref, wroot_ref,
             out_ref):
    agg = jnp.concatenate([aggp_ref[0], aggp_ref[1]], axis=1)
    cnt = cntp_ref[...]
    embw = jnp.dot(emb_ref[...], wrel_ref[...],
                   preferred_element_type=jnp.float32)
    acc = jnp.dot(agg, wrel_ref[...], preferred_element_type=jnp.float32)
    acc += jnp.dot(cnt, embw, preferred_element_type=jnp.float32)
    acc += jnp.dot(x_ref[...], wroot_ref[...], preferred_element_type=jnp.float32)
    out_ref[...] = acc + brel_ref[...]


def _tc_dense(aggp, cntp, x, emb, W_rel, b_rel, W_root):
    grid = (N // BLK,)
    return pl.pallas_call(
        _tc_body,
        grid=grid,
        in_specs=[
            pl.BlockSpec((NC, BLK, DH), lambda i: (0, i, 0)),
            pl.BlockSpec((BLK, T), lambda i: (i, 0)),
            pl.BlockSpec((BLK, D), lambda i: (i, 0)),
            pl.BlockSpec((T, D), lambda i: (0, 0)),
            pl.BlockSpec((D, D), lambda i: (0, 0)),
            pl.BlockSpec((1, D), lambda i: (0, 0)),
            pl.BlockSpec((D, D), lambda i: (0, 0)),
        ],
        out_specs=pl.BlockSpec((BLK, D), lambda i: (i, 0)),
        out_shape=jax.ShapeDtypeStruct((N, D), jnp.float32),
    )(aggp, cntp, x, emb, W_rel, b_rel, W_root)


def kernel(x, edge_index, edge_types, emb, W_rel, b_rel, W_root):
    xs = x.reshape(NC * N, DH)
    npd = EPAD - E
    pad_i = jnp.arange(npd, dtype=jnp.int32)
    pad_se = jnp.stack([pad_i % N, N + (pad_i % (NPAD - N))])
    eidx = jnp.concatenate([edge_index, pad_se], axis=1).reshape(2, NS, NCH, CHUNK)
    et = jnp.concatenate([edge_types, jnp.zeros((npd,), jnp.int32)]
                         ).reshape(NS, NCH, CHUNK)
    z2d = jnp.zeros((NPAD, DH), jnp.float32)
    zc = jnp.zeros((NTPAD,), jnp.float32)
    aggp, cntp = _sc_scatter(xs, eidx, et, z2d, zc)
    cntp = cntp.reshape(NC, NTPAD)[:, :NTC].reshape(N, T)
    return _tc_dense(aggp, cntp, x, emb, W_rel, b_rel.reshape(1, D), W_root)

# --- scband reference (transcript-rebuilt; emitter-appended) ---
"""Pipeline reference for scband-edge-embeddings-35158602285214 (READ-ONLY COPY).

The authoritative reference and input builder live on the scoring server;
editing this copy changes nothing except your own understanding.
"""

import jax, jax.numpy as jnp
import numpy as np

N = 10000   # nodes
E = 320000  # edges
D = 128     # hidden_size / d_feat
T = 16      # num_edge_types


def setup_inputs(seed: int = 0) -> dict:
    key = jax.random.key(seed)
    ks = jax.random.split(key, 6)
    x = jax.random.normal(ks[0], (N, D), dtype=jnp.float32)
    edge_index = jax.random.randint(ks[1], (2, E), 0, N, dtype=jnp.int32)
    edge_types = jax.random.randint(ks[2], (E,), 0, T, dtype=jnp.int32)
    # learned params: edge-type embedding table + GraphConv weights
    emb = jax.random.normal(ks[3], (T, D), dtype=jnp.float32) * 0.02
    W_rel = jax.random.normal(ks[4], (D, D), dtype=jnp.float32) / np.sqrt(D)
    b_rel = jnp.zeros((D,), dtype=jnp.float32)
    W_root = jax.random.normal(ks[5], (D, D), dtype=jnp.float32) / np.sqrt(D)
    return {
        "x": x,
        "edge_index": edge_index,
        "edge_types": edge_types,
        "emb": emb,
        "W_rel": W_rel,
        "b_rel": b_rel,
        "W_root": W_root,
    }


def reference(x, edge_index, edge_types, emb, W_rel, b_rel, W_root):
    # EdgeEmbeddings.wrap_message: x_j (gathered source features) gets the
    # per-edge-type embedding added before the base message/aggregation.
    src = edge_index[0]
    dst = edge_index[1]
    x_j = jnp.take(x, src, axis=0)                 # gather [E, D]
    edge_embs = jnp.take(emb, edge_types, axis=0)  # embedding lookup [E, D]
    x_j = x_j + edge_embs                          # dims == 2 branch
    # base GNN layer (GraphConv, aggr='add'):
    #   out = lin_rel(scatter_add(x_j -> dst)) + lin_root(x)
    agg = jax.ops.segment_sum(x_j, dst, num_segments=N)  # scatter-add [N, D]
    out = agg @ W_rel + b_rel + x @ W_root
    return out

if __name__ == "__main__":
    import jax
    _d = setup_inputs()
    print(jax.jit(kernel)(*tuple(_d.values())))

</pallas_src>

<mosaic_0001>
#map = affine_map<(d0, d1) -> (0, 0)>
#map1 = affine_map<(d0, d1) -> (0, 0, 0, 0)>
#map2 = affine_map<(d0, d1) -> (0, 0, 0)>
#map3 = affine_map<(d0, d1) -> (0)>
module attributes {stable_mosaic.version = 14 : i64} {
  func.func @_sc_body(%arg0: i32, %arg1: i32, %arg2: memref<20000x64xf32, #tpu.memory_space<hbm>>, %arg3: memref<2x16x181x112xi32, #tpu.memory_space<hbm>>, %arg4: memref<16x181x112xi32, #tpu.memory_space<hbm>>, %arg5: memref<10016x64xf32, #tpu.memory_space<hbm>>, %arg6: memref<81920xf32, #tpu.memory_space<hbm>>, %arg7: memref<2x10016x64xf32, #tpu.memory_space<hbm>>, %arg8: memref<163840xf32, #tpu.memory_space<hbm>>, %arg9: memref<181x112xi32, #tpu.memory_space<vmem>>, %arg10: memref<181x112xi32, #tpu.memory_space<vmem>>, %arg11: memref<181x112xi32, #tpu.memory_space<vmem>>, %arg12: memref<112x64xf32, #tpu.memory_space<vmem>>, %arg13: memref<112x64xf32, #tpu.memory_space<vmem>>, %arg14: memref<112x64xf32, #tpu.memory_space<vmem>>, %arg15: memref<112xf32, #tpu.memory_space<vmem>>, %arg16: memref<10016x64xf32, #tpu.memory_space<vmem_shared>>, %arg17: memref<81920xf32, #tpu.memory_space<vmem_shared>>, %arg18: memref<!tpu.dma_semaphore, #tpu.memory_space<semaphore_mem>>, %arg19: memref<!tpu.dma_semaphore, #tpu.memory_space<semaphore_mem>>, %arg20: memref<!tpu.dma_semaphore, #tpu.memory_space<semaphore_mem>>, %arg21: memref<!tpu.dma_semaphore, #tpu.memory_space<semaphore_mem>>, %arg22: memref<!tpu.dma_semaphore, #tpu.memory_space<semaphore_mem>>) attributes {dimension_semantics = [#tpu.dimension_semantics<core_parallel>, #tpu.dimension_semantics<subcore_parallel>], iteration_bounds = array<i64: 2, 16>, scalar_prefetch = 0 : i64, scratch_operands = 14 : i64, tpu.core_type = #tpu.core_type<sc_vector_subcore>, window_params = [{transform_indices = #map}, {transform_indices = #map1}, {transform_indices = #map2}, {transform_indices = #map}, {transform_indices = #map3}, {transform_indices = #map2}, {transform_indices = #map3}]} {
    %dma_start3A = arith.constant 0 : i32
    %dma_start3A_0 = arith.constant 0 : i32
    %dma_start3A_1 = arith.constant 0 : i32
    %dma_start3A_2 = tpu.memref_slice %arg3[%dma_start3A, %arg1, %dma_start3A_0, %dma_start3A_1] : memref<2x16x181x112xi32, #tpu.memory_space<hbm>> -> memref<1x1x181x112xi32, #tpu.memory_space<hbm>>
    %dma_start3A_3 = tpu.memref_squeeze %dma_start3A_2 : memref<1x1x181x112xi32, #tpu.memory_space<hbm>> -> memref<181x112xi32, #tpu.memory_space<hbm>>
    %dma_start3A_4 = arith.constant 0 : i32
    %dma_start3A_5 = arith.constant 0 : i32
    %dma_start3A_6 = tpu.memref_slice %arg3[%dma_start3A, %arg1, %dma_start3A_4, %dma_start3A_5] : memref<2x16x181x112xi32, #tpu.memory_space<hbm>> -> memref<1x1x181x112xi32, #tpu.memory_space<hbm>>
    %dma_start3A_7 = tpu.memref_squeeze %dma_start3A_6 : memref<1x1x181x112xi32, #tpu.memory_space<hbm>> -> memref<181x112xi32, #tpu.memory_space<hbm>>
    tpu.enqueue_dma source(%dma_start3A_7 : memref<181x112xi32, #tpu.memory_space<hbm>>) target(%arg9 : memref<181x112xi32, #tpu.memory_space<vmem>>) target_semaphore(%arg18 : memref<!tpu.dma_semaphore, #tpu.memory_space<semaphore_mem>>)
    %dma_start3A_8 = arith.constant 1 : i32
    %dma_start3A_9 = arith.constant 0 : i32
    %dma_start3A_10 = arith.constant 0 : i32
    %dma_start3A_11 = tpu.memref_slice %arg3[%dma_start3A_8, %arg1, %dma_start3A_9, %dma_start3A_10] : memref<2x16x181x112xi32, #tpu.memory_space<hbm>> -> memref<1x1x181x112xi32, #tpu.memory_space<hbm>>
    %dma_start3A_12 = tpu.memref_squeeze %dma_start3A_11 : memref<1x1x181x112xi32, #tpu.memory_space<hbm>> -> memref<181x112xi32, #tpu.memory_space<hbm>>
    %dma_start3A_13 = arith.constant 0 : i32
    %dma_start3A_14 = arith.constant 0 : i32
    %dma_start3A_15 = tpu.memref_slice %arg3[%dma_start3A_8, %arg1, %dma_start3A_13, %dma_start3A_14] : memref<2x16x181x112xi32, #tpu.memory_space<hbm>> -> memref<1x1x181x112xi32, #tpu.memory_space<hbm>>
    %dma_start3A_16 = tpu.memref_squeeze %dma_start3A_15 : memref<1x1x181x112xi32, #tpu.memory_space<hbm>> -> memref<181x112xi32, #tpu.memory_space<hbm>>
    tpu.enqueue_dma source(%dma_start3A_16 : memref<181x112xi32, #tpu.memory_space<hbm>>) target(%arg10 : memref<181x112xi32, #tpu.memory_space<vmem>>) target_semaphore(%arg19 : memref<!tpu.dma_semaphore, #tpu.memory_space<semaphore_mem>>)
    %dma_start3A_17 = arith.constant 0 : i32
    %dma_start3A_18 = arith.constant 0 : i32
    %dma_start3A_19 = tpu.memref_slice %arg4[%arg1, %dma_start3A_17, %dma_start3A_18] : memref<16x181x112xi32, #tpu.memory_space<hbm>> -> memref<1x181x112xi32, #tpu.memory_space<hbm>>
    %dma_start3A_20 = tpu.memref_squeeze %dma_start3A_19 : memref<1x181x112xi32, #tpu.memory_space<hbm>> -> memref<181x112xi32, #tpu.memory_space<hbm>>
    %dma_start3A_21 = arith.constant 0 : i32
    %dma_start3A_22 = arith.constant 0 : i32
    %dma_start3A_23 = tpu.memref_slice %arg4[%arg1, %dma_start3A_21, %dma_start3A_22] : memref<16x181x112xi32, #tpu.memory_space<hbm>> -> memref<1x181x112xi32, #tpu.memory_space<hbm>>
    %dma_start3A_24 = tpu.memref_squeeze %dma_start3A_23 : memref<1x181x112xi32, #tpu.memory_space<hbm>> -> memref<181x112xi32, #tpu.memory_space<hbm>>
    tpu.enqueue_dma source(%dma_start3A_24 : memref<181x112xi32, #tpu.memory_space<hbm>>) target(%arg11 : memref<181x112xi32, #tpu.memory_space<vmem>>) target_semaphore(%arg22 : memref<!tpu.dma_semaphore, #tpu.memory_space<semaphore_mem>>)
    %broadcast_in_dim3A = arith.constant 1.000000e+00 : f32
    %broadcast_in_dim3A_25 = vector.broadcast %broadcast_in_dim3A : f32 to vector<16xf32>
    %swap3A = arith.constant 0 : index
    %swap3A_26 = tpu.vector_load %arg15[%swap3A] {strides = array<i32>} : memref<112xf32, #tpu.memory_space<vmem>>, vector<16xf32>,
    %swap3A_27 = vector.shape_cast %swap3A_26 : vector<16xf32> to vector<16xf32>
    %swap3A_28 = vector.shape_cast %broadcast_in_dim3A_25 : vector<16xf32> to vector<16xf32>
    tpu.vector_store %arg15[%swap3A], %swap3A_28 {strides = array<i32>} : memref<112xf32, #tpu.memory_space<vmem>>, vector<16xf32>,
    %broadcast_in_dim3A_29 = arith.constant 1.000000e+00 : f32
    %broadcast_in_dim3A_30 = vector.broadcast %broadcast_in_dim3A_29 : f32 to vector<16xf32>
    %swap3A_31 = arith.constant 16 : index
    %swap3A_32 = tpu.vector_load %arg15[%swap3A_31] {strides = array<i32>} : memref<112xf32, #tpu.memory_space<vmem>>, vector<16xf32>,
    %swap3A_33 = vector.shape_cast %swap3A_32 : vector<16xf32> to vector<16xf32>
    %swap3A_34 = vector.shape_cast %broadcast_in_dim3A_30 : vector<16xf32> to vector<16xf32>
    tpu.vector_store %arg15[%swap3A_31], %swap3A_34 {strides = array<i32>} : memref<112xf32, #tpu.memory_space<vmem>>, vector<16xf32>,
    %broadcast_in_dim3A_35 = arith.constant 1.000000e+00 : f32
    %broadcast_in_dim3A_36 = vector.broadcast %broadcast_in_dim3A_35 : f32 to vector<16xf32>
    %swap3A_37 = arith.constant 32 : index
    %swap3A_38 = tpu.vector_load %arg15[%swap3A_37] {strides = array<i32>} : memref<112xf32, #tpu.memory_space<vmem>>, vector<16xf32>,
    %swap3A_39 = vector.shape_cast %swap3A_38 : vector<16xf32> to vector<16xf32>
    %swap3A_40 = vector.shape_cast %broadcast_in_dim3A_36 : vector<16xf32> to vector<16xf32>
    tpu.vector_store %arg15[%swap3A_37], %swap3A_40 {strides = array<i32>} : memref<112xf32, #tpu.memory_space<vmem>>, vector<16xf32>,
    %broadcast_in_dim3A_41 = arith.constant 1.000000e+00 : f32
    %broadcast_in_dim3A_42 = vector.broadcast %broadcast_in_dim3A_41 : f32 to vector<16xf32>
    %swap3A_43 = arith.constant 48 : index
    %swap3A_44 = tpu.vector_load %arg15[%swap3A_43] {strides = array<i32>} : memref<112xf32, #tpu.memory_space<vmem>>, vector<16xf32>,
    %swap3A_45 = vector.shape_cast %swap3A_44 : vector<16xf32> to vector<16xf32>
    %swap3A_46 = vector.shape_cast %broadcast_in_dim3A_42 : vector<16xf32> to vector<16xf32>
    tpu.vector_store %arg15[%swap3A_43], %swap3A_46 {strides = array<i32>} : memref<112xf32, #tpu.memory_space<vmem>>, vector<16xf32>,
    %broadcast_in_dim3A_47 = arith.constant 1.000000e+00 : f32
    %broadcast_in_dim3A_48 = vector.broadcast %broadcast_in_dim3A_47 : f32 to vector<16xf32>
    %swap3A_49 = arith.constant 64 : index
    %swap3A_50 = tpu.vector_load %arg15[%swap3A_49] {strides = array<i32>} : memref<112xf32, #tpu.memory_space<vmem>>, vector<16xf32>,
    %swap3A_51 = vector.shape_cast %swap3A_50 : vector<16xf32> to vector<16xf32>
    %swap3A_52 = vector.shape_cast %broadcast_in_dim3A_48 : vector<16xf32> to vector<16xf32>
    tpu.vector_store %arg15[%swap3A_49], %swap3A_52 {strides = array<i32>} : memref<112xf32, #tpu.memory_space<vmem>>, vector<16xf32>,
    %broadcast_in_dim3A_53 = arith.constant 1.000000e+00 : f32
    %broadcast_in_dim3A_54 = vector.broadcast %broadcast_in_dim3A_53 : f32 to vector<16xf32>
    %swap3A_55 = arith.constant 80 : index
    %swap3A_56 = tpu.vector_load %arg15[%swap3A_55] {strides = array<i32>} : memref<112xf32, #tpu.memory_space<vmem>>, vector<16xf32>,
    %swap3A_57 = vector.shape_cast %swap3A_56 : vector<16xf32> to vector<16xf32>
    %swap3A_58 = vector.shape_cast %broadcast_in_dim3A_54 : vector<16xf32> to vector<16xf32>
    tpu.vector_store %arg15[%swap3A_55], %swap3A_58 {strides = array<i32>} : memref<112xf32, #tpu.memory_space<vmem>>, vector<16xf32>,
    %broadcast_in_dim3A_59 = arith.constant 1.000000e+00 : f32
    %broadcast_in_dim3A_60 = vector.broadcast %broadcast_in_dim3A_59 : f32 to vector<16xf32>
    %swap3A_61 = arith.constant 96 : index
    %swap3A_62 = tpu.vector_load %arg15[%swap3A_61] {strides = array<i32>} : memref<112xf32, #tpu.memory_space<vmem>>, vector<16xf32>,
    %swap3A_63 = vector.shape_cast %swap3A_62 : vector<16xf32> to vector<16xf32>
    %swap3A_64 = vector.shape_cast %broadcast_in_dim3A_60 : vector<16xf32> to vector<16xf32>
    tpu.vector_store %arg15[%swap3A_61], %swap3A_64 {strides = array<i32>} : memref<112xf32, #tpu.memory_space<vmem>>, vector<16xf32>,
    %mul3A = arith.constant 626 : i32
    %mul3A_65 = arith.muli %arg1, %mul3A : i32
    "tpu.region"() ({
      %run_scoped3A = tpu.sem_alloc : memref<!tpu.dma_semaphore, #tpu.memory_space<semaphore_mem>>
      %dma_start3A_906 = arith.constant 0 : i32
      %dma_start3A_907 = tpu.memref_slice %arg16[%mul3A_65, %dma_start3A_906] : memref<10016x64xf32, #tpu.memory_space<vmem_shared>> -> memref<626x64xf32, #tpu.memory_space<vmem_shared>>
      %dma_start3A_908 = arith.constant 0 : i32
      %dma_start3A_909 = tpu.memref_slice %arg5[%mul3A_65, %dma_start3A_908] : memref<10016x64xf32, #tpu.memory_space<hbm>> -> memref<626x64xf32, #tpu.memory_space<hbm>>
      tpu.enqueue_dma source(%dma_start3A_909 : memref<626x64xf32, #tpu.memory_space<hbm>>) target(%dma_start3A_907 : memref<626x64xf32, #tpu.memory_space<vmem_shared>>) target_semaphore(%run_scoped3A : memref<!tpu.dma_semaphore, #tpu.memory_space<semaphore_mem>>)
      %dma_wait3A_910 = arith.constant 0 : i32
      %dma_wait3A_911 = tpu.memref_slice %arg16[%mul3A_65, %dma_wait3A_910] : memref<10016x64xf32, #tpu.memory_space<vmem_shared>> -> memref<626x64xf32, #tpu.memory_space<vmem_shared>>
      %dma_wait3A_912 = arith.constant 0 : i32
      %dma_wait3A_913 = tpu.memref_slice %arg5[%mul3A_65, %dma_wait3A_912] : memref<10016x64xf32, #tpu.memory_space<hbm>> -> memref<626x64xf32, #tpu.memory_space<hbm>>
      tpu.wait_dma2 semaphore(%run_scoped3A : memref<!tpu.dma_semaphore, #tpu.memory_space<semaphore_mem>>) src(%dma_wait3A_913 : memref<626x64xf32, #tpu.memory_space<hbm>>) dst(%dma_wait3A_911 : memref<626x64xf32, #tpu.memory_space<vmem_shared>>)
      tpu.yield
    }) : () -> ()
    %mul3A_66 = arith.constant 5120 : i32
    %mul3A_67 = arith.muli %arg1, %mul3A_66 : i32
    "tpu.region"() ({
      %run_scoped3A = tpu.sem_alloc : memref<!tpu.dma_semaphore, #tpu.memory_space<semaphore_mem>>
      %dma_start3A_906 = tpu.memref_slice %arg17[%mul3A_67] : memref<81920xf32, #tpu.memory_space<vmem_shared>> -> memref<5120xf32, #tpu.memory_space<vmem_shared>>
      %dma_start3A_907 = tpu.memref_slice %arg6[%mul3A_67] : memref<81920xf32, #tpu.memory_space<hbm>> -> memref<5120xf32, #tpu.memory_space<hbm>>
      tpu.enqueue_dma source(%dma_start3A_907 : memref<5120xf32, #tpu.memory_space<hbm>>) target(%dma_start3A_906 : memref<5120xf32, #tpu.memory_space<vmem_shared>>) target_semaphore(%run_scoped3A : memref<!tpu.dma_semaphore, #tpu.memory_space<semaphore_mem>>)
      %dma_wait3A_908 = tpu.memref_slice %arg17[%mul3A_67] : memref<81920xf32, #tpu.memory_space<vmem_shared>> -> memref<5120xf32, #tpu.memory_space<vmem_shared>>
      %dma_wait3A_909 = tpu.memref_slice %arg6[%mul3A_67] : memref<81920xf32, #tpu.memory_space<hbm>> -> memref<5120xf32, #tpu.memory_space<hbm>>
      tpu.wait_dma2 semaphore(%run_scoped3A : memref<!tpu.dma_semaphore, #tpu.memory_space<semaphore_mem>>) src(%dma_wait3A_909 : memref<5120xf32, #tpu.memory_space<hbm>>) dst(%dma_wait3A_908 : memref<5120xf32, #tpu.memory_space<vmem_shared>>)
      tpu.yield
    }) : () -> ()
    %dma_wait3A = arith.constant 0 : i32
    %dma_wait3A_68 = arith.constant 0 : i32
    %dma_wait3A_69 = arith.constant 0 : i32
    %dma_wait3A_70 = tpu.memref_slice %arg3[%dma_wait3A, %arg1, %dma_wait3A_68, %dma_wait3A_69] : memref<2x16x181x112xi32, #tpu.memory_space<hbm>> -> memref<1x1x181x112xi32, #tpu.memory_space<hbm>>
    %dma_wait3A_71 = tpu.memref_squeeze %dma_wait3A_70 : memref<1x1x181x112xi32, #tpu.memory_space<hbm>> -> memref<181x112xi32, #tpu.memory_space<hbm>>
    %dma_wait3A_72 = arith.constant 0 : i32
    %dma_wait3A_73 = arith.constant 0 : i32
    %dma_wait3A_74 = tpu.memref_slice %arg3[%dma_wait3A, %arg1, %dma_wait3A_72, %dma_wait3A_73] : memref<2x16x181x112xi32, #tpu.memory_space<hbm>> -> memref<1x1x181x112xi32, #tpu.memory_space<hbm>>
    %dma_wait3A_75 = tpu.memref_squeeze %dma_wait3A_74 : memref<1x1x181x112xi32, #tpu.memory_space<hbm>> -> memref<181x112xi32, #tpu.memory_space<hbm>>
    tpu.wait_dma2 semaphore(%arg18 : memref<!tpu.dma_semaphore, #tpu.memory_space<semaphore_mem>>) src(%dma_wait3A_75 : memref<181x112xi32, #tpu.memory_space<hbm>>) dst(%arg9 : memref<181x112xi32, #tpu.memory_space<vmem>>)
    %dma_wait3A_76 = arith.constant 1 : i32
    %dma_wait3A_77 = arith.constant 0 : i32
    %dma_wait3A_78 = arith.constant 0 : i32
    %dma_wait3A_79 = tpu.memref_slice %arg3[%dma_wait3A_76, %arg1, %dma_wait3A_77, %dma_wait3A_78] : memref<2x16x181x112xi32, #tpu.memory_space<hbm>> -> memref<1x1x181x112xi32, #tpu.memory_space<hbm>>
    %dma_wait3A_80 = tpu.memref_squeeze %dma_wait3A_79 : memref<1x1x181x112xi32, #tpu.memory_space<hbm>> -> memref<181x112xi32, #tpu.memory_space<hbm>>
    %dma_wait3A_81 = arith.constant 0 : i32
    %dma_wait3A_82 = arith.constant 0 : i32
    %dma_wait3A_83 = tpu.memref_slice %arg3[%dma_wait3A_76, %arg1, %dma_wait3A_81, %dma_wait3A_82] : memref<2x16x181x112xi32, #tpu.memory_space<hbm>> -> memref<1x1x181x112xi32, #tpu.memory_space<hbm>>
    %dma_wait3A_84 = tpu.memref_squeeze %dma_wait3A_83 : memref<1x1x181x112xi32, #tpu.memory_space<hbm>> -> memref<181x112xi32, #tpu.memory_space<hbm>>
    tpu.wait_dma2 semaphore(%arg19 : memref<!tpu.dma_semaphore, #tpu.memory_space<semaphore_mem>>) src(%dma_wait3A_84 : memref<181x112xi32, #tpu.memory_space<hbm>>) dst(%arg10 : memref<181x112xi32, #tpu.memory_space<vmem>>)
    %dma_wait3A_85 = arith.constant 0 : i32
    %dma_wait3A_86 = arith.constant 0 : i32
    %dma_wait3A_87 = tpu.memref_slice %arg4[%arg1, %dma_wait3A_85, %dma_wait3A_86] : memref<16x181x112xi32, #tpu.memory_space<hbm>> -> memref<1x181x112xi32, #tpu.memory_space<hbm>>
    %dma_wait3A_88 = tpu.memref_squeeze %dma_wait3A_87 : memref<1x181x112xi32, #tpu.memory_space<hbm>> -> memref<181x112xi32, #tpu.memory_space<hbm>>
    %dma_wait3A_89 = arith.constant 0 : i32
    %dma_wait3A_90 = arith.constant 0 : i32
    %dma_wait3A_91 = tpu.memref_slice %arg4[%arg1, %dma_wait3A_89, %dma_wait3A_90] : memref<16x181x112xi32, #tpu.memory_space<hbm>> -> memref<1x181x112xi32, #tpu.memory_space<hbm>>
    %dma_wait3A_92 = tpu.memref_squeeze %dma_wait3A_91 : memref<1x181x112xi32, #tpu.memory_space<hbm>> -> memref<181x112xi32, #tpu.memory_space<hbm>>
    tpu.wait_dma2 semaphore(%arg22 : memref<!tpu.dma_semaphore, #tpu.memory_space<semaphore_mem>>) src(%dma_wait3A_92 : memref<181x112xi32, #tpu.memory_space<hbm>>) dst(%arg11 : memref<181x112xi32, #tpu.memory_space<vmem>>)
    %mul3A_93 = arith.constant 80000 : i32
    %mul3A_94 = arith.muli %arg0, %mul3A_93 : i32
    %get3A = arith.constant 0 : i32
    %get3A_95 = arith.index_cast %get3A : i32 to index
    %get3A_96 = arith.constant 0 : index
    %get3A_97 = tpu.vector_load %arg9[%get3A_95, %get3A_96] {strides = array<i32>} : memref<181x112xi32, #tpu.memory_space<vmem>>, vector<1x16xi32>,
    %get3A_98 = vector.shape_cast %get3A_97 : vector<1x16xi32> to vector<16xi32>
    %mul3A_99 = arith.constant 2 : i32
    %mul3A_100 = vector.broadcast %mul3A_99 : i32 to vector<16xi32>
    %mul3A_101 = arith.muli %get3A_98, %mul3A_100 : vector<16xi32>
    %add3A = vector.broadcast %arg0 : i32 to vector<16xi32>
    %add3A_102 = arith.addi %mul3A_101, %add3A : vector<16xi32>
    %swap3A_103 = arith.constant 0 : i32
    %swap3A_104 = arith.index_cast %swap3A_103 : i32 to index
    %swap3A_105 = arith.constant 0 : index
    %swap3A_106 = tpu.vector_load %arg9[%swap3A_104, %swap3A_105] {strides = array<i32>} : memref<181x112xi32, #tpu.memory_space<vmem>>, vector<1x16xi32>,
    %swap3A_107 = vector.shape_cast %swap3A_106 : vector<1x16xi32> to vector<16xi32>
    %swap3A_108 = vector.shape_cast %add3A_102 : vector<16xi32> to vector<1x16xi32>
    tpu.vector_store %arg9[%swap3A_104, %swap3A_105], %swap3A_108 {strides = array<i32>} : memref<181x112xi32, #tpu.memory_space<vmem>>, vector<1x16xi32>,
    %get3A_109 = arith.constant 0 : i32
    %get3A_110 = arith.index_cast %get3A_109 : i32 to index
    %get3A_111 = arith.constant 0 : index
    %get3A_112 = tpu.vector_load %arg10[%get3A_110, %get3A_111] {strides = array<i32>} : memref<181x112xi32, #tpu.memory_space<vmem>>, vector<1x16xi32>,
    %get3A_113 = vector.shape_cast %get3A_112 : vector<1x16xi32> to vector<16xi32>
    %mul3A_114 = arith.constant 16 : i32
    %mul3A_115 = vector.broadcast %mul3A_114 : i32 to vector<16xi32>
    %mul3A_116 = arith.muli %get3A_113, %mul3A_115 : vector<16xi32>
    %get3A_117 = arith.constant 0 : i32
    %get3A_118 = arith.index_cast %get3A_117 : i32 to index
    %get3A_119 = arith.constant 0 : index
    %get3A_120 = tpu.vector_load %arg11[%get3A_118, %get3A_119] {strides = array<i32>} : memref<181x112xi32, #tpu.memory_space<vmem>>, vector<1x16xi32>,
    %get3A_121 = vector.shape_cast %get3A_120 : vector<1x16xi32> to vector<16xi32>
    %add3A_122 = arith.addi %mul3A_116, %get3A_121 : vector<16xi32>
    %sub3A = vector.broadcast %mul3A_94 : i32 to vector<16xi32>
    %sub3A_123 = arith.subi %add3A_122, %sub3A : vector<16xi32>
    %ge3A = arith.constant 0 : i32
    %ge3A_124 = vector.broadcast %ge3A : i32 to vector<16xi32>
    %ge3A_125 = arith.cmpi sge, %sub3A_123, %ge3A_124 : vector<16xi32>
    %lt3A = arith.constant 80000 : i32
    %lt3A_126 = vector.broadcast %lt3A : i32 to vector<16xi32>
    %lt3A_127 = arith.cmpi slt, %sub3A_123, %lt3A_126 : vector<16xi32>
    %and3A = arith.andi %ge3A_125, %lt3A_127 : vector<16xi1>
    %and3A_128 = arith.constant 1023 : i32
    %and3A_129 = vector.broadcast %and3A_128 : i32 to vector<16xi32>
    %and3A_130 = arith.andi %add3A_122, %and3A_129 : vector<16xi32>
    %add3A_131 = arith.constant 80000 : i32
    %add3A_132 = vector.broadcast %add3A_131 : i32 to vector<16xi32>
    %add3A_133 = arith.addi %add3A_132, %and3A_130 : vector<16xi32>
    %select_n3A = arith.select %and3A, %sub3A_123, %add3A_133 : vector<16xi1>, vector<16xi32>
    %swap3A_134 = arith.constant 0 : i32
    %swap3A_135 = arith.index_cast %swap3A_134 : i32 to index
    %swap3A_136 = arith.constant 0 : index
    %swap3A_137 = tpu.vector_load %arg11[%swap3A_135, %swap3A_136] {strides = array<i32>} : memref<181x112xi32, #tpu.memory_space<vmem>>, vector<1x16xi32>,
    %swap3A_138 = vector.shape_cast %swap3A_137 : vector<1x16xi32> to vector<16xi32>
    %swap3A_139 = vector.shape_cast %select_n3A : vector<16xi32> to vector<1x16xi32>
    tpu.vector_store %arg11[%swap3A_135, %swap3A_136], %swap3A_139 {strides = array<i32>} : memref<181x112xi32, #tpu.memory_space<vmem>>, vector<1x16xi32>,
    %get3A_140 = arith.constant 0 : i32
    %get3A_141 = arith.index_cast %get3A_140 : i32 to index
    %get3A_142 = arith.constant 16 : index
    %get3A_143 = tpu.vector_load %arg9[%get3A_141, %get3A_142] {strides = array<i32>} : memref<181x112xi32, #tpu.memory_space<vmem>>, vector<1x16xi32>,
    %get3A_144 = vector.shape_cast %get3A_143 : vector<1x16xi32> to vector<16xi32>
    %mul3A_145 = arith.constant 2 : i32
    %mul3A_146 = vector.broadcast %mul3A_145 : i32 to vector<16xi32>
    %mul3A_147 = arith.muli %get3A_144, %mul3A_146 : vector<16xi32>
    %add3A_148 = vector.broadcast %arg0 : i32 to vector<16xi32>
    %add3A_149 = arith.addi %mul3A_147, %add3A_148 : vector<16xi32>
    %swap3A_150 = arith.constant 0 : i32
    %swap3A_151 = arith.index_cast %swap3A_150 : i32 to index
    %swap3A_152 = arith.constant 16 : index
    %swap3A_153 = tpu.vector_load %arg9[%swap3A_151, %swap3A_152] {strides = array<i32>} : memref<181x112xi32, #tpu.memory_space<vmem>>, vector<1x16xi32>,
    %swap3A_154 = vector.shape_cast %swap3A_153 : vector<1x16xi32> to vector<16xi32>
    %swap3A_155 = vector.shape_cast %add3A_149 : vector<16xi32> to vector<1x16xi32>
    tpu.vector_store %arg9[%swap3A_151, %swap3A_152], %swap3A_155 {strides = array<i32>} : memref<181x112xi32, #tpu.memory_space<vmem>>, vector<1x16xi32>,
    %get3A_156 = arith.constant 0 : i32
    %get3A_157 = arith.index_cast %get3A_156 : i32 to index
    %get3A_158 = arith.constant 16 : index
    %get3A_159 = tpu.vector_load %arg10[%get3A_157, %get3A_158] {strides = array<i32>} : memref<181x112xi32, #tpu.memory_space<vmem>>, vector<1x16xi32>,
    %get3A_160 = vector.shape_cast %get3A_159 : vector<1x16xi32> to vector<16xi32>
    %mul3A_161 = arith.constant 16 : i32
    %mul3A_162 = vector.broadcast %mul3A_161 : i32 to vector<16xi32>
    %mul3A_163 = arith.muli %get3A_160, %mul3A_162 : vector<16xi32>
    %get3A_164 = arith.constant 0 : i32
    %get3A_165 = arith.index_cast %get3A_164 : i32 to index
    %get3A_166 = arith.constant 16 : index
    %get3A_167 = tpu.vector_load %arg11[%get3A_165, %get3A_166] {strides = array<i32>} : memref<181x112xi32, #tpu.memory_space<vmem>>, vector<1x16xi32>,
    %get3A_168 = vector.shape_cast %get3A_167 : vector<1x16xi32> to vector<16xi32>
    %add3A_169 = arith.addi %mul3A_163, %get3A_168 : vector<16xi32>
    %sub3A_170 = vector.broadcast %mul3A_94 : i32 to vector<16xi32>
    %sub3A_171 = arith.subi %add3A_169, %sub3A_170 : vector<16xi32>
    %ge3A_172 = arith.constant 0 : i32
    %ge3A_173 = vector.broadcast %ge3A_172 : i32 to vector<16xi32>
    %ge3A_174 = arith.cmpi sge, %sub3A_171, %ge3A_173 : vector<16xi32>
    %lt3A_175 = arith.constant 80000 : i32
    %lt3A_176 = vector.broadcast %lt3A_175 : i32 to vector<16xi32>
    %lt3A_177 = arith.cmpi slt, %sub3A_171, %lt3A_176 : vector<16xi32>
    %and3A_178 = arith.andi %ge3A_174, %lt3A_177 : vector<16xi1>
    %and3A_179 = arith.constant 1023 : i32
    %and3A_180 = vector.broadcast %and3A_179 : i32 to vector<16xi32>
    %and3A_181 = arith.andi %add3A_169, %and3A_180 : vector<16xi32>
    %add3A_182 = arith.constant 80000 : i32
    %add3A_183 = vector.broadcast %add3A_182 : i32 to vector<16xi32>
    %add3A_184 = arith.addi %add3A_183, %and3A_181 : vector<16xi32>
    %select_n3A_185 = arith.select %and3A_178, %sub3A_171, %add3A_184 : vector<16xi1>, vector<16xi32>
    %swap3A_186 = arith.constant 0 : i32
    %swap3A_187 = arith.index_cast %swap3A_186 : i32 to index
    %swap3A_188 = arith.constant 16 : index
    %swap3A_189 = tpu.vector_load %arg11[%swap3A_187, %swap3A_188] {strides = array<i32>} : memref<181x112xi32, #tpu.memory_space<vmem>>, vector<1x16xi32>,
    %swap3A_190 = vector.shape_cast %swap3A_189 : vector<1x16xi32> to vector<16xi32>
    %swap3A_191 = vector.shape_cast %select_n3A_185 : vector<16xi32> to vector<1x16xi32>
    tpu.vector_store %arg11[%swap3A_187, %swap3A_188], %swap3A_191 {strides = array<i32>} : memref<181x112xi32, #tpu.memory_space<vmem>>, vector<1x16xi32>,
    %get3A_192 = arith.constant 0 : i32
    %get3A_193 = arith.index_cast %get3A_192 : i32 to index
    %get3A_194 = arith.constant 32 : index
    %get3A_195 = tpu.vector_load %arg9[%get3A_193, %get3A_194] {strides = array<i32>} : memref<181x112xi32, #tpu.memory_space<vmem>>, vector<1x16xi32>,
    %get3A_196 = vector.shape_cast %get3A_195 : vector<1x16xi32> to vector<16xi32>
    %mul3A_197 = arith.constant 2 : i32
    %mul3A_198 = vector.broadcast %mul3A_197 : i32 to vector<16xi32>
    %mul3A_199 = arith.muli %get3A_196, %mul3A_198 : vector<16xi32>
    %add3A_200 = vector.broadcast %arg0 : i32 to vector<16xi32>
    %add3A_201 = arith.addi %mul3A_199, %add3A_200 : vector<16xi32>
    %swap3A_202 = arith.constant 0 : i32
    %swap3A_203 = arith.index_cast %swap3A_202 : i32 to index
    %swap3A_204 = arith.constant 32 : index
    %swap3A_205 = tpu.vector_load %arg9[%swap3A_203, %swap3A_204] {strides = array<i32>} : memref<181x112xi32, #tpu.memory_space<vmem>>, vector<1x16xi32>,
    %swap3A_206 = vector.shape_cast %swap3A_205 : vector<1x16xi32> to vector<16xi32>
    %swap3A_207 = vector.shape_cast %add3A_201 : vector<16xi32> to vector<1x16xi32>
    tpu.vector_store %arg9[%swap3A_203, %swap3A_204], %swap3A_207 {strides = array<i32>} : memref<181x112xi32, #tpu.memory_space<vmem>>, vector<1x16xi32>,
    %get3A_208 = arith.constant 0 : i32
    %get3A_209 = arith.index_cast %get3A_208 : i32 to index
    %get3A_210 = arith.constant 32 : index
    %get3A_211 = tpu.vector_load %arg10[%get3A_209, %get3A_210] {strides = array<i32>} : memref<181x112xi32, #tpu.memory_space<vmem>>, vector<1x16xi32>,
    %get3A_212 = vector.shape_cast %get3A_211 : vector<1x16xi32> to vector<16xi32>
    %mul3A_213 = arith.constant 16 : i32
    %mul3A_214 = vector.broadcast %mul3A_213 : i32 to vector<16xi32>
    %mul3A_215 = arith.muli %get3A_212, %mul3A_214 : vector<16xi32>
    %get3A_216 = arith.constant 0 : i32
    %get3A_217 = arith.index_cast %get3A_216 : i32 to index
    %get3A_218 = arith.constant 32 : index
    %get3A_219 = tpu.vector_load %arg11[%get3A_217, %get3A_218] {strides = array<i32>} : memref<181x112xi32, #tpu.memory_space<vmem>>, vector<1x16xi32>,
    %get3A_220 = vector.shape_cast %get3A_219 : vector<1x16xi32> to vector<16xi32>
    %add3A_221 = arith.addi %mul3A_215, %get3A_220 : vector<16xi32>
    %sub3A_222 = vector.broadcast %mul3A_94 : i32 to vector<16xi32>
    %sub3A_223 = arith.subi %add3A_221, %sub3A_222 : vector<16xi32>
    %ge3A_224 = arith.constant 0 : i32
    %ge3A_225 = vector.broadcast %ge3A_224 : i32 to vector<16xi32>
    %ge3A_226 = arith.cmpi sge, %sub3A_223, %ge3A_225 : vector<16xi32>
    %lt3A_227 = arith.constant 80000 : i32
    %lt3A_228 = vector.broadcast %lt3A_227 : i32 to vector<16xi32>
    %lt3A_229 = arith.cmpi slt, %sub3A_223, %lt3A_228 : vector<16xi32>
    %and3A_230 = arith.andi %ge3A_226, %lt3A_229 : vector<16xi1>
    %and3A_231 = arith.constant 1023 : i32
    %and3A_232 = vector.broadcast %and3A_231 : i32 to vector<16xi32>
    %and3A_233 = arith.andi %add3A_221, %and3A_232 : vector<16xi32>
    %add3A_234 = arith.constant 80000 : i32
    %add3A_235 = vector.broadcast %add3A_234 : i32 to vector<16xi32>
    %add3A_236 = arith.addi %add3A_235, %and3A_233 : vector<16xi32>
    %select_n3A_237 = arith.select %and3A_230, %sub3A_223, %add3A_236 : vector<16xi1>, vector<16xi32>
    %swap3A_238 = arith.constant 0 : i32
    %swap3A_239 = arith.index_cast %swap3A_238 : i32 to index
    %swap3A_240 = arith.constant 32 : index
    %swap3A_241 = tpu.vector_load %arg11[%swap3A_239, %swap3A_240] {strides = array<i32>} : memref<181x112xi32, #tpu.memory_space<vmem>>, vector<1x16xi32>,
    %swap3A_242 = vector.shape_cast %swap3A_241 : vector<1x16xi32> to vector<16xi32>
    %swap3A_243 = vector.shape_cast %select_n3A_237 : vector<16xi32> to vector<1x16xi32>
    tpu.vector_store %arg11[%swap3A_239, %swap3A_240], %swap3A_243 {strides = array<i32>} : memref<181x112xi32, #tpu.memory_space<vmem>>, vector<1x16xi32>,
    %get3A_244 = arith.constant 0 : i32
    %get3A_245 = arith.index_cast %get3A_244 : i32 to index
    %get3A_246 = arith.constant 48 : index
    %get3A_247 = tpu.vector_load %arg9[%get3A_245, %get3A_246] {strides = array<i32>} : memref<181x112xi32, #tpu.memory_space<vmem>>, vector<1x16xi32>,
    %get3A_248 = vector.shape_cast %get3A_247 : vector<1x16xi32> to vector<16xi32>
    %mul3A_249 = arith.constant 2 : i32
    %mul3A_250 = vector.broadcast %mul3A_249 : i32 to vector<16xi32>
    %mul3A_251 = arith.muli %get3A_248, %mul3A_250 : vector<16xi32>
    %add3A_252 = vector.broadcast %arg0 : i32 to vector<16xi32>
    %add3A_253 = arith.addi %mul3A_251, %add3A_252 : vector<16xi32>
    %swap3A_254 = arith.constant 0 : i32
    %swap3A_255 = arith.index_cast %swap3A_254 : i32 to index
    %swap3A_256 = arith.constant 48 : index
    %swap3A_257 = tpu.vector_load %arg9[%swap3A_255, %swap3A_256] {strides = array<i32>} : memref<181x112xi32, #tpu.memory_space<vmem>>, vector<1x16xi32>,
    %swap3A_258 = vector.shape_cast %swap3A_257 : vector<1x16xi32> to vector<16xi32>
    %swap3A_259 = vector.shape_cast %add3A_253 : vector<16xi32> to vector<1x16xi32>
    tpu.vector_store %arg9[%swap3A_255, %swap3A_256], %swap3A_259 {strides = array<i32>} : memref<181x112xi32, #tpu.memory_space<vmem>>, vector<1x16xi32>,
    %get3A_260 = arith.constant 0 : i32
    %get3A_261 = arith.index_cast %get3A_260 : i32 to index
    %get3A_262 = arith.constant 48 : index
    %get3A_263 = tpu.vector_load %arg10[%get3A_261, %get3A_262] {strides = array<i32>} : memref<181x112xi32, #tpu.memory_space<vmem>>, vector<1x16xi32>,
    %get3A_264 = vector.shape_cast %get3A_263 : vector<1x16xi32> to vector<16xi32>
    %mul3A_265 = arith.constant 16 : i32
    %mul3A_266 = vector.broadcast %mul3A_265 : i32 to vector<16xi32>
    %mul3A_267 = arith.muli %get3A_264, %mul3A_266 : vector<16xi32>
    %get3A_268 = arith.constant 0 : i32
    %get3A_269 = arith.index_cast %get3A_268 : i32 to index
    %get3A_270 = arith.constant 48 : index
    %get3A_271 = tpu.vector_load %arg11[%get3A_269, %get3A_270] {strides = array<i32>} : memref<181x112xi32, #tpu.memory_space<vmem>>, vector<1x16xi32>,
    %get3A_272 = vector.shape_cast %get3A_271 : vector<1x16xi32> to vector<16xi32>
    %add3A_273 = arith.addi %mul3A_267, %get3A_272 : vector<16xi32>
    %sub3A_274 = vector.broadcast %mul3A_94 : i32 to vector<16xi32>
    %sub3A_275 = arith.subi %add3A_273, %sub3A_274 : vector<16xi32>
    %ge3A_276 = arith.constant 0 : i32
    %ge3A_277 = vector.broadcast %ge3A_276 : i32 to vector<16xi32>
    %ge3A_278 = arith.cmpi sge, %sub3A_275, %ge3A_277 : vector<16xi32>
    %lt3A_279 = arith.constant 80000 : i32
    %lt3A_280 = vector.broadcast %lt3A_279 : i32 to vector<16xi32>
    %lt3A_281 = arith.cmpi slt, %sub3A_275, %lt3A_280 : vector<16xi32>
    %and3A_282 = arith.andi %ge3A_278, %lt3A_281 : vector<16xi1>
    %and3A_283 = arith.constant 1023 : i32
    %and3A_284 = vector.broadcast %and3A_283 : i32 to vector<16xi32>
    %and3A_285 = arith.andi %add3A_273, %and3A_284 : vector<16xi32>
    %add3A_286 = arith.constant 80000 : i32
    %add3A_287 = vector.broadcast %add3A_286 : i32 to vector<16xi32>
    %add3A_288 = arith.addi %add3A_287, %and3A_285 : vector<16xi32>
    %select_n3A_289 = arith.select %and3A_282, %sub3A_275, %add3A_288 : vector<16xi1>, vector<16xi32>
    %swap3A_290 = arith.constant 0 : i32
    %swap3A_291 = arith.index_cast %swap3A_290 : i32 to index
    %swap3A_292 = arith.constant 48 : index
    %swap3A_293 = tpu.vector_load %arg11[%swap3A_291, %swap3A_292] {strides = array<i32>} : memref<181x112xi32, #tpu.memory_space<vmem>>, vector<1x16xi32>,
    %swap3A_294 = vector.shape_cast %swap3A_293 : vector<1x16xi32> to vector<16xi32>
    %swap3A_295 = vector.shape_cast %select_n3A_289 : vector<16xi32> to vector<1x16xi32>
    tpu.vector_store %arg11[%swap3A_291, %swap3A_292], %swap3A_295 {strides = array<i32>} : memref<181x112xi32, #tpu.memory_space<vmem>>, vector<1x16xi32>,
    %get3A_296 = arith.constant 0 : i32
    %get3A_297 = arith.index_cast %get3A_296 : i32 to index
    %get3A_298 = arith.constant 64 : index
    %get3A_299 = tpu.vector_load %arg9[%get3A_297, %get3A_298] {strides = array<i32>} : memref<181x112xi32, #tpu.memory_space<vmem>>, vector<1x16xi32>,
    %get3A_300 = vector.shape_cast %get3A_299 : vector<1x16xi32> to vector<16xi32>
    %mul3A_301 = arith.constant 2 : i32
    %mul3A_302 = vector.broadcast %mul3A_301 : i32 to vector<16xi32>
    %mul3A_303 = arith.muli %get3A_300, %mul3A_302 : vector<16xi32>
    %add3A_304 = vector.broadcast %arg0 : i32 to vector<16xi32>
    %add3A_305 = arith.addi %mul3A_303, %add3A_304 : vector<16xi32>
    %swap3A_306 = arith.constant 0 : i32
    %swap3A_307 = arith.index_cast %swap3A_306 : i32 to index
    %swap3A_308 = arith.constant 64 : index
    %swap3A_309 = tpu.vector_load %arg9[%swap3A_307, %swap3A_308] {strides = array<i32>} : memref<181x112xi32, #tpu.memory_space<vmem>>, vector<1x16xi32>,
    %swap3A_310 = vector.shape_cast %swap3A_309 : vector<1x16xi32> to vector<16xi32>
    %swap3A_311 = vector.shape_cast %add3A_305 : vector<16xi32> to vector<1x16xi32>
    tpu.vector_store %arg9[%swap3A_307, %swap3A_308], %swap3A_311 {strides = array<i32>} : memref<181x112xi32, #tpu.memory_space<vmem>>, vector<1x16xi32>,
    %get3A_312 = arith.constant 0 : i32
    %get3A_313 = arith.index_cast %get3A_312 : i32 to index
    %get3A_314 = arith.constant 64 : index
    %get3A_315 = tpu.vector_load %arg10[%get3A_313, %get3A_314] {strides = array<i32>} : memref<181x112xi32, #tpu.memory_space<vmem>>, vector<1x16xi32>,
    %get3A_316 = vector.shape_cast %get3A_315 : vector<1x16xi32> to vector<16xi32>
    %mul3A_317 = arith.constant 16 : i32
    %mul3A_318 = vector.broadcast %mul3A_317 : i32 to vector<16xi32>
    %mul3A_319 = arith.muli %get3A_316, %mul3A_318 : vector<16xi32>
    %get3A_320 = arith.constant 0 : i32
    %get3A_321 = arith.index_cast %get3A_320 : i32 to index
    %get3A_322 = arith.constant 64 : index
    %get3A_323 = tpu.vector_load %arg11[%get3A_321, %get3A_322] {strides = array<i32>} : memref<181x112xi32, #tpu.memory_space<vmem>>, vector<1x16xi32>,
    %get3A_324 = vector.shape_cast %get3A_323 : vector<1x16xi32> to vector<16xi32>
    %add3A_325 = arith.addi %mul3A_319, %get3A_324 : vector<16xi32>
    %sub3A_326 = vector.broadcast %mul3A_94 : i32 to vector<16xi32>
    %sub3A_327 = arith.subi %add3A_325, %sub3A_326 : vector<16xi32>
    %ge3A_328 = arith.constant 0 : i32
    %ge3A_329 = vector.broadcast %ge3A_328 : i32 to vector<16xi32>
    %ge3A_330 = arith.cmpi sge, %sub3A_327, %ge3A_329 : vector<16xi32>
    %lt3A_331 = arith.constant 80000 : i32
    %lt3A_332 = vector.broadcast %lt3A_331 : i32 to vector<16xi32>
    %lt3A_333 = arith.cmpi slt, %sub3A_327, %lt3A_332 : vector<16xi32>
    %and3A_334 = arith.andi %ge3A_330, %lt3A_333 : vector<16xi1>
    %and3A_335 = arith.constant 1023 : i32
    %and3A_336 = vector.broadcast %and3A_335 : i32 to vector<16xi32>
    %and3A_337 = arith.andi %add3A_325, %and3A_336 : vector<16xi32>
    %add3A_338 = arith.constant 80000 : i32
    %add3A_339 = vector.broadcast %add3A_338 : i32 to vector<16xi32>
    %add3A_340 = arith.addi %add3A_339, %and3A_337 : vector<16xi32>
    %select_n3A_341 = arith.select %and3A_334, %sub3A_327, %add3A_340 : vector<16xi1>, vector<16xi32>
    %swap3A_342 = arith.constant 0 : i32
    %swap3A_343 = arith.index_cast %swap3A_342 : i32 to index
    %swap3A_344 = arith.constant 64 : index
    %swap3A_345 = tpu.vector_load %arg11[%swap3A_343, %swap3A_344] {strides = array<i32>} : memref<181x112xi32, #tpu.memory_space<vmem>>, vector<1x16xi32>,
    %swap3A_346 = vector.shape_cast %swap3A_345 : vector<1x16xi32> to vector<16xi32>
    %swap3A_347 = vector.shape_cast %select_n3A_341 : vector<16xi32> to vector<1x16xi32>
    tpu.vector_store %arg11[%swap3A_343, %swap3A_344], %swap3A_347 {strides = array<i32>} : memref<181x112xi32, #tpu.memory_space<vmem>>, vector<1x16xi32>,
    %get3A_348 = arith.constant 0 : i32
    %get3A_349 = arith.index_cast %get3A_348 : i32 to index
    %get3A_350 = arith.constant 80 : index
    %get3A_351 = tpu.vector_load %arg9[%get3A_349, %get3A_350] {strides = array<i32>} : memref<181x112xi32, #tpu.memory_space<vmem>>, vector<1x16xi32>,
    %get3A_352 = vector.shape_cast %get3A_351 : vector<1x16xi32> to vector<16xi32>
    %mul3A_353 = arith.constant 2 : i32
    %mul3A_354 = vector.broadcast %mul3A_353 : i32 to vector<16xi32>
    %mul3A_355 = arith.muli %get3A_352, %mul3A_354 : vector<16xi32>
    %add3A_356 = vector.broadcast %arg0 : i32 to vector<16xi32>
    %add3A_357 = arith.addi %mul3A_355, %add3A_356 : vector<16xi32>
    %swap3A_358 = arith.constant 0 : i32
    %swap3A_359 = arith.index_cast %swap3A_358 : i32 to index
    %swap3A_360 = arith.constant 80 : index
    %swap3A_361 = tpu.vector_load %arg9[%swap3A_359, %swap3A_360] {strides = array<i32>} : memref<181x112xi32, #tpu.memory_space<vmem>>, vector<1x16xi32>,
    %swap3A_362 = vector.shape_cast %swap3A_361 : vector<1x16xi32> to vector<16xi32>
    %swap3A_363 = vector.shape_cast %add3A_357 : vector<16xi32> to vector<1x16xi32>
    tpu.vector_store %arg9[%swap3A_359, %swap3A_360], %swap3A_363 {strides = array<i32>} : memref<181x112xi32, #tpu.memory_space<vmem>>, vector<1x16xi32>,
    %get3A_364 = arith.constant 0 : i32
    %get3A_365 = arith.index_cast %get3A_364 : i32 to index
    %get3A_366 = arith.constant 80 : index
    %get3A_367 = tpu.vector_load %arg10[%get3A_365, %get3A_366] {strides = array<i32>} : memref<181x112xi32, #tpu.memory_space<vmem>>, vector<1x16xi32>,
    %get3A_368 = vector.shape_cast %get3A_367 : vector<1x16xi32> to vector<16xi32>
    %mul3A_369 = arith.constant 16 : i32
    %mul3A_370 = vector.broadcast %mul3A_369 : i32 to vector<16xi32>
    %mul3A_371 = arith.muli %get3A_368, %mul3A_370 : vector<16xi32>
    %get3A_372 = arith.constant 0 : i32
    %get3A_373 = arith.index_cast %get3A_372 : i32 to index
    %get3A_374 = arith.constant 80 : index
    %get3A_375 = tpu.vector_load %arg11[%get3A_373, %get3A_374] {strides = array<i32>} : memref<181x112xi32, #tpu.memory_space<vmem>>, vector<1x16xi32>,
    %get3A_376 = vector.shape_cast %get3A_375 : vector<1x16xi32> to vector<16xi32>
    %add3A_377 = arith.addi %mul3A_371, %get3A_376 : vector<16xi32>
    %sub3A_378 = vector.broadcast %mul3A_94 : i32 to vector<16xi32>
    %sub3A_379 = arith.subi %add3A_377, %sub3A_378 : vector<16xi32>
    %ge3A_380 = arith.constant 0 : i32
    %ge3A_381 = vector.broadcast %ge3A_380 : i32 to vector<16xi32>
    %ge3A_382 = arith.cmpi sge, %sub3A_379, %ge3A_381 : vector<16xi32>
    %lt3A_383 = arith.constant 80000 : i32
    %lt3A_384 = vector.broadcast %lt3A_383 : i32 to vector<16xi32>
    %lt3A_385 = arith.cmpi slt, %sub3A_379, %lt3A_384 : vector<16xi32>
    %and3A_386 = arith.andi %ge3A_382, %lt3A_385 : vector<16xi1>
    %and3A_387 = arith.constant 1023 : i32
    %and3A_388 = vector.broadcast %and3A_387 : i32 to vector<16xi32>
    %and3A_389 = arith.andi %add3A_377, %and3A_388 : vector<16xi32>
    %add3A_390 = arith.constant 80000 : i32
    %add3A_391 = vector.broadcast %add3A_390 : i32 to vector<16xi32>
    %add3A_392 = arith.addi %add3A_391, %and3A_389 : vector<16xi32>
    %select_n3A_393 = arith.select %and3A_386, %sub3A_379, %add3A_392 : vector<16xi1>, vector<16xi32>
    %swap3A_394 = arith.constant 0 : i32
    %swap3A_395 = arith.index_cast %swap3A_394 : i32 to index
    %swap3A_396 = arith.constant 80 : index
    %swap3A_397 = tpu.vector_load %arg11[%swap3A_395, %swap3A_396] {strides = array<i32>} : memref<181x112xi32, #tpu.memory_space<vmem>>, vector<1x16xi32>,
    %swap3A_398 = vector.shape_cast %swap3A_397 : vector<1x16xi32> to vector<16xi32>
    %swap3A_399 = vector.shape_cast %select_n3A_393 : vector<16xi32> to vector<1x16xi32>
    tpu.vector_store %arg11[%swap3A_395, %swap3A_396], %swap3A_399 {strides = array<i32>} : memref<181x112xi32, #tpu.memory_space<vmem>>, vector<1x16xi32>,
    %get3A_400 = arith.constant 0 : i32
    %get3A_401 = arith.index_cast %get3A_400 : i32 to index
    %get3A_402 = arith.constant 96 : index
    %get3A_403 = tpu.vector_load %arg9[%get3A_401, %get3A_402] {strides = array<i32>} : memref<181x112xi32, #tpu.memory_space<vmem>>, vector<1x16xi32>,
    %get3A_404 = vector.shape_cast %get3A_403 : vector<1x16xi32> to vector<16xi32>
    %mul3A_405 = arith.constant 2 : i32
    %mul3A_406 = vector.broadcast %mul3A_405 : i32 to vector<16xi32>
    %mul3A_407 = arith.muli %get3A_404, %mul3A_406 : vector<16xi32>
    %add3A_408 = vector.broadcast %arg0 : i32 to vector<16xi32>
    %add3A_409 = arith.addi %mul3A_407, %add3A_408 : vector<16xi32>
    %swap3A_410 = arith.constant 0 : i32
    %swap3A_411 = arith.index_cast %swap3A_410 : i32 to index
    %swap3A_412 = arith.constant 96 : index
    %swap3A_413 = tpu.vector_load %arg9[%swap3A_411, %swap3A_412] {strides = array<i32>} : memref<181x112xi32, #tpu.memory_space<vmem>>, vector<1x16xi32>,
    %swap3A_414 = vector.shape_cast %swap3A_413 : vector<1x16xi32> to vector<16xi32>
    %swap3A_415 = vector.shape_cast %add3A_409 : vector<16xi32> to vector<1x16xi32>
    tpu.vector_store %arg9[%swap3A_411, %swap3A_412], %swap3A_415 {strides = array<i32>} : memref<181x112xi32, #tpu.memory_space<vmem>>, vector<1x16xi32>,
    %get3A_416 = arith.constant 0 : i32
    %get3A_417 = arith.index_cast %get3A_416 : i32 to index
    %get3A_418 = arith.constant 96 : index
    %get3A_419 = tpu.vector_load %arg10[%get3A_417, %get3A_418] {strides = array<i32>} : memref<181x112xi32, #tpu.memory_space<vmem>>, vector<1x16xi32>,
    %get3A_420 = vector.shape_cast %get3A_419 : vector<1x16xi32> to vector<16xi32>
    %mul3A_421 = arith.constant 16 : i32
    %mul3A_422 = vector.broadcast %mul3A_421 : i32 to vector<16xi32>
    %mul3A_423 = arith.muli %get3A_420, %mul3A_422 : vector<16xi32>
    %get3A_424 = arith.constant 0 : i32
    %get3A_425 = arith.index_cast %get3A_424 : i32 to index
    %get3A_426 = arith.constant 96 : index
    %get3A_427 = tpu.vector_load %arg11[%get3A_425, %get3A_426] {strides = array<i32>} : memref<181x112xi32, #tpu.memory_space<vmem>>, vector<1x16xi32>,
    %get3A_428 = vector.shape_cast %get3A_427 : vector<1x16xi32> to vector<16xi32>
    %add3A_429 = arith.addi %mul3A_423, %get3A_428 : vector<16xi32>
    %sub3A_430 = vector.broadcast %mul3A_94 : i32 to vector<16xi32>
    %sub3A_431 = arith.subi %add3A_429, %sub3A_430 : vector<16xi32>
    %ge3A_432 = arith.constant 0 : i32
    %ge3A_433 = vector.broadcast %ge3A_432 : i32 to vector<16xi32>
    %ge3A_434 = arith.cmpi sge, %sub3A_431, %ge3A_433 : vector<16xi32>
    %lt3A_435 = arith.constant 80000 : i32
    %lt3A_436 = vector.broadcast %lt3A_435 : i32 to vector<16xi32>
    %lt3A_437 = arith.cmpi slt, %sub3A_431, %lt3A_436 : vector<16xi32>
    %and3A_438 = arith.andi %ge3A_434, %lt3A_437 : vector<16xi1>
    %and3A_439 = arith.constant 1023 : i32
    %and3A_440 = vector.broadcast %and3A_439 : i32 to vector<16xi32>
    %and3A_441 = arith.andi %add3A_429, %and3A_440 : vector<16xi32>
    %add3A_442 = arith.constant 80000 : i32
    %add3A_443 = vector.broadcast %add3A_442 : i32 to vector<16xi32>
    %add3A_444 = arith.addi %add3A_443, %and3A_441 : vector<16xi32>
    %select_n3A_445 = arith.select %and3A_438, %sub3A_431, %add3A_444 : vector<16xi1>, vector<16xi32>
    %swap3A_446 = arith.constant 0 : i32
    %swap3A_447 = arith.index_cast %swap3A_446 : i32 to index
    %swap3A_448 = arith.constant 96 : index
    %swap3A_449 = tpu.vector_load %arg11[%swap3A_447, %swap3A_448] {strides = array<i32>} : memref<181x112xi32, #tpu.memory_space<vmem>>, vector<1x16xi32>,
    %swap3A_450 = vector.shape_cast %swap3A_449 : vector<1x16xi32> to vector<16xi32>
    %swap3A_451 = vector.shape_cast %select_n3A_445 : vector<16xi32> to vector<1x16xi32>
    tpu.vector_store %arg11[%swap3A_447, %swap3A_448], %swap3A_451 {strides = array<i32>} : memref<181x112xi32, #tpu.memory_space<vmem>>, vector<1x16xi32>,
    %get3A_452 = arith.constant 1 : i32
    %get3A_453 = arith.index_cast %get3A_452 : i32 to index
    %get3A_454 = arith.constant 0 : index
    %get3A_455 = tpu.vector_load %arg9[%get3A_453, %get3A_454] {strides = array<i32>} : memref<181x112xi32, #tpu.memory_space<vmem>>, vector<1x16xi32>,
    %get3A_456 = vector.shape_cast %get3A_455 : vector<1x16xi32> to vector<16xi32>
    %mul3A_457 = arith.constant 2 : i32
    %mul3A_458 = vector.broadcast %mul3A_457 : i32 to vector<16xi32>
    %mul3A_459 = arith.muli %get3A_456, %mul3A_458 : vector<16xi32>
    %add3A_460 = vector.broadcast %arg0 : i32 to vector<16xi32>
    %add3A_461 = arith.addi %mul3A_459, %add3A_460 : vector<16xi32>
    %swap3A_462 = arith.constant 1 : i32
    %swap3A_463 = arith.index_cast %swap3A_462 : i32 to index
    %swap3A_464 = arith.constant 0 : index
    %swap3A_465 = tpu.vector_load %arg9[%swap3A_463, %swap3A_464] {strides = array<i32>} : memref<181x112xi32, #tpu.memory_space<vmem>>, vector<1x16xi32>,
    %swap3A_466 = vector.shape_cast %swap3A_465 : vector<1x16xi32> to vector<16xi32>
    %swap3A_467 = vector.shape_cast %add3A_461 : vector<16xi32> to vector<1x16xi32>
    tpu.vector_store %arg9[%swap3A_463, %swap3A_464], %swap3A_467 {strides = array<i32>} : memref<181x112xi32, #tpu.memory_space<vmem>>, vector<1x16xi32>,
    %get3A_468 = arith.constant 1 : i32
    %get3A_469 = arith.index_cast %get3A_468 : i32 to index
    %get3A_470 = arith.constant 0 : index
    %get3A_471 = tpu.vector_load %arg10[%get3A_469, %get3A_470] {strides = array<i32>} : memref<181x112xi32, #tpu.memory_space<vmem>>, vector<1x16xi32>,
    %get3A_472 = vector.shape_cast %get3A_471 : vector<1x16xi32> to vector<16xi32>
    %mul3A_473 = arith.constant 16 : i32
    %mul3A_474 = vector.broadcast %mul3A_473 : i32 to vector<16xi32>
    %mul3A_475 = arith.muli %get3A_472, %mul3A_474 : vector<16xi32>
    %get3A_476 = arith.constant 1 : i32
    %get3A_477 = arith.index_cast %get3A_476 : i32 to index
    %get3A_478 = arith.constant 0 : index
    %get3A_479 = tpu.vector_load %arg11[%get3A_477, %get3A_478] {strides = array<i32>} : memref<181x112xi32, #tpu.memory_space<vmem>>, vector<1x16xi32>,
    %get3A_480 = vector.shape_cast %get3A_479 : vector<1x16xi32> to vector<16xi32>
    %add3A_481 = arith.addi %mul3A_475, %get3A_480 : vector<16xi32>
    %sub3A_482 = vector.broadcast %mul3A_94 : i32 to vector<16xi32>
    %sub3A_483 = arith.subi %add3A_481, %sub3A_482 : vector<16xi32>
    %ge3A_484 = arith.constant 0 : i32
    %ge3A_485 = vector.broadcast %ge3A_484 : i32 to vector<16xi32>
    %ge3A_486 = arith.cmpi sge, %sub3A_483, %ge3A_485 : vector<16xi32>
    %lt3A_487 = arith.constant 80000 : i32
    %lt3A_488 = vector.broadcast %lt3A_487 : i32 to vector<16xi32>
    %lt3A_489 = arith.cmpi slt, %sub3A_483, %lt3A_488 : vector<16xi32>
    %and3A_490 = arith.andi %ge3A_486, %lt3A_489 : vector<16xi1>
    %and3A_491 = arith.constant 1023 : i32
    %and3A_492 = vector.broadcast %and3A_491 : i32 to vector<16xi32>
    %and3A_493 = arith.andi %add3A_481, %and3A_492 : vector<16xi32>
    %add3A_494 = arith.constant 80000 : i32
    %add3A_495 = vector.broadcast %add3A_494 : i32 to vector<16xi32>
    %add3A_496 = arith.addi %add3A_495, %and3A_493 : vector<16xi32>
    %select_n3A_497 = arith.select %and3A_490, %sub3A_483, %add3A_496 : vector<16xi1>, vector<16xi32>
    %swap3A_498 = arith.constant 1 : i32
    %swap3A_499 = arith.index_cast %swap3A_498 : i32 to index
    %swap3A_500 = arith.constant 0 : index
    %swap3A_501 = tpu.vector_load %arg11[%swap3A_499, %swap3A_500] {strides = array<i32>} : memref<181x112xi32, #tpu.memory_space<vmem>>, vector<1x16xi32>,
    %swap3A_502 = vector.shape_cast %swap3A_501 : vector<1x16xi32> to vector<16xi32>
    %swap3A_503 = vector.shape_cast %select_n3A_497 : vector<16xi32> to vector<1x16xi32>
    tpu.vector_store %arg11[%swap3A_499, %swap3A_500], %swap3A_503 {strides = array<i32>} : memref<181x112xi32, #tpu.memory_space<vmem>>, vector<1x16xi32>,
    %get3A_504 = arith.constant 1 : i32
    %get3A_505 = arith.index_cast %get3A_504 : i32 to index
    %get3A_506 = arith.constant 16 : index
    %get3A_507 = tpu.vector_load %arg9[%get3A_505, %get3A_506] {strides = array<i32>} : memref<181x112xi32, #tpu.memory_space<vmem>>, vector<1x16xi32>,
    %get3A_508 = vector.shape_cast %get3A_507 : vector<1x16xi32> to vector<16xi32>
    %mul3A_509 = arith.constant 2 : i32
    %mul3A_510 = vector.broadcast %mul3A_509 : i32 to vector<16xi32>
    %mul3A_511 = arith.muli %get3A_508, %mul3A_510 : vector<16xi32>
    %add3A_512 = vector.broadcast %arg0 : i32 to vector<16xi32>
    %add3A_513 = arith.addi %mul3A_511, %add3A_512 : vector<16xi32>
    %swap3A_514 = arith.constant 1 : i32
    %swap3A_515 = arith.index_cast %swap3A_514 : i32 to index
    %swap3A_516 = arith.constant 16 : index
    %swap3A_517 = tpu.vector_load %arg9[%swap3A_515, %swap3A_516] {strides = array<i32>} : memref<181x112xi32, #tpu.memory_space<vmem>>, vector<1x16xi32>,
    %swap3A_518 = vector.shape_cast %swap3A_517 : vector<1x16xi32> to vector<16xi32>
    %swap3A_519 = vector.shape_cast %add3A_513 : vector<16xi32> to vector<1x16xi32>
    tpu.vector_store %arg9[%swap3A_515, %swap3A_516], %swap3A_519 {strides = array<i32>} : memref<181x112xi32, #tpu.memory_space<vmem>>, vector<1x16xi32>,
    %get3A_520 = arith.constant 1 : i32
    %get3A_521 = arith.index_cast %get3A_520 : i32 to index
    %get3A_522 = arith.constant 16 : index
    %get3A_523 = tpu.vector_load %arg10[%get3A_521, %get3A_522] {strides = array<i32>} : memref<181x112xi32, #tpu.memory_space<vmem>>, vector<1x16xi32>,
    %get3A_524 = vector.shape_cast %get3A_523 : vector<1x16xi32> to vector<16xi32>
    %mul3A_525 = arith.constant 16 : i32
    %mul3A_526 = vector.broadcast %mul3A_525 : i32 to vector<16xi32>
    %mul3A_527 = arith.muli %get3A_524, %mul3A_526 : vector<16xi32>
    %get3A_528 = arith.constant 1 : i32
    %get3A_529 = arith.index_cast %get3A_528 : i32 to index
    %get3A_530 = arith.constant 16 : index
    %get3A_531 = tpu.vector_load %arg11[%get3A_529, %get3A_530] {strides = array<i32>} : memref<181x112xi32, #tpu.memory_space<vmem>>, vector<1x16xi32>,
    %get3A_532 = vector.shape_cast %get3A_531 : vector<1x16xi32> to vector<16xi32>
    %add3A_533 = arith.addi %mul3A_527, %get3A_532 : vector<16xi32>
    %sub3A_534 = vector.broadcast %mul3A_94 : i32 to vector<16xi32>
    %sub3A_535 = arith.subi %add3A_533, %sub3A_534 : vector<16xi32>
    %ge3A_536 = arith.constant 0 : i32
    %ge3A_537 = vector.broadcast %ge3A_536 : i32 to vector<16xi32>
    %ge3A_538 = arith.cmpi sge, %sub3A_535, %ge3A_537 : vector<16xi32>
    %lt3A_539 = arith.constant 80000 : i32
    %lt3A_540 = vector.broadcast %lt3A_539 : i32 to vector<16xi32>
    %lt3A_541 = arith.cmpi slt, %sub3A_535, %lt3A_540 : vector<16xi32>
    %and3A_542 = arith.andi %ge3A_538, %lt3A_541 : vector<16xi1>
    %and3A_543 = arith.constant 1023 : i32
    %and3A_544 = vector.broadcast %and3A_543 : i32 to vector<16xi32>
    %and3A_545 = arith.andi %add3A_533, %and3A_544 : vector<16xi32>
    %add3A_546 = arith.constant 80000 : i32
    %add3A_547 = vector.broadcast %add3A_546 : i32 to vector<16xi32>
    %add3A_548 = arith.addi %add3A_547, %and3A_545 : vector<16xi32>
    %select_n3A_549 = arith.select %and3A_542, %sub3A_535, %add3A_548 : vector<16xi1>, vector<16xi32>
    %swap3A_550 = arith.constant 1 : i32
    %swap3A_551 = arith.index_cast %swap3A_550 : i32 to index
    %swap3A_552 = arith.constant 16 : index
    %swap3A_553 = tpu.vector_load %arg11[%swap3A_551, %swap3A_552] {strides = array<i32>} : memref<181x112xi32, #tpu.memory_space<vmem>>, vector<1x16xi32>,
    %swap3A_554 = vector.shape_cast %swap3A_553 : vector<1x16xi32> to vector<16xi32>
    %swap3A_555 = vector.shape_cast %select_n3A_549 : vector<16xi32> to vector<1x16xi32>
    tpu.vector_store %arg11[%swap3A_551, %swap3A_552], %swap3A_555 {strides = array<i32>} : memref<181x112xi32, #tpu.memory_space<vmem>>, vector<1x16xi32>,
    %get3A_556 = arith.constant 1 : i32
    %get3A_557 = arith.index_cast %get3A_556 : i32 to index
    %get3A_558 = arith.constant 32 : index
    %get3A_559 = tpu.vector_load %arg9[%get3A_557, %get3A_558] {strides = array<i32>} : memref<181x112xi32, #tpu.memory_space<vmem>>, vector<1x16xi32>,
    %get3A_560 = vector.shape_cast %get3A_559 : vector<1x16xi32> to vector<16xi32>
    %mul3A_561 = arith.constant 2 : i32
    %mul3A_562 = vector.broadcast %mul3A_561 : i32 to vector<16xi32>
    %mul3A_563 = arith.muli %get3A_560, %mul3A_562 : vector<16xi32>
    %add3A_564 = vector.broadcast %arg0 : i32 to vector<16xi32>
    %add3A_565 = arith.addi %mul3A_563, %add3A_564 : vector<16xi32>
    %swap3A_566 = arith.constant 1 : i32
    %swap3A_567 = arith.index_cast %swap3A_566 : i32 to index
    %swap3A_568 = arith.constant 32 : index
    %swap3A_569 = tpu.vector_load %arg9[%swap3A_567, %swap3A_568] {strides = array<i32>} : memref<181x112xi32, #tpu.memory_space<vmem>>, vector<1x16xi32>,
    %swap3A_570 = vector.shape_cast %swap3A_569 : vector<1x16xi32> to vector<16xi32>
    %swap3A_571 = vector.shape_cast %add3A_565 : vector<16xi32> to vector<1x16xi32>
    tpu.vector_store %arg9[%swap3A_567, %swap3A_568], %swap3A_571 {strides = array<i32>} : memref<181x112xi32, #tpu.memory_space<vmem>>, vector<1x16xi32>,
    %get3A_572 = arith.constant 1 : i32
    %get3A_573 = arith.index_cast %get3A_572 : i32 to index
    %get3A_574 = arith.constant 32 : index
    %get3A_575 = tpu.vector_load %arg10[%get3A_573, %get3A_574] {strides = array<i32>} : memref<181x112xi32, #tpu.memory_space<vmem>>, vector<1x16xi32>,
    %get3A_576 = vector.shape_cast %get3A_575 : vector<1x16xi32> to vector<16xi32>
    %mul3A_577 = arith.constant 16 : i32
    %mul3A_578 = vector.broadcast %mul3A_577 : i32 to vector<16xi32>
    %mul3A_579 = arith.muli %get3A_576, %mul3A_578 : vector<16xi32>
    %get3A_580 = arith.constant 1 : i32
    %get3A_581 = arith.index_cast %get3A_580 : i32 to index
    %get3A_582 = arith.constant 32 : index
    %get3A_583 = tpu.vector_load %arg11[%get3A_581, %get3A_582] {strides = array<i32>} : memref<181x112xi32, #tpu.memory_space<vmem>>, vector<1x16xi32>,
    %get3A_584 = vector.shape_cast %get3A_583 : vector<1x16xi32> to vector<16xi32>
    %add3A_585 = arith.addi %mul3A_579, %get3A_584 : vector<16xi32>
    %sub3A_586 = vector.broadcast %mul3A_94 : i32 to vector<16xi32>
    %sub3A_587 = arith.subi %add3A_585, %sub3A_586 : vector<16xi32>
    %ge3A_588 = arith.constant 0 : i32
    %ge3A_589 = vector.broadcast %ge3A_588 : i32 to vector<16xi32>
    %ge3A_590 = arith.cmpi sge, %sub3A_587, %ge3A_589 : vector<16xi32>
    %lt3A_591 = arith.constant 80000 : i32
    %lt3A_592 = vector.broadcast %lt3A_591 : i32 to vector<16xi32>
    %lt3A_593 = arith.cmpi slt, %sub3A_587, %lt3A_592 : vector<16xi32>
    %and3A_594 = arith.andi %ge3A_590, %lt3A_593 : vector<16xi1>
    %and3A_595 = arith.constant 1023 : i32
    %and3A_596 = vector.broadcast %and3A_595 : i32 to vector<16xi32>
    %and3A_597 = arith.andi %add3A_585, %and3A_596 : vector<16xi32>
    %add3A_598 = arith.constant 80000 : i32
    %add3A_599 = vector.broadcast %add3A_598 : i32 to vector<16xi32>
    %add3A_600 = arith.addi %add3A_599, %and3A_597 : vector<16xi32>
    %select_n3A_601 = arith.select %and3A_594, %sub3A_587, %add3A_600 : vector<16xi1>, vector<16xi32>
    %swap3A_602 = arith.constant 1 : i32
    %swap3A_603 = arith.index_cast %swap3A_602 : i32 to index
    %swap3A_604 = arith.constant 32 : index
    %swap3A_605 = tpu.vector_load %arg11[%swap3A_603, %swap3A_604] {strides = array<i32>} : memref<181x112xi32, #tpu.memory_space<vmem>>, vector<1x16xi32>,
    %swap3A_606 = vector.shape_cast %swap3A_605 : vector<1x16xi32> to vector<16xi32>
    %swap3A_607 = vector.shape_cast %select_n3A_601 : vector<16xi32> to vector<1x16xi32>
    tpu.vector_store %arg11[%swap3A_603, %swap3A_604], %swap3A_607 {strides = array<i32>} : memref<181x112xi32, #tpu.memory_space<vmem>>, vector<1x16xi32>,
    %get3A_608 = arith.constant 1 : i32
    %get3A_609 = arith.index_cast %get3A_608 : i32 to index
    %get3A_610 = arith.constant 48 : index
    %get3A_611 = tpu.vector_load %arg9[%get3A_609, %get3A_610] {strides = array<i32>} : memref<181x112xi32, #tpu.memory_space<vmem>>, vector<1x16xi32>,
    %get3A_612 = vector.shape_cast %get3A_611 : vector<1x16xi32> to vector<16xi32>
    %mul3A_613 = arith.constant 2 : i32
    %mul3A_614 = vector.broadcast %mul3A_613 : i32 to vector<16xi32>
    %mul3A_615 = arith.muli %get3A_612, %mul3A_614 : vector<16xi32>
    %add3A_616 = vector.broadcast %arg0 : i32 to vector<16xi32>
    %add3A_617 = arith.addi %mul3A_615, %add3A_616 : vector<16xi32>
    %swap3A_618 = arith.constant 1 : i32
    %swap3A_619 = arith.index_cast %swap3A_618 : i32 to index
    %swap3A_620 = arith.constant 48 : index
    %swap3A_621 = tpu.vector_load %arg9[%swap3A_619, %swap3A_620] {strides = array<i32>} : memref<181x112xi32, #tpu.memory_space<vmem>>, vector<1x16xi32>,
    %swap3A_622 = vector.shape_cast %swap3A_621 : vector<1x16xi32> to vector<16xi32>
    %swap3A_623 = vector.shape_cast %add3A_617 : vector<16xi32> to vector<1x16xi32>
    tpu.vector_store %arg9[%swap3A_619, %swap3A_620], %swap3A_623 {strides = array<i32>} : memref<181x112xi32, #tpu.memory_space<vmem>>, vector<1x16xi32>,
    %get3A_624 = arith.constant 1 : i32
    %get3A_625 = arith.index_cast %get3A_624 : i32 to index
    %get3A_626 = arith.constant 48 : index
    %get3A_627 = tpu.vector_load %arg10[%get3A_625, %get3A_626] {strides = array<i32>} : memref<181x112xi32, #tpu.memory_space<vmem>>, vector<1x16xi32>,
    %get3A_628 = vector.shape_cast %get3A_627 : vector<1x16xi32> to vector<16xi32>
    %mul3A_629 = arith.constant 16 : i32
    %mul3A_630 = vector.broadcast %mul3A_629 : i32 to vector<16xi32>
    %mul3A_631 = arith.muli %get3A_628, %mul3A_630 : vector<16xi32>
    %get3A_632 = arith.constant 1 : i32
    %get3A_633 = arith.index_cast %get3A_632 : i32 to index
    %get3A_634 = arith.constant 48 : index
    %get3A_635 = tpu.vector_load %arg11[%get3A_633, %get3A_634] {strides = array<i32>} : memref<181x112xi32, #tpu.memory_space<vmem>>, vector<1x16xi32>,
    %get3A_636 = vector.shape_cast %get3A_635 : vector<1x16xi32> to vector<16xi32>
    %add3A_637 = arith.addi %mul3A_631, %get3A_636 : vector<16xi32>
    %sub3A_638 = vector.broadcast %mul3A_94 : i32 to vector<16xi32>
    %sub3A_639 = arith.subi %add3A_637, %sub3A_638 : vector<16xi32>
    %ge3A_640 = arith.constant 0 : i32
    %ge3A_641 = vector.broadcast %ge3A_640 : i32 to vector<16xi32>
    %ge3A_642 = arith.cmpi sge, %sub3A_639, %ge3A_641 : vector<16xi32>
    %lt3A_643 = arith.constant 80000 : i32
    %lt3A_644 = vector.broadcast %lt3A_643 : i32 to vector<16xi32>
    %lt3A_645 = arith.cmpi slt, %sub3A_639, %lt3A_644 : vector<16xi32>
    %and3A_646 = arith.andi %ge3A_642, %lt3A_645 : vector<16xi1>
    %and3A_647 = arith.constant 1023 : i32
    %and3A_648 = vector.broadcast %and3A_647 : i32 to vector<16xi32>
    %and3A_649 = arith.andi %add3A_637, %and3A_648 : vector<16xi32>
    %add3A_650 = arith.constant 80000 : i32
    %add3A_651 = vector.broadcast %add3A_650 : i32 to vector<16xi32>
    %add3A_652 = arith.addi %add3A_651, %and3A_649 : vector<16xi32>
    %select_n3A_653 = arith.select %and3A_646, %sub3A_639, %add3A_652 : vector<16xi1>, vector<16xi32>
    %swap3A_654 = arith.constant 1 : i32
    %swap3A_655 = arith.index_cast %swap3A_654 : i32 to index
    %swap3A_656 = arith.constant 48 : index
    %swap3A_657 = tpu.vector_load %arg11[%swap3A_655, %swap3A_656] {strides = array<i32>} : memref<181x112xi32, #tpu.memory_space<vmem>>, vector<1x16xi32>,
    %swap3A_658 = vector.shape_cast %swap3A_657 : vector<1x16xi32> to vector<16xi32>
    %swap3A_659 = vector.shape_cast %select_n3A_653 : vector<16xi32> to vector<1x16xi32>
    tpu.vector_store %arg11[%swap3A_655, %swap3A_656], %swap3A_659 {strides = array<i32>} : memref<181x112xi32, #tpu.memory_space<vmem>>, vector<1x16xi32>,
    %get3A_660 = arith.constant 1 : i32
    %get3A_661 = arith.index_cast %get3A_660 : i32 to index
    %get3A_662 = arith.constant 64 : index
    %get3A_663 = tpu.vector_load %arg9[%get3A_661, %get3A_662] {strides = array<i32>} : memref<181x112xi32, #tpu.memory_space<vmem>>, vector<1x16xi32>,
    %get3A_664 = vector.shape_cast %get3A_663 : vector<1x16xi32> to vector<16xi32>
    %mul3A_665 = arith.constant 2 : i32
    %mul3A_666 = vector.broadcast %mul3A_665 : i32 to vector<16xi32>
    %mul3A_667 = arith.muli %get3A_664, %mul3A_666 : vector<16xi32>
    %add3A_668 = vector.broadcast %arg0 : i32 to vector<16xi32>
    %add3A_669 = arith.addi %mul3A_667, %add3A_668 : vector<16xi32>
    %swap3A_670 = arith.constant 1 : i32
    %swap3A_671 = arith.index_cast %swap3A_670 : i32 to index
    %swap3A_672 = arith.constant 64 : index
    %swap3A_673 = tpu.vector_load %arg9[%swap3A_671, %swap3A_672] {strides = array<i32>} : memref<181x112xi32, #tpu.memory_space<vmem>>, vector<1x16xi32>,
    %swap3A_674 = vector.shape_cast %swap3A_673 : vector<1x16xi32> to vector<16xi32>
    %swap3A_675 = vector.shape_cast %add3A_669 : vector<16xi32> to vector<1x16xi32>
    tpu.vector_store %arg9[%swap3A_671, %swap3A_672], %swap3A_675 {strides = array<i32>} : memref<181x112xi32, #tpu.memory_space<vmem>>, vector<1x16xi32>,
    %get3A_676 = arith.constant 1 : i32
    %get3A_677 = arith.index_cast %get3A_676 : i32 to index
    %get3A_678 = arith.constant 64 : index
    %get3A_679 = tpu.vector_load %arg10[%get3A_677, %get3A_678] {strides = array<i32>} : memref<181x112xi32, #tpu.memory_space<vmem>>, vector<1x16xi32>,
    %get3A_680 = vector.shape_cast %get3A_679 : vector<1x16xi32> to vector<16xi32>
    %mul3A_681 = arith.constant 16 : i32
    %mul3A_682 = vector.broadcast %mul3A_681 : i32 to vector<16xi32>
    %mul3A_683 = arith.muli %get3A_680, %mul3A_682 : vector<16xi32>
    %get3A_684 = arith.constant 1 : i32
    %get3A_685 = arith.index_cast %get3A_684 : i32 to index
    %get3A_686 = arith.constant 64 : index
    %get3A_687 = tpu.vector_load %arg11[%get3A_685, %get3A_686] {strides = array<i32>} : memref<181x112xi32, #tpu.memory_space<vmem>>, vector<1x16xi32>,
    %get3A_688 = vector.shape_cast %get3A_687 : vector<1x16xi32> to vector<16xi32>
    %add3A_689 = arith.addi %mul3A_683, %get3A_688 : vector<16xi32>
    %sub3A_690 = vector.broadcast %mul3A_94 : i32 to vector<16xi32>
    %sub3A_691 = arith.subi %add3A_689, %sub3A_690 : vector<16xi32>
    %ge3A_692 = arith.constant 0 : i32
    %ge3A_693 = vector.broadcast %ge3A_692 : i32 to vector<16xi32>
    %ge3A_694 = arith.cmpi sge, %sub3A_691, %ge3A_693 : vector<16xi32>
    %lt3A_695 = arith.constant 80000 : i32
    %lt3A_696 = vector.broadcast %lt3A_695 : i32 to vector<16xi32>
    %lt3A_697 = arith.cmpi slt, %sub3A_691, %lt3A_696 : vector<16xi32>
    %and3A_698 = arith.andi %ge3A_694, %lt3A_697 : vector<16xi1>
    %and3A_699 = arith.constant 1023 : i32
    %and3A_700 = vector.broadcast %and3A_699 : i32 to vector<16xi32>
    %and3A_701 = arith.andi %add3A_689, %and3A_700 : vector<16xi32>
    %add3A_702 = arith.constant 80000 : i32
    %add3A_703 = vector.broadcast %add3A_702 : i32 to vector<16xi32>
    %add3A_704 = arith.addi %add3A_703, %and3A_701 : vector<16xi32>
    %select_n3A_705 = arith.select %and3A_698, %sub3A_691, %add3A_704 : vector<16xi1>, vector<16xi32>
    %swap3A_706 = arith.constant 1 : i32
    %swap3A_707 = arith.index_cast %swap3A_706 : i32 to index
    %swap3A_708 = arith.constant 64 : index
    %swap3A_709 = tpu.vector_load %arg11[%swap3A_707, %swap3A_708] {strides = array<i32>} : memref<181x112xi32, #tpu.memory_space<vmem>>, vector<1x16xi32>,
    %swap3A_710 = vector.shape_cast %swap3A_709 : vector<1x16xi32> to vector<16xi32>
    %swap3A_711 = vector.shape_cast %select_n3A_705 : vector<16xi32> to vector<1x16xi32>
    tpu.vector_store %arg11[%swap3A_707, %swap3A_708], %swap3A_711 {strides = array<i32>} : memref<181x112xi32, #tpu.memory_space<vmem>>, vector<1x16xi32>,
    %get3A_712 = arith.constant 1 : i32
    %get3A_713 = arith.index_cast %get3A_712 : i32 to index
    %get3A_714 = arith.constant 80 : index
    %get3A_715 = tpu.vector_load %arg9[%get3A_713, %get3A_714] {strides = array<i32>} : memref<181x112xi32, #tpu.memory_space<vmem>>, vector<1x16xi32>,
    %get3A_716 = vector.shape_cast %get3A_715 : vector<1x16xi32> to vector<16xi32>
    %mul3A_717 = arith.constant 2 : i32
    %mul3A_718 = vector.broadcast %mul3A_717 : i32 to vector<16xi32>
    %mul3A_719 = arith.muli %get3A_716, %mul3A_718 : vector<16xi32>
    %add3A_720 = vector.broadcast %arg0 : i32 to vector<16xi32>
    %add3A_721 = arith.addi %mul3A_719, %add3A_720 : vector<16xi32>
    %swap3A_722 = arith.constant 1 : i32
    %swap3A_723 = arith.index_cast %swap3A_722 : i32 to index
    %swap3A_724 = arith.constant 80 : index
    %swap3A_725 = tpu.vector_load %arg9[%swap3A_723, %swap3A_724] {strides = array<i32>} : memref<181x112xi32, #tpu.memory_space<vmem>>, vector<1x16xi32>,
    %swap3A_726 = vector.shape_cast %swap3A_725 : vector<1x16xi32> to vector<16xi32>
    %swap3A_727 = vector.shape_cast %add3A_721 : vector<16xi32> to vector<1x16xi32>
    tpu.vector_store %arg9[%swap3A_723, %swap3A_724], %swap3A_727 {strides = array<i32>} : memref<181x112xi32, #tpu.memory_space<vmem>>, vector<1x16xi32>,
    %get3A_728 = arith.constant 1 : i32
    %get3A_729 = arith.index_cast %get3A_728 : i32 to index
    %get3A_730 = arith.constant 80 : index
    %get3A_731 = tpu.vector_load %arg10[%get3A_729, %get3A_730] {strides = array<i32>} : memref<181x112xi32, #tpu.memory_space<vmem>>, vector<1x16xi32>,
    %get3A_732 = vector.shape_cast %get3A_731 : vector<1x16xi32> to vector<16xi32>
    %mul3A_733 = arith.constant 16 : i32
    %mul3A_734 = vector.broadcast %mul3A_733 : i32 to vector<16xi32>
    %mul3A_735 = arith.muli %get3A_732, %mul3A_734 : vector<16xi32>
    %get3A_736 = arith.constant 1 : i32
    %get3A_737 = arith.index_cast %get3A_736 : i32 to index
    %get3A_738 = arith.constant 80 : index
    %get3A_739 = tpu.vector_load %arg11[%get3A_737, %get3A_738] {strides = array<i32>} : memref<181x112xi32, #tpu.memory_space<vmem>>, vector<1x16xi32>,
    %get3A_740 = vector.shape_cast %get3A_739 : vector<1x16xi32> to vector<16xi32>
    %add3A_741 = arith.addi %mul3A_735, %get3A_740 : vector<16xi32>
    %sub3A_742 = vector.broadcast %mul3A_94 : i32 to vector<16xi32>
    %sub3A_743 = arith.subi %add3A_741, %sub3A_742 : vector<16xi32>
    %ge3A_744 = arith.constant 0 : i32
    %ge3A_745 = vector.broadcast %ge3A_744 : i32 to vector<16xi32>
    %ge3A_746 = arith.cmpi sge, %sub3A_743, %ge3A_745 : vector<16xi32>
    %lt3A_747 = arith.constant 80000 : i32
    %lt3A_748 = vector.broadcast %lt3A_747 : i32 to vector<16xi32>
    %lt3A_749 = arith.cmpi slt, %sub3A_743, %lt3A_748 : vector<16xi32>
    %and3A_750 = arith.andi %ge3A_746, %lt3A_749 : vector<16xi1>
    %and3A_751 = arith.constant 1023 : i32
    %and3A_752 = vector.broadcast %and3A_751 : i32 to vector<16xi32>
    %and3A_753 = arith.andi %add3A_741, %and3A_752 : vector<16xi32>
    %add3A_754 = arith.constant 80000 : i32
    %add3A_755 = vector.broadcast %add3A_754 : i32 to vector<16xi32>
    %add3A_756 = arith.addi %add3A_755, %and3A_753 : vector<16xi32>
    %select_n3A_757 = arith.select %and3A_750, %sub3A_743, %add3A_756 : vector<16xi1>, vector<16xi32>
    %swap3A_758 = arith.constant 1 : i32
    %swap3A_759 = arith.index_cast %swap3A_758 : i32 to index
    %swap3A_760 = arith.constant 80 : index
    %swap3A_761 = tpu.vector_load %arg11[%swap3A_759, %swap3A_760] {strides = array<i32>} : memref<181x112xi32, #tpu.memory_space<vmem>>, vector<1x16xi32>,
    %swap3A_762 = vector.shape_cast %swap3A_761 : vector<1x16xi32> to vector<16xi32>
    %swap3A_763 = vector.shape_cast %select_n3A_757 : vector<16xi32> to vector<1x16xi32>
    tpu.vector_store %arg11[%swap3A_759, %swap3A_760], %swap3A_763 {strides = array<i32>} : memref<181x112xi32, #tpu.memory_space<vmem>>, vector<1x16xi32>,
    %get3A_764 = arith.constant 1 : i32
    %get3A_765 = arith.index_cast %get3A_764 : i32 to index
    %get3A_766 = arith.constant 96 : index
    %get3A_767 = tpu.vector_load %arg9[%get3A_765, %get3A_766] {strides = array<i32>} : memref<181x112xi32, #tpu.memory_space<vmem>>, vector<1x16xi32>,
    %get3A_768 = vector.shape_cast %get3A_767 : vector<1x16xi32> to vector<16xi32>
    %mul3A_769 = arith.constant 2 : i32
    %mul3A_770 = vector.broadcast %mul3A_769 : i32 to vector<16xi32>
    %mul3A_771 = arith.muli %get3A_768, %mul3A_770 : vector<16xi32>
    %add3A_772 = vector.broadcast %arg0 : i32 to vector<16xi32>
    %add3A_773 = arith.addi %mul3A_771, %add3A_772 : vector<16xi32>
    %swap3A_774 = arith.constant 1 : i32
    %swap3A_775 = arith.index_cast %swap3A_774 : i32 to index
    %swap3A_776 = arith.constant 96 : index
    %swap3A_777 = tpu.vector_load %arg9[%swap3A_775, %swap3A_776] {strides = array<i32>} : memref<181x112xi32, #tpu.memory_space<vmem>>, vector<1x16xi32>,
    %swap3A_778 = vector.shape_cast %swap3A_777 : vector<1x16xi32> to vector<16xi32>
    %swap3A_779 = vector.shape_cast %add3A_773 : vector<16xi32> to vector<1x16xi32>
    tpu.vector_store %arg9[%swap3A_775, %swap3A_776], %swap3A_779 {strides = array<i32>} : memref<181x112xi32, #tpu.memory_space<vmem>>, vector<1x16xi32>,
    %get3A_780 = arith.constant 1 : i32
    %get3A_781 = arith.index_cast %get3A_780 : i32 to index
    %get3A_782 = arith.constant 96 : index
    %get3A_783 = tpu.vector_load %arg10[%get3A_781, %get3A_782] {strides = array<i32>} : memref<181x112xi32, #tpu.memory_space<vmem>>, vector<1x16xi32>,
    %get3A_784 = vector.shape_cast %get3A_783 : vector<1x16xi32> to vector<16xi32>
    %mul3A_785 = arith.constant 16 : i32
    %mul3A_786 = vector.broadcast %mul3A_785 : i32 to vector<16xi32>
    %mul3A_787 = arith.muli %get3A_784, %mul3A_786 : vector<16xi32>
    %get3A_788 = arith.constant 1 : i32
    %get3A_789 = arith.index_cast %get3A_788 : i32 to index
    %get3A_790 = arith.constant 96 : index
    %get3A_791 = tpu.vector_load %arg11[%get3A_789, %get3A_790] {strides = array<i32>} : memref<181x112xi32, #tpu.memory_space<vmem>>, vector<1x16xi32>,
    %get3A_792 = vector.shape_cast %get3A_791 : vector<1x16xi32> to vector<16xi32>
    %add3A_793 = arith.addi %mul3A_787, %get3A_792 : vector<16xi32>
    %sub3A_794 = vector.broadcast %mul3A_94 : i32 to vector<16xi32>
    %sub3A_795 = arith.subi %add3A_793, %sub3A_794 : vector<16xi32>
    %ge3A_796 = arith.constant 0 : i32
    %ge3A_797 = vector.broadcast %ge3A_796 : i32 to vector<16xi32>
    %ge3A_798 = arith.cmpi sge, %sub3A_795, %ge3A_797 : vector<16xi32>
    %lt3A_799 = arith.constant 80000 : i32
    %lt3A_800 = vector.broadcast %lt3A_799 : i32 to vector<16xi32>
    %lt3A_801 = arith.cmpi slt, %sub3A_795, %lt3A_800 : vector<16xi32>
    %and3A_802 = arith.andi %ge3A_798, %lt3A_801 : vector<16xi1>
    %and3A_803 = arith.constant 1023 : i32
    %and3A_804 = vector.broadcast %and3A_803 : i32 to vector<16xi32>
    %and3A_805 = arith.andi %add3A_793, %and3A_804 : vector<16xi32>
    %add3A_806 = arith.constant 80000 : i32
    %add3A_807 = vector.broadcast %add3A_806 : i32 to vector<16xi32>
    %add3A_808 = arith.addi %add3A_807, %and3A_805 : vector<16xi32>
    %select_n3A_809 = arith.select %and3A_802, %sub3A_795, %add3A_808 : vector<16xi1>, vector<16xi32>
    %swap3A_810 = arith.constant 1 : i32
    %swap3A_811 = arith.index_cast %swap3A_810 : i32 to index
    %swap3A_812 = arith.constant 96 : index
    %swap3A_813 = tpu.vector_load %arg11[%swap3A_811, %swap3A_812] {strides = array<i32>} : memref<181x112xi32, #tpu.memory_space<vmem>>, vector<1x16xi32>,
    %swap3A_814 = vector.shape_cast %swap3A_813 : vector<1x16xi32> to vector<16xi32>
    %swap3A_815 = vector.shape_cast %select_n3A_809 : vector<16xi32> to vector<1x16xi32>
    tpu.vector_store %arg11[%swap3A_811, %swap3A_812], %swap3A_815 {strides = array<i32>} : memref<181x112xi32, #tpu.memory_space<vmem>>, vector<1x16xi32>,
    %dma_start3A_816 = arith.constant 0 : i32
    %dma_start3A_817 = arith.constant 0 : i32
    %dma_start3A_818 = tpu.memref_slice %arg9[%dma_start3A_816, %dma_start3A_817] : memref<181x112xi32, #tpu.memory_space<vmem>> -> memref<1x112xi32, #tpu.memory_space<vmem>>
    %dma_start3A_819 = tpu.memref_squeeze %dma_start3A_818 : memref<1x112xi32, #tpu.memory_space<vmem>> -> memref<112xi32, #tpu.memory_space<vmem>>
    %dma_start3A_820 = arith.constant 0 : i32
    %dma_start3A_821 = arith.constant 0 : i32
    %dma_start3A_822 = tpu.memref_slice %arg2[%dma_start3A_820, %dma_start3A_821] : memref<20000x64xf32, #tpu.memory_space<hbm>> -> memref<20000x64xf32, #tpu.memory_space<hbm>>
    tpu.enqueue_indirect_dma source(%dma_start3A_822 : memref<20000x64xf32, #tpu.memory_space<hbm>>) target(%arg12 : memref<112x64xf32, #tpu.memory_space<vmem>>) offsets(%dma_start3A_819 : memref<112xi32, #tpu.memory_space<vmem>>) semaphore(%arg18 : memref<!tpu.dma_semaphore, #tpu.memory_space<semaphore_mem>>)
    %dma_start3A_823 = arith.constant 1 : i32
    %dma_start3A_824 = arith.constant 0 : i32
    %dma_start3A_825 = tpu.memref_slice %arg9[%dma_start3A_823, %dma_start3A_824] : memref<181x112xi32, #tpu.memory_space<vmem>> -> memref<1x112xi32, #tpu.memory_space<vmem>>
    %dma_start3A_826 = tpu.memref_squeeze %dma_start3A_825 : memref<1x112xi32, #tpu.memory_space<vmem>> -> memref<112xi32, #tpu.memory_space<vmem>>
    %dma_start3A_827 = arith.constant 0 : i32
    %dma_start3A_828 = arith.constant 0 : i32
    %dma_start3A_829 = tpu.memref_slice %arg2[%dma_start3A_827, %dma_start3A_828] : memref<20000x64xf32, #tpu.memory_space<hbm>> -> memref<20000x64xf32, #tpu.memory_space<hbm>>
    tpu.enqueue_indirect_dma source(%dma_start3A_829 : memref<20000x64xf32, #tpu.memory_space<hbm>>) target(%arg13 : memref<112x64xf32, #tpu.memory_space<vmem>>) offsets(%dma_start3A_826 : memref<112xi32, #tpu.memory_space<vmem>>) semaphore(%arg19 : memref<!tpu.dma_semaphore, #tpu.memory_space<semaphore_mem>>)
    %barrier3A = arith.constant 0 : index
    tpu.barrier barrier_id(%barrier3A)
    %scan3A = arith.constant 0 : i32
    %scan3A_830 = arith.constant 0 : i32
    %scan3A_831 = arith.constant 60 : i32
    %scan3A_832 = arith.addi %scan3A_830, %scan3A_831 : i32
    %scan3A_833 = arith.constant 1 : i32
    %scan3A_834 = scf.for %scan3A_906 = %scan3A_830 to %scan3A_832 step %scan3A_833 iter_args(%scan3A_907 = %scan3A) -> (i32)  : i32 {
      %mul3A_908 = arith.constant 3 : i32
      %mul3A_909 = arith.muli %scan3A_906, %mul3A_908 : i32
      %add3A_910 = arith.constant 0 : i32
      %add3A_911 = arith.addi %mul3A_909, %add3A_910 : i32
      %dma_wait3A_912 = arith.constant 0 : i32
      %dma_wait3A_913 = tpu.memref_slice %arg9[%add3A_911, %dma_wait3A_912] : memref<181x112xi32, #tpu.memory_space<vmem>> -> memref<1x112xi32, #tpu.memory_space<vmem>>
      %dma_wait3A_914 = tpu.memref_squeeze %dma_wait3A_913 : memref<1x112xi32, #tpu.memory_space<vmem>> -> memref<112xi32, #tpu.memory_space<vmem>>
      %dma_wait3A_915 = arith.constant 0 : i32
      %dma_wait3A_916 = arith.constant 0 : i32
      %dma_wait3A_917 = tpu.memref_slice %arg2[%dma_wait3A_915, %dma_wait3A_916] : memref<20000x64xf32, #tpu.memory_space<hbm>> -> memref<20000x64xf32, #tpu.memory_space<hbm>>
      tpu.wait_indirect_dma semaphore(%arg18 : memref<!tpu.dma_semaphore, #tpu.memory_space<semaphore_mem>>) src(%dma_wait3A_917 : memref<20000x64xf32, #tpu.memory_space<hbm>>) dst(%arg12 : memref<112x64xf32, #tpu.memory_space<vmem>>)
      %ge3A_918 = arith.constant 1 : i32
      %ge3A_919 = arith.cmpi sge, %add3A_911, %ge3A_918 : i32
      %convert_element_type3A = arith.extui %ge3A_919 : i1 to i32
      %cond3A = arith.constant 0 : i32
      %cond3A_920 = arith.cmpi ne, %convert_element_type3A, %cond3A : i32
      scf.if %cond3A_920 {
        %sub3A_1017 = arith.constant 1 : i32
        %sub3A_1018 = arith.subi %add3A_911, %sub3A_1017 : i32
        %dma_wait3A_1019 = arith.constant 0 : i32
        %dma_wait3A_1020 = tpu.memref_slice %arg10[%sub3A_1018, %dma_wait3A_1019] : memref<181x112xi32, #tpu.memory_space<vmem>> -> memref<1x112xi32, #tpu.memory_space<vmem>>
        %dma_wait3A_1021 = tpu.memref_squeeze %dma_wait3A_1020 : memref<1x112xi32, #tpu.memory_space<vmem>> -> memref<112xi32, #tpu.memory_space<vmem>>
        %dma_wait3A_1022 = arith.constant 0 : i32
        %dma_wait3A_1023 = arith.constant 0 : i32
        %dma_wait3A_1024 = tpu.memref_slice %arg16[%dma_wait3A_1022, %dma_wait3A_1023] : memref<10016x64xf32, #tpu.memory_space<vmem_shared>> -> memref<10016x64xf32, #tpu.memory_space<vmem_shared>>
        tpu.wait_indirect_dma semaphore(%arg21 : memref<!tpu.dma_semaphore, #tpu.memory_space<semaphore_mem>>) src(%arg14 : memref<112x64xf32, #tpu.memory_space<vmem>>) dst(%dma_wait3A_1024 : memref<10016x64xf32, #tpu.memory_space<vmem_shared>>)
      } else {
      }
      %dma_start3A_921 = arith.constant 0 : i32
      %dma_start3A_922 = tpu.memref_slice %arg10[%add3A_911, %dma_start3A_921] : memref<181x112xi32, #tpu.memory_space<vmem>> -> memref<1x112xi32, #tpu.memory_space<vmem>>
      %dma_start3A_923 = tpu.memref_squeeze %dma_start3A_922 : memref<1x112xi32, #tpu.memory_space<vmem>> -> memref<112xi32, #tpu.memory_space<vmem>>
      %dma_start3A_924 = arith.constant 0 : i32
      %dma_start3A_925 = arith.constant 0 : i32
      %dma_start3A_926 = tpu.memref_slice %arg16[%dma_start3A_924, %dma_start3A_925] : memref<10016x64xf32, #tpu.memory_space<vmem_shared>> -> memref<10016x64xf32, #tpu.memory_space<vmem_shared>>
      tpu.enqueue_indirect_dma source(%arg12 : memref<112x64xf32, #tpu.memory_space<vmem>>) target(%dma_start3A_926 : memref<10016x64xf32, #tpu.memory_space<vmem_shared>>) offsets(%dma_start3A_923 : memref<112xi32, #tpu.memory_space<vmem>>) semaphore(%arg21 : memref<!tpu.dma_semaphore, #tpu.memory_space<semaphore_mem>>) {add = true}
      %dma_start3A_927 = arith.constant 0 : i32
      %dma_start3A_928 = tpu.memref_slice %arg11[%add3A_911, %dma_start3A_927] : memref<181x112xi32, #tpu.memory_space<vmem>> -> memref<1x112xi32, #tpu.memory_space<vmem>>
      %dma_start3A_929 = tpu.memref_squeeze %dma_start3A_928 : memref<1x112xi32, #tpu.memory_space<vmem>> -> memref<112xi32, #tpu.memory_space<vmem>>
      %dma_start3A_930 = arith.constant 0 : i32
      %dma_start3A_931 = tpu.memref_slice %arg17[%dma_start3A_930] : memref<81920xf32, #tpu.memory_space<vmem_shared>> -> memref<81920xf32, #tpu.memory_space<vmem_shared>>
      tpu.enqueue_indirect_dma source(%arg15 : memref<112xf32, #tpu.memory_space<vmem>>) target(%dma_start3A_931 : memref<81920xf32, #tpu.memory_space<vmem_shared>>) offsets(%dma_start3A_929 : memref<112xi32, #tpu.memory_space<vmem>>) semaphore(%arg22 : memref<!tpu.dma_semaphore, #tpu.memory_space<semaphore_mem>>) {add = true}
      %add3A_932 = arith.constant 2 : i32
      %add3A_933 = arith.addi %add3A_911, %add3A_932 : i32
      %lt3A_934 = arith.constant 181 : i32
      %lt3A_935 = arith.cmpi slt, %add3A_933, %lt3A_934 : i32
      %convert_element_type3A_936 = arith.extui %lt3A_935 : i1 to i32
      %cond3A_937 = arith.constant 0 : i32
      %cond3A_938 = arith.cmpi ne, %convert_element_type3A_936, %cond3A_937 : i32
      scf.if %cond3A_938 {
        %add3A_1017 = arith.constant 2 : i32
        %add3A_1018 = arith.addi %add3A_911, %add3A_1017 : i32
        %get3A_1019 = arith.index_cast %add3A_1018 : i32 to index
        %get3A_1020 = arith.constant 0 : index
        %get3A_1021 = tpu.vector_load %arg9[%get3A_1019, %get3A_1020] {strides = array<i32>} : memref<181x112xi32, #tpu.memory_space<vmem>>, vector<1x16xi32>,
        %get3A_1022 = vector.shape_cast %get3A_1021 : vector<1x16xi32> to vector<16xi32>
        %mul3A_1023 = arith.constant 2 : i32
        %mul3A_1024 = vector.broadcast %mul3A_1023 : i32 to vector<16xi32>
        %mul3A_1025 = arith.muli %get3A_1022, %mul3A_1024 : vector<16xi32>
        %add3A_1026 = vector.broadcast %arg0 : i32 to vector<16xi32>
        %add3A_1027 = arith.addi %mul3A_1025, %add3A_1026 : vector<16xi32>
        %swap3A_1028 = arith.index_cast %add3A_1018 : i32 to index
        %swap3A_1029 = arith.constant 0 : index
        %swap3A_1030 = tpu.vector_load %arg9[%swap3A_1028, %swap3A_1029] {strides = array<i32>} : memref<181x112xi32, #tpu.memory_space<vmem>>, vector<1x16xi32>,
        %swap3A_1031 = vector.shape_cast %swap3A_1030 : vector<1x16xi32> to vector<16xi32>
        %swap3A_1032 = vector.shape_cast %add3A_1027 : vector<16xi32> to vector<1x16xi32>
        tpu.vector_store %arg9[%swap3A_1028, %swap3A_1029], %swap3A_1032 {strides = array<i32>} : memref<181x112xi32, #tpu.memory_space<vmem>>, vector<1x16xi32>,
        %get3A_1033 = arith.index_cast %add3A_1018 : i32 to index
        %get3A_1034 = arith.constant 0 : index
        %get3A_1035 = tpu.vector_load %arg10[%get3A_1033, %get3A_1034] {strides = array<i32>} : memref<181x112xi32, #tpu.memory_space<vmem>>, vector<1x16xi32>,
        %get3A_1036 = vector.shape_cast %get3A_1035 : vector<1x16xi32> to vector<16xi32>
        %mul3A_1037 = arith.constant 16 : i32
        %mul3A_1038 = vector.broadcast %mul3A_1037 : i32 to vector<16xi32>
        %mul3A_1039 = arith.muli %get3A_1036, %mul3A_1038 : vector<16xi32>
        %get3A_1040 = arith.index_cast %add3A_1018 : i32 to index
        %get3A_1041 = arith.constant 0 : index
        %get3A_1042 = tpu.vector_load %arg11[%get3A_1040, %get3A_1041] {strides = array<i32>} : memref<181x112xi32, #tpu.memory_space<vmem>>, vector<1x16xi32>,
        %get3A_1043 = vector.shape_cast %get3A_1042 : vector<1x16xi32> to vector<16xi32>
        %add3A_1044 = arith.addi %mul3A_1039, %get3A_1043 : vector<16xi32>
        %sub3A_1045 = vector.broadcast %mul3A_94 : i32 to vector<16xi32>
        %sub3A_1046 = arith.subi %add3A_1044, %sub3A_1045 : vector<16xi32>
        %ge3A_1047 = arith.constant 0 : i32
        %ge3A_1048 = vector.broadcast %ge3A_1047 : i32 to vector<16xi32>
        %ge3A_1049 = arith.cmpi sge, %sub3A_1046, %ge3A_1048 : vector<16xi32>
        %lt3A_1050 = arith.constant 80000 : i32
        %lt3A_1051 = vector.broadcast %lt3A_1050 : i32 to vector<16xi32>
        %lt3A_1052 = arith.cmpi slt, %sub3A_1046, %lt3A_1051 : vector<16xi32>
        %and3A_1053 = arith.andi %ge3A_1049, %lt3A_1052 : vector<16xi1>
        %and3A_1054 = arith.constant 1023 : i32
        %and3A_1055 = vector.broadcast %and3A_1054 : i32 to vector<16xi32>
        %and3A_1056 = arith.andi %add3A_1044, %and3A_1055 : vector<16xi32>
        %add3A_1057 = arith.constant 80000 : i32
        %add3A_1058 = vector.broadcast %add3A_1057 : i32 to vector<16xi32>
        %add3A_1059 = arith.addi %add3A_1058, %and3A_1056 : vector<16xi32>
        %select_n3A_1060 = arith.select %and3A_1053, %sub3A_1046, %add3A_1059 : vector<16xi1>, vector<16xi32>
        %swap3A_1061 = arith.index_cast %add3A_1018 : i32 to index
        %swap3A_1062 = arith.constant 0 : index
        %swap3A_1063 = tpu.vector_load %arg11[%swap3A_1061, %swap3A_1062] {strides = array<i32>} : memref<181x112xi32, #tpu.memory_space<vmem>>, vector<1x16xi32>,
        %swap3A_1064 = vector.shape_cast %swap3A_1063 : vector<1x16xi32> to vector<16xi32>
        %swap3A_1065 = vector.shape_cast %select_n3A_1060 : vector<16xi32> to vector<1x16xi32>
        tpu.vector_store %arg11[%swap3A_1061, %swap3A_1062], %swap3A_1065 {strides = array<i32>} : memref<181x112xi32, #tpu.memory_space<vmem>>, vector<1x16xi32>,
        %get3A_1066 = arith.index_cast %add3A_1018 : i32 to index
        %get3A_1067 = arith.constant 16 : index
        %get3A_1068 = tpu.vector_load %arg9[%get3A_1066, %get3A_1067] {strides = array<i32>} : memref<181x112xi32, #tpu.memory_space<vmem>>, vector<1x16xi32>,
        %get3A_1069 = vector.shape_cast %get3A_1068 : vector<1x16xi32> to vector<16xi32>
        %mul3A_1070 = arith.constant 2 : i32
        %mul3A_1071 = vector.broadcast %mul3A_1070 : i32 to vector<16xi32>
        %mul3A_1072 = arith.muli %get3A_1069, %mul3A_1071 : vector<16xi32>
        %add3A_1073 = vector.broadcast %arg0 : i32 to vector<16xi32>
        %add3A_1074 = arith.addi %mul3A_1072, %add3A_1073 : vector<16xi32>
        %swap3A_1075 = arith.index_cast %add3A_1018 : i32 to index
        %swap3A_1076 = arith.constant 16 : index
        %swap3A_1077 = tpu.vector_load %arg9[%swap3A_1075, %swap3A_1076] {strides = array<i32>} : memref<181x112xi32, #tpu.memory_space<vmem>>, vector<1x16xi32>,
        %swap3A_1078 = vector.shape_cast %swap3A_1077 : vector<1x16xi32> to vector<16xi32>
        %swap3A_1079 = vector.shape_cast %add3A_1074 : vector<16xi32> to vector<1x16xi32>
        tpu.vector_store %arg9[%swap3A_1075, %swap3A_1076], %swap3A_1079 {strides = array<i32>} : memref<181x112xi32, #tpu.memory_space<vmem>>, vector<1x16xi32>,
        %get3A_1080 = arith.index_cast %add3A_1018 : i32 to index
        %get3A_1081 = arith.constant 16 : index
        %get3A_1082 = tpu.vector_load %arg10[%get3A_1080, %get3A_1081] {strides = array<i32>} : memref<181x112xi32, #tpu.memory_space<vmem>>, vector<1x16xi32>,
        %get3A_1083 = vector.shape_cast %get3A_1082 : vector<1x16xi32> to vector<16xi32>
        %mul3A_1084 = arith.constant 16 : i32
        %mul3A_1085 = vector.broadcast %mul3A_1084 : i32 to vector<16xi32>
        %mul3A_1086 = arith.muli %get3A_1083, %mul3A_1085 : vector<16xi32>
        %get3A_1087 = arith.index_cast %add3A_1018 : i32 to index
        %get3A_1088 = arith.constant 16 : index
        %get3A_1089 = tpu.vector_load %arg11[%get3A_1087, %get3A_1088] {strides = array<i32>} : memref<181x112xi32, #tpu.memory_space<vmem>>, vector<1x16xi32>,
        %get3A_1090 = vector.shape_cast %get3A_1089 : vector<1x16xi32> to vector<16xi32>
        %add3A_1091 = arith.addi %mul3A_1086, %get3A_1090 : vector<16xi32>
        %sub3A_1092 = vector.broadcast %mul3A_94 : i32 to vector<16xi32>
        %sub3A_1093 = arith.subi %add3A_1091, %sub3A_1092 : vector<16xi32>
        %ge3A_1094 = arith.constant 0 : i32
        %ge3A_1095 = vector.broadcast %ge3A_1094 : i32 to vector<16xi32>
        %ge3A_1096 = arith.cmpi sge, %sub3A_1093, %ge3A_1095 : vector<16xi32>
        %lt3A_1097 = arith.constant 80000 : i32
        %lt3A_1098 = vector.broadcast %lt3A_1097 : i32 to vector<16xi32>
        %lt3A_1099 = arith.cmpi slt, %sub3A_1093, %lt3A_1098 : vector<16xi32>
        %and3A_1100 = arith.andi %ge3A_1096, %lt3A_1099 : vector<16xi1>
        %and3A_1101 = arith.constant 1023 : i32
        %and3A_1102 = vector.broadcast %and3A_1101 : i32 to vector<16xi32>
        %and3A_1103 = arith.andi %add3A_1091, %and3A_1102 : vector<16xi32>
        %add3A_1104 = arith.constant 80000 : i32
        %add3A_1105 = vector.broadcast %add3A_1104 : i32 to vector<16xi32>
        %add3A_1106 = arith.addi %add3A_1105, %and3A_1103 : vector<16xi32>
        %select_n3A_1107 = arith.select %and3A_1100, %sub3A_1093, %add3A_1106 : vector<16xi1>, vector<16xi32>
        %swap3A_1108 = arith.index_cast %add3A_1018 : i32 to index
        %swap3A_1109 = arith.constant 16 : index
        %swap3A_1110 = tpu.vector_load %arg11[%swap3A_1108, %swap3A_1109] {strides = array<i32>} : memref<181x112xi32, #tpu.memory_space<vmem>>, vector<1x16xi32>,
        %swap3A_1111 = vector.shape_cast %swap3A_1110 : vector<1x16xi32> to vector<16xi32>
        %swap3A_1112 = vector.shape_cast %select_n3A_1107 : vector<16xi32> to vector<1x16xi32>
        tpu.vector_store %arg11[%swap3A_1108, %swap3A_1109], %swap3A_1112 {strides = array<i32>} : memref<181x112xi32, #tpu.memory_space<vmem>>, vector<1x16xi32>,
        %get3A_1113 = arith.index_cast %add3A_1018 : i32 to index
        %get3A_1114 = arith.constant 32 : index
        %get3A_1115 = tpu.vector_load %arg9[%get3A_1113, %get3A_1114] {strides = array<i32>} : memref<181x112xi32, #tpu.memory_space<vmem>>, vector<1x16xi32>,
        %get3A_1116 = vector.shape_cast %get3A_1115 : vector<1x16xi32> to vector<16xi32>
        %mul3A_1117 = arith.constant 2 : i32
        %mul3A_1118 = vector.broadcast %mul3A_1117 : i32 to vector<16xi32>
        %mul3A_1119 = arith.muli %get3A_1116, %mul3A_1118 : vector<16xi32>
        %add3A_1120 = vector.broadcast %arg0 : i32 to vector<16xi32>
        %add3A_1121 = arith.addi %mul3A_1119, %add3A_1120 : vector<16xi32>
        %swap3A_1122 = arith.index_cast %add3A_1018 : i32 to index
        %swap3A_1123 = arith.constant 32 : index
        %swap3A_1124 = tpu.vector_load %arg9[%swap3A_1122, %swap3A_1123] {strides = array<i32>} : memref<181x112xi32, #tpu.memory_space<vmem>>, vector<1x16xi32>,
        %swap3A_1125 = vector.shape_cast %swap3A_1124 : vector<1x16xi32> to vector<16xi32>
        %swap3A_1126 = vector.shape_cast %add3A_1121 : vector<16xi32> to vector<1x16xi32>
        tpu.vector_store %arg9[%swap3A_1122, %swap3A_1123], %swap3A_1126 {strides = array<i32>} : memref<181x112xi32, #tpu.memory_space<vmem>>, vector<1x16xi32>,
        %get3A_1127 = arith.index_cast %add3A_1018 : i32 to index
        %get3A_1128 = arith.constant 32 : index
        %get3A_1129 = tpu.vector_load %arg10[%get3A_1127, %get3A_1128] {strides = array<i32>} : memref<181x112xi32, #tpu.memory_space<vmem>>, vector<1x16xi32>,
        %get3A_1130 = vector.shape_cast %get3A_1129 : vector<1x16xi32> to vector<16xi32>
        %mul3A_1131 = arith.constant 16 : i32
        %mul3A_1132 = vector.broadcast %mul3A_1131 : i32 to vector<16xi32>
        %mul3A_1133 = arith.muli %get3A_1130, %mul3A_1132 : vector<16xi32>
        %get3A_1134 = arith.index_cast %add3A_1018 : i32 to index
        %get3A_1135 = arith.constant 32 : index
        %get3A_1136 = tpu.vector_load %arg11[%get3A_1134, %get3A_1135] {strides = array<i32>} : memref<181x112xi32, #tpu.memory_space<vmem>>, vector<1x16xi32>,
        %get3A_1137 = vector.shape_cast %get3A_1136 : vector<1x16xi32> to vector<16xi32>
        %add3A_1138 = arith.addi %mul3A_1133, %get3A_1137 : vector<16xi32>
        %sub3A_1139 = vector.broadcast %mul3A_94 : i32 to vector<16xi32>
        %sub3A_1140 = arith.subi %add3A_1138, %sub3A_1139 : vector<16xi32>
        %ge3A_1141 = arith.constant 0 : i32
        %ge3A_1142 = vector.broadcast %ge3A_1141 : i32 to vector<16xi32>
        %ge3A_1143 = arith.cmpi sge, %sub3A_1140, %ge3A_1142 : vector<16xi32>
        %lt3A_1144 = arith.constant 80000 : i32
        %lt3A_1145 = vector.broadcast %lt3A_1144 : i32 to vector<16xi32>
        %lt3A_1146 = arith.cmpi slt, %sub3A_1140, %lt3A_1145 : vector<16xi32>
        %and3A_1147 = arith.andi %ge3A_1143, %lt3A_1146 : vector<16xi1>
        %and3A_1148 = arith.constant 1023 : i32
        %and3A_1149 = vector.broadcast %and3A_1148 : i32 to vector<16xi32>
        %and3A_1150 = arith.andi %add3A_1138, %and3A_1149 : vector<16xi32>
        %add3A_1151 = arith.constant 80000 : i32
        %add3A_1152 = vector.broadcast %add3A_1151 : i32 to vector<16xi32>
        %add3A_1153 = arith.addi %add3A_1152, %and3A_1150 : vector<16xi32>
        %select_n3A_1154 = arith.select %and3A_1147, %sub3A_1140, %add3A_1153 : vector<16xi1>, vector<16xi32>
        %swap3A_1155 = arith.index_cast %add3A_1018 : i32 to index
        %swap3A_1156 = arith.constant 32 : index
        %swap3A_1157 = tpu.vector_load %arg11[%swap3A_1155, %swap3A_1156] {strides = array<i32>} : memref<181x112xi32, #tpu.memory_space<vmem>>, vector<1x16xi32>,
        %swap3A_1158 = vector.shape_cast %swap3A_1157 : vector<1x16xi32> to vector<16xi32>
        %swap3A_1159 = vector.shape_cast %select_n3A_1154 : vector<16xi32> to vector<1x16xi32>
        tpu.vector_store %arg11[%swap3A_1155, %swap3A_1156], %swap3A_1159 {strides = array<i32>} : memref<181x112xi32, #tpu.memory_space<vmem>>, vector<1x16xi32>,
        %get3A_1160 = arith.index_cast %add3A_1018 : i32 to index
        %get3A_1161 = arith.constant 48 : index
        %get3A_1162 = tpu.vector_load %arg9[%get3A_1160, %get3A_1161] {strides = array<i32>} : memref<181x112xi32, #tpu.memory_space<vmem>>, vector<1x16xi32>,
        %get3A_1163 = vector.shape_cast %get3A_1162 : vector<1x16xi32> to vector<16xi32>
        %mul3A_1164 = arith.constant 2 : i32
        %mul3A_1165 = vector.broadcast %mul3A_1164 : i32 to vector<16xi32>
        %mul3A_1166 = arith.muli %get3A_1163, %mul3A_1165 : vector<16xi32>
        %add3A_1167 = vector.broadcast %arg0 : i32 to vector<16xi32>
        %add3A_1168 = arith.addi %mul3A_1166, %add3A_1167 : vector<16xi32>
        %swap3A_1169 = arith.index_cast %add3A_1018 : i32 to index
        %swap3A_1170 = arith.constant 48 : index
        %swap3A_1171 = tpu.vector_load %arg9[%swap3A_1169, %swap3A_1170] {strides = array<i32>} : memref<181x112xi32, #tpu.memory_space<vmem>>, vector<1x16xi32>,
        %swap3A_1172 = vector.shape_cast %swap3A_1171 : vector<1x16xi32> to vector<16xi32>
        %swap3A_1173 = vector.shape_cast %add3A_1168 : vector<16xi32> to vector<1x16xi32>
        tpu.vector_store %arg9[%swap3A_1169, %swap3A_1170], %swap3A_1173 {strides = array<i32>} : memref<181x112xi32, #tpu.memory_space<vmem>>, vector<1x16xi32>,
        %get3A_1174 = arith.index_cast %add3A_1018 : i32 to index
        %get3A_1175 = arith.constant 48 : index
        %get3A_1176 = tpu.vector_load %arg10[%get3A_1174, %get3A_1175] {strides = array<i32>} : memref<181x112xi32, #tpu.memory_space<vmem>>, vector<1x16xi32>,
        %get3A_1177 = vector.shape_cast %get3A_1176 : vector<1x16xi32> to vector<16xi32>
        %mul3A_1178 = arith.constant 16 : i32
        %mul3A_1179 = vector.broadcast %mul3A_1178 : i32 to vector<16xi32>
        %mul3A_1180 = arith.muli %get3A_1177, %mul3A_1179 : vector<16xi32>
        %get3A_1181 = arith.index_cast %add3A_1018 : i32 to index
        %get3A_1182 = arith.constant 48 : index
        %get3A_1183 = tpu.vector_load %arg11[%get3A_1181, %get3A_1182] {strides = array<i32>} : memref<181x112xi32, #tpu.memory_space<vmem>>, vector<1x16xi32>,
        %get3A_1184 = vector.shape_cast %get3A_1183 : vector<1x16xi32> to vector<16xi32>
        %add3A_1185 = arith.addi %mul3A_1180, %get3A_1184 : vector<16xi32>
        %sub3A_1186 = vector.broadcast %mul3A_94 : i32 to vector<16xi32>
        %sub3A_1187 = arith.subi %add3A_1185, %sub3A_1186 : vector<16xi32>
        %ge3A_1188 = arith.constant 0 : i32
        %ge3A_1189 = vector.broadcast %ge3A_1188 : i32 to vector<16xi32>
        %ge3A_1190 = arith.cmpi sge, %sub3A_1187, %ge3A_1189 : vector<16xi32>
        %lt3A_1191 = arith.constant 80000 : i32
        %lt3A_1192 = vector.broadcast %lt3A_1191 : i32 to vector<16xi32>
        %lt3A_1193 = arith.cmpi slt, %sub3A_1187, %lt3A_1192 : vector<16xi32>
        %and3A_1194 = arith.andi %ge3A_1190, %lt3A_1193 : vector<16xi1>
        %and3A_1195 = arith.constant 1023 : i32
        %and3A_1196 = vector.broadcast %and3A_1195 : i32 to vector<16xi32>
        %and3A_1197 = arith.andi %add3A_1185, %and3A_1196 : vector<16xi32>
        %add3A_1198 = arith.constant 80000 : i32
        %add3A_1199 = vector.broadcast %add3A_1198 : i32 to vector<16xi32>
        %add3A_1200 = arith.addi %add3A_1199, %and3A_1197 : vector<16xi32>
        %select_n3A_1201 = arith.select %and3A_1194, %sub3A_1187, %add3A_1200 : vector<16xi1>, vector<16xi32>
        %swap3A_1202 = arith.index_cast %add3A_1018 : i32 to index
        %swap3A_1203 = arith.constant 48 : index
        %swap3A_1204 = tpu.vector_load %arg11[%swap3A_1202, %swap3A_1203] {strides = array<i32>} : memref<181x112xi32, #tpu.memory_space<vmem>>, vector<1x16xi32>,
        %swap3A_1205 = vector.shape_cast %swap3A_1204 : vector<1x16xi32> to vector<16xi32>
        %swap3A_1206 = vector.shape_cast %select_n3A_1201 : vector<16xi32> to vector<1x16xi32>
        tpu.vector_store %arg11[%swap3A_1202, %swap3A_1203], %swap3A_1206 {strides = array<i32>} : memref<181x112xi32, #tpu.memory_space<vmem>>, vector<1x16xi32>,
        %get3A_1207 = arith.index_cast %add3A_1018 : i32 to index
        %get3A_1208 = arith.constant 64 : index
        %get3A_1209 = tpu.vector_load %arg9[%get3A_1207, %get3A_1208] {strides = array<i32>} : memref<181x112xi32, #tpu.memory_space<vmem>>, vector<1x16xi32>,
        %get3A_1210 = vector.shape_cast %get3A_1209 : vector<1x16xi32> to vector<16xi32>
        %mul3A_1211 = arith.constant 2 : i32
        %mul3A_1212 = vector.broadcast %mul3A_1211 : i32 to vector<16xi32>
        %mul3A_1213 = arith.muli %get3A_1210, %mul3A_1212 : vector<16xi32>
        %add3A_1214 = vector.broadcast %arg0 : i32 to vector<16xi32>
        %add3A_1215 = arith.addi %mul3A_1213, %add3A_1214 : vector<16xi32>
        %swap3A_1216 = arith.index_cast %add3A_1018 : i32 to index
        %swap3A_1217 = arith.constant 64 : index
        %swap3A_1218 = tpu.vector_load %arg9[%swap3A_1216, %swap3A_1217] {strides = array<i32>} : memref<181x112xi32, #tpu.memory_space<vmem>>, vector<1x16xi32>,
        %swap3A_1219 = vector.shape_cast %swap3A_1218 : vector<1x16xi32> to vector<16xi32>
        %swap3A_1220 = vector.shape_cast %add3A_1215 : vector<16xi32> to vector<1x16xi32>
        tpu.vector_store %arg9[%swap3A_1216, %swap3A_1217], %swap3A_1220 {strides = array<i32>} : memref<181x112xi32, #tpu.memory_space<vmem>>, vector<1x16xi32>,
        %get3A_1221 = arith.index_cast %add3A_1018 : i32 to index
        %get3A_1222 = arith.constant 64 : index
        %get3A_1223 = tpu.vector_load %arg10[%get3A_1221, %get3A_1222] {strides = array<i32>} : memref<181x112xi32, #tpu.memory_space<vmem>>, vector<1x16xi32>,
        %get3A_1224 = vector.shape_cast %get3A_1223 : vector<1x16xi32> to vector<16xi32>
        %mul3A_1225 = arith.constant 16 : i32
        %mul3A_1226 = vector.broadcast %mul3A_1225 : i32 to vector<16xi32>
        %mul3A_1227 = arith.muli %get3A_1224, %mul3A_1226 : vector<16xi32>
        %get3A_1228 = arith.index_cast %add3A_1018 : i32 to index
        %get3A_1229 = arith.constant 64 : index
        %get3A_1230 = tpu.vector_load %arg11[%get3A_1228, %get3A_1229] {strides = array<i32>} : memref<181x112xi32, #tpu.memory_space<vmem>>, vector<1x16xi32>,
        %get3A_1231 = vector.shape_cast %get3A_1230 : vector<1x16xi32> to vector<16xi32>
        %add3A_1232 = arith.addi %mul3A_1227, %get3A_1231 : vector<16xi32>
        %sub3A_1233 = vector.broadcast %mul3A_94 : i32 to vector<16xi32>
        %sub3A_1234 = arith.subi %add3A_1232, %sub3A_1233 : vector<16xi32>
        %ge3A_1235 = arith.constant 0 : i32
        %ge3A_1236 = vector.broadcast %ge3A_1235 : i32 to vector<16xi32>
        %ge3A_1237 = arith.cmpi sge, %sub3A_1234, %ge3A_1236 : vector<16xi32>
        %lt3A_1238 = arith.constant 80000 : i32
        %lt3A_1239 = vector.broadcast %lt3A_1238 : i32 to vector<16xi32>
        %lt3A_1240 = arith.cmpi slt, %sub3A_1234, %lt3A_1239 : vector<16xi32>
        %and3A_1241 = arith.andi %ge3A_1237, %lt3A_1240 : vector<16xi1>
        %and3A_1242 = arith.constant 1023 : i32
        %and3A_1243 = vector.broadcast %and3A_1242 : i32 to vector<16xi32>
        %and3A_1244 = arith.andi %add3A_1232, %and3A_1243 : vector<16xi32>
        %add3A_1245 = arith.constant 80000 : i32
        %add3A_1246 = vector.broadcast %add3A_1245 : i32 to vector<16xi32>
        %add3A_1247 = arith.addi %add3A_1246, %and3A_1244 : vector<16xi32>
        %select_n3A_1248 = arith.select %and3A_1241, %sub3A_1234, %add3A_1247 : vector<16xi1>, vector<16xi32>
        %swap3A_1249 = arith.index_cast %add3A_1018 : i32 to index
        %swap3A_1250 = arith.constant 64 : index
        %swap3A_1251 = tpu.vector_load %arg11[%swap3A_1249, %swap3A_1250] {strides = array<i32>} : memref<181x112xi32, #tpu.memory_space<vmem>>, vector<1x16xi32>,
        %swap3A_1252 = vector.shape_cast %swap3A_1251 : vector<1x16xi32> to vector<16xi32>
        %swap3A_1253 = vector.shape_cast %select_n3A_1248 : vector<16xi32> to vector<1x16xi32>
        tpu.vector_store %arg11[%swap3A_1249, %swap3A_1250], %swap3A_1253 {strides = array<i32>} : memref<181x112xi32, #tpu.memory_space<vmem>>, vector<1x16xi32>,
        %get3A_1254 = arith.index_cast %add3A_1018 : i32 to index
        %get3A_1255 = arith.constant 80 : index
        %get3A_1256 = tpu.vector_load %arg9[%get3A_1254, %get3A_1255] {strides = array<i32>} : memref<181x112xi32, #tpu.memory_space<vmem>>, vector<1x16xi32>,
        %get3A_1257 = vector.shape_cast %get3A_1256 : vector<1x16xi32> to vector<16xi32>
        %mul3A_1258 = arith.constant 2 : i32
        %mul3A_1259 = vector.broadcast %mul3A_1258 : i32 to vector<16xi32>
        %mul3A_1260 = arith.muli %get3A_1257, %mul3A_1259 : vector<16xi32>
        %add3A_1261 = vector.broadcast %arg0 : i32 to vector<16xi32>
        %add3A_1262 = arith.addi %mul3A_1260, %add3A_1261 : vector<16xi32>
        %swap3A_1263 = arith.index_cast %add3A_1018 : i32 to index
        %swap3A_1264 = arith.constant 80 : index
        %swap3A_1265 = tpu.vector_load %arg9[%swap3A_1263, %swap3A_1264] {strides = array<i32>} : memref<181x112xi32, #tpu.memory_space<vmem>>, vector<1x16xi32>,
        %swap3A_1266 = vector.shape_cast %swap3A_1265 : vector<1x16xi32> to vector<16xi32>
        %swap3A_1267 = vector.shape_cast %add3A_1262 : vector<16xi32> to vector<1x16xi32>
        tpu.vector_store %arg9[%swap3A_1263, %swap3A_1264], %swap3A_1267 {strides = array<i32>} : memref<181x112xi32, #tpu.memory_space<vmem>>, vector<1x16xi32>,
        %get3A_1268 = arith.index_cast %add3A_1018 : i32 to index
        %get3A_1269 = arith.constant 80 : index
        %get3A_1270 = tpu.vector_load %arg10[%get3A_1268, %get3A_1269] {strides = array<i32>} : memref<181x112xi32, #tpu.memory_space<vmem>>, vector<1x16xi32>,
        %get3A_1271 = vector.shape_cast %get3A_1270 : vector<1x16xi32> to vector<16xi32>
        %mul3A_1272 = arith.constant 16 : i32
        %mul3A_1273 = vector.broadcast %mul3A_1272 : i32 to vector<16xi32>
        %mul3A_1274 = arith.muli %get3A_1271, %mul3A_1273 : vector<16xi32>
        %get3A_1275 = arith.index_cast %add3A_1018 : i32 to index
        %get3A_1276 = arith.constant 80 : index
        %get3A_1277 = tpu.vector_load %arg11[%get3A_1275, %get3A_1276] {strides = array<i32>} : memref<181x112xi32, #tpu.memory_space<vmem>>, vector<1x16xi32>,
        %get3A_1278 = vector.shape_cast %get3A_1277 : vector<1x16xi32> to vector<16xi32>
        %add3A_1279 = arith.addi %mul3A_1274, %get3A_1278 : vector<16xi32>
        %sub3A_1280 = vector.broadcast %mul3A_94 : i32 to vector<16xi32>
        %sub3A_1281 = arith.subi %add3A_1279, %sub3A_1280 : vector<16xi32>
        %ge3A_1282 = arith.constant 0 : i32
        %ge3A_1283 = vector.broadcast %ge3A_1282 : i32 to vector<16xi32>
        %ge3A_1284 = arith.cmpi sge, %sub3A_1281, %ge3A_1283 : vector<16xi32>
        %lt3A_1285 = arith.constant 80000 : i32
        %lt3A_1286 = vector.broadcast %lt3A_1285 : i32 to vector<16xi32>
        %lt3A_1287 = arith.cmpi slt, %sub3A_1281, %lt3A_1286 : vector<16xi32>
        %and3A_1288 = arith.andi %ge3A_1284, %lt3A_1287 : vector<16xi1>
        %and3A_1289 = arith.constant 1023 : i32
        %and3A_1290 = vector.broadcast %and3A_1289 : i32 to vector<16xi32>
        %and3A_1291 = arith.andi %add3A_1279, %and3A_1290 : vector<16xi32>
        %add3A_1292 = arith.constant 80000 : i32
        %add3A_1293 = vector.broadcast %add3A_1292 : i32 to vector<16xi32>
        %add3A_1294 = arith.addi %add3A_1293, %and3A_1291 : vector<16xi32>
        %select_n3A_1295 = arith.select %and3A_1288, %sub3A_1281, %add3A_1294 : vector<16xi1>, vector<16xi32>
        %swap3A_1296 = arith.index_cast %add3A_1018 : i32 to index
        %swap3A_1297 = arith.constant 80 : index
        %swap3A_1298 = tpu.vector_load %arg11[%swap3A_1296, %swap3A_1297] {strides = array<i32>} : memref<181x112xi32, #tpu.memory_space<vmem>>, vector<1x16xi32>,
        %swap3A_1299 = vector.shape_cast %swap3A_1298 : vector<1x16xi32> to vector<16xi32>
        %swap3A_1300 = vector.shape_cast %select_n3A_1295 : vector<16xi32> to vector<1x16xi32>
        tpu.vector_store %arg11[%swap3A_1296, %swap3A_1297], %swap3A_1300 {strides = array<i32>} : memref<181x112xi32, #tpu.memory_space<vmem>>, vector<1x16xi32>,
        %get3A_1301 = arith.index_cast %add3A_1018 : i32 to index
        %get3A_1302 = arith.constant 96 : index
        %get3A_1303 = tpu.vector_load %arg9[%get3A_1301, %get3A_1302] {strides = array<i32>} : memref<181x112xi32, #tpu.memory_space<vmem>>, vector<1x16xi32>,
        %get3A_1304 = vector.shape_cast %get3A_1303 : vector<1x16xi32> to vector<16xi32>
        %mul3A_1305 = arith.constant 2 : i32
        %mul3A_1306 = vector.broadcast %mul3A_1305 : i32 to vector<16xi32>
        %mul3A_1307 = arith.muli %get3A_1304, %mul3A_1306 : vector<16xi32>
        %add3A_1308 = vector.broadcast %arg0 : i32 to vector<16xi32>
        %add3A_1309 = arith.addi %mul3A_1307, %add3A_1308 : vector<16xi32>
        %swap3A_1310 = arith.index_cast %add3A_1018 : i32 to index
        %swap3A_1311 = arith.constant 96 : index
        %swap3A_1312 = tpu.vector_load %arg9[%swap3A_1310, %swap3A_1311] {strides = array<i32>} : memref<181x112xi32, #tpu.memory_space<vmem>>, vector<1x16xi32>,
        %swap3A_1313 = vector.shape_cast %swap3A_1312 : vector<1x16xi32> to vector<16xi32>
        %swap3A_1314 = vector.shape_cast %add3A_1309 : vector<16xi32> to vector<1x16xi32>
        tpu.vector_store %arg9[%swap3A_1310, %swap3A_1311], %swap3A_1314 {strides = array<i32>} : memref<181x112xi32, #tpu.memory_space<vmem>>, vector<1x16xi32>,
        %get3A_1315 = arith.index_cast %add3A_1018 : i32 to index
        %get3A_1316 = arith.constant 96 : index
        %get3A_1317 = tpu.vector_load %arg10[%get3A_1315, %get3A_1316] {strides = array<i32>} : memref<181x112xi32, #tpu.memory_space<vmem>>, vector<1x16xi32>,
        %get3A_1318 = vector.shape_cast %get3A_1317 : vector<1x16xi32> to vector<16xi32>
        %mul3A_1319 = arith.constant 16 : i32
        %mul3A_1320 = vector.broadcast %mul3A_1319 : i32 to vector<16xi32>
        %mul3A_1321 = arith.muli %get3A_1318, %mul3A_1320 : vector<16xi32>
        %get3A_1322 = arith.index_cast %add3A_1018 : i32 to index
        %get3A_1323 = arith.constant 96 : index
        %get3A_1324 = tpu.vector_load %arg11[%get3A_1322, %get3A_1323] {strides = array<i32>} : memref<181x112xi32, #tpu.memory_space<vmem>>, vector<1x16xi32>,
        %get3A_1325 = vector.shape_cast %get3A_1324 : vector<1x16xi32> to vector<16xi32>
        %add3A_1326 = arith.addi %mul3A_1321, %get3A_1325 : vector<16xi32>
        %sub3A_1327 = vector.broadcast %mul3A_94 : i32 to vector<16xi32>
        %sub3A_1328 = arith.subi %add3A_1326, %sub3A_1327 : vector<16xi32>
        %ge3A_1329 = arith.constant 0 : i32
        %ge3A_1330 = vector.broadcast %ge3A_1329 : i32 to vector<16xi32>
        %ge3A_1331 = arith.cmpi sge, %sub3A_1328, %ge3A_1330 : vector<16xi32>
        %lt3A_1332 = arith.constant 80000 : i32
        %lt3A_1333 = vector.broadcast %lt3A_1332 : i32 to vector<16xi32>
        %lt3A_1334 = arith.cmpi slt, %sub3A_1328, %lt3A_1333 : vector<16xi32>
        %and3A_1335 = arith.andi %ge3A_1331, %lt3A_1334 : vector<16xi1>
        %and3A_1336 = arith.constant 1023 : i32
        %and3A_1337 = vector.broadcast %and3A_1336 : i32 to vector<16xi32>
        %and3A_1338 = arith.andi %add3A_1326, %and3A_1337 : vector<16xi32>
        %add3A_1339 = arith.constant 80000 : i32
        %add3A_1340 = vector.broadcast %add3A_1339 : i32 to vector<16xi32>
        %add3A_1341 = arith.addi %add3A_1340, %and3A_1338 : vector<16xi32>
        %select_n3A_1342 = arith.select %and3A_1335, %sub3A_1328, %add3A_1341 : vector<16xi1>, vector<16xi32>
        %swap3A_1343 = arith.index_cast %add3A_1018 : i32 to index
        %swap3A_1344 = arith.constant 96 : index
        %swap3A_1345 = tpu.vector_load %arg11[%swap3A_1343, %swap3A_1344] {strides = array<i32>} : memref<181x112xi32, #tpu.memory_space<vmem>>, vector<1x16xi32>,
        %swap3A_1346 = vector.shape_cast %swap3A_1345 : vector<1x16xi32> to vector<16xi32>
        %swap3A_1347 = vector.shape_cast %select_n3A_1342 : vector<16xi32> to vector<1x16xi32>
        tpu.vector_store %arg11[%swap3A_1343, %swap3A_1344], %swap3A_1347 {strides = array<i32>} : memref<181x112xi32, #tpu.memory_space<vmem>>, vector<1x16xi32>,
        %add3A_1348 = arith.constant 2 : i32
        %add3A_1349 = arith.addi %add3A_911, %add3A_1348 : i32
        %dma_start3A_1350 = arith.constant 0 : i32
        %dma_start3A_1351 = tpu.memref_slice %arg9[%add3A_1349, %dma_start3A_1350] : memref<181x112xi32, #tpu.memory_space<vmem>> -> memref<1x112xi32, #tpu.memory_space<vmem>>
        %dma_start3A_1352 = tpu.memref_squeeze %dma_start3A_1351 : memref<1x112xi32, #tpu.memory_space<vmem>> -> memref<112xi32, #tpu.memory_space<vmem>>
        %dma_start3A_1353 = arith.constant 0 : i32
        %dma_start3A_1354 = arith.constant 0 : i32
        %dma_start3A_1355 = tpu.memref_slice %arg2[%dma_start3A_1353, %dma_start3A_1354] : memref<20000x64xf32, #tpu.memory_space<hbm>> -> memref<20000x64xf32, #tpu.memory_space<hbm>>
        tpu.enqueue_indirect_dma source(%dma_start3A_1355 : memref<20000x64xf32, #tpu.memory_space<hbm>>) target(%arg14 : memref<112x64xf32, #tpu.memory_space<vmem>>) offsets(%dma_start3A_1352 : memref<112xi32, #tpu.memory_space<vmem>>) semaphore(%arg20 : memref<!tpu.dma_semaphore, #tpu.memory_space<semaphore_mem>>)
      } else {
      }
      %ge3A_939 = arith.constant 3 : i32
      %ge3A_940 = arith.cmpi sge, %add3A_911, %ge3A_939 : i32
      %convert_element_type3A_941 = arith.extui %ge3A_940 : i1 to i32
      %cond3A_942 = arith.constant 0 : i32
      %cond3A_943 = arith.cmpi ne, %convert_element_type3A_941, %cond3A_942 : i32
      scf.if %cond3A_943 {
        %sub3A_1017 = arith.constant 3 : i32
        %sub3A_1018 = arith.subi %add3A_911, %sub3A_1017 : i32
        %dma_wait3A_1019 = arith.constant 0 : i32
        %dma_wait3A_1020 = tpu.memref_slice %arg11[%sub3A_1018, %dma_wait3A_1019] : memref<181x112xi32, #tpu.memory_space<vmem>> -> memref<1x112xi32, #tpu.memory_space<vmem>>
        %dma_wait3A_1021 = tpu.memref_squeeze %dma_wait3A_1020 : memref<1x112xi32, #tpu.memory_space<vmem>> -> memref<112xi32, #tpu.memory_space<vmem>>
        %dma_wait3A_1022 = arith.constant 0 : i32
        %dma_wait3A_1023 = tpu.memref_slice %arg17[%dma_wait3A_1022] : memref<81920xf32, #tpu.memory_space<vmem_shared>> -> memref<81920xf32, #tpu.memory_space<vmem_shared>>
        tpu.wait_indirect_dma semaphore(%arg22 : memref<!tpu.dma_semaphore, #tpu.memory_space<semaphore_mem>>) src(%arg15 : memref<112xf32, #tpu.memory_space<vmem>>) dst(%dma_wait3A_1023 : memref<81920xf32, #tpu.memory_space<vmem_shared>>)
      } else {
      }
      %add3A_944 = arith.constant 1 : i32
      %add3A_945 = arith.addi %mul3A_909, %add3A_944 : i32
      %dma_wait3A_946 = arith.constant 0 : i32
      %dma_wait3A_947 = tpu.memref_slice %arg9[%add3A_945, %dma_wait3A_946] : memref<181x112xi32, #tpu.memory_space<vmem>> -> memref<1x112xi32, #tpu.memory_space<vmem>>
      %dma_wait3A_948 = tpu.memref_squeeze %dma_wait3A_947 : memref<1x112xi32, #tpu.memory_space<vmem>> -> memref<112xi32, #tpu.memory_space<vmem>>
      %dma_wait3A_949 = arith.constant 0 : i32
      %dma_wait3A_950 = arith.constant 0 : i32
      %dma_wait3A_951 = tpu.memref_slice %arg2[%dma_wait3A_949, %dma_wait3A_950] : memref<20000x64xf32, #tpu.memory_space<hbm>> -> memref<20000x64xf32, #tpu.memory_space<hbm>>
      tpu.wait_indirect_dma semaphore(%arg19 : memref<!tpu.dma_semaphore, #tpu.memory_space<semaphore_mem>>) src(%dma_wait3A_951 : memref<20000x64xf32, #tpu.memory_space<hbm>>) dst(%arg13 : memref<112x64xf32, #tpu.memory_space<vmem>>)
      %ge3A_952 = arith.constant 1 : i32
      %ge3A_953 = arith.cmpi sge, %add3A_945, %ge3A_952 : i32
      %convert_element_type3A_954 = arith.extui %ge3A_953 : i1 to i32
      %cond3A_955 = arith.constant 0 : i32
      %cond3A_956 = arith.cmpi ne, %convert_element_type3A_954, %cond3A_955 : i32
      scf.if %cond3A_956 {
        %sub3A_1017 = arith.constant 1 : i32
        %sub3A_1018 = arith.subi %add3A_945, %sub3A_1017 : i32
        %dma_wait3A_1019 = arith.constant 0 : i32
        %dma_wait3A_1020 = tpu.memref_slice %arg10[%sub3A_1018, %dma_wait3A_1019] : memref<181x112xi32, #tpu.memory_space<vmem>> -> memref<1x112xi32, #tpu.memory_space<vmem>>
        %dma_wait3A_1021 = tpu.memref_squeeze %dma_wait3A_1020 : memref<1x112xi32, #tpu.memory_space<vmem>> -> memref<112xi32, #tpu.memory_space<vmem>>
        %dma_wait3A_1022 = arith.constant 0 : i32
        %dma_wait3A_1023 = arith.constant 0 : i32
        %dma_wait3A_1024 = tpu.memref_slice %arg16[%dma_wait3A_1022, %dma_wait3A_1023] : memref<10016x64xf32, #tpu.memory_space<vmem_shared>> -> memref<10016x64xf32, #tpu.memory_space<vmem_shared>>
        tpu.wait_indirect_dma semaphore(%arg21 : memref<!tpu.dma_semaphore, #tpu.memory_space<semaphore_mem>>) src(%arg12 : memref<112x64xf32, #tpu.memory_space<vmem>>) dst(%dma_wait3A_1024 : memref<10016x64xf32, #tpu.memory_space<vmem_shared>>)
      } else {
      }
      %dma_start3A_957 = arith.constant 0 : i32
      %dma_start3A_958 = tpu.memref_slice %arg10[%add3A_945, %dma_start3A_957] : memref<181x112xi32, #tpu.memory_space<vmem>> -> memref<1x112xi32, #tpu.memory_space<vmem>>
      %dma_start3A_959 = tpu.memref_squeeze %dma_start3A_958 : memref<1x112xi32, #tpu.memory_space<vmem>> -> memref<112xi32, #tpu.memory_space<vmem>>
      %dma_start3A_960 = arith.constant 0 : i32
      %dma_start3A_961 = arith.constant 0 : i32
      %dma_start3A_962 = tpu.memref_slice %arg16[%dma_start3A_960, %dma_start3A_961] : memref<10016x64xf32, #tpu.memory_space<vmem_shared>> -> memref<10016x64xf32, #tpu.memory_space<vmem_shared>>
      tpu.enqueue_indirect_dma source(%arg13 : memref<112x64xf32, #tpu.memory_space<vmem>>) target(%dma_start3A_962 : memref<10016x64xf32, #tpu.memory_space<vmem_shared>>) offsets(%dma_start3A_959 : memref<112xi32, #tpu.memory_space<vmem>>) semaphore(%arg21 : memref<!tpu.dma_semaphore, #tpu.memory_space<semaphore_mem>>) {add = true}
      %dma_start3A_963 = arith.constant 0 : i32
      %dma_start3A_964 = tpu.memref_slice %arg11[%add3A_945, %dma_start3A_963] : memref<181x112xi32, #tpu.memory_space<vmem>> -> memref<1x112xi32, #tpu.memory_space<vmem>>
      %dma_start3A_965 = tpu.memref_squeeze %dma_start3A_964 : memref<1x112xi32, #tpu.memory_space<vmem>> -> memref<112xi32, #tpu.memory_space<vmem>>
      %dma_start3A_966 = arith.constant 0 : i32
      %dma_start3A_967 = tpu.memref_slice %arg17[%dma_start3A_966] : memref<81920xf32, #tpu.memory_space<vmem_shared>> -> memref<81920xf32, #tpu.memory_space<vmem_shared>>
      tpu.enqueue_indirect_dma source(%arg15 : memref<112xf32, #tpu.memory_space<vmem>>) target(%dma_start3A_967 : memref<81920xf32, #tpu.memory_space<vmem_shared>>) offsets(%dma_start3A_965 : memref<112xi32, #tpu.memory_space<vmem>>) semaphore(%arg22 : memref<!tpu.dma_semaphore, #tpu.memory_space<semaphore_mem>>) {add = true}
      %add3A_968 = arith.constant 2 : i32
      %add3A_969 = arith.addi %add3A_945, %add3A_968 : i32
      %lt3A_970 = arith.constant 181 : i32
      %lt3A_971 = arith.cmpi slt, %add3A_969, %lt3A_970 : i32
      %convert_element_type3A_972 = arith.extui %lt3A_971 : i1 to i32
      %cond3A_973 = arith.constant 0 : i32
      %cond3A_974 = arith.cmpi ne, %convert_element_type3A_972, %cond3A_973 : i32
      scf.if %cond3A_974 {
        %add3A_1017 = arith.constant 2 : i32
        %add3A_1018 = arith.addi %add3A_945, %add3A_1017 : i32
        %get3A_1019 = arith.index_cast %add3A_1018 : i32 to index
        %get3A_1020 = arith.constant 0 : index
        %get3A_1021 = tpu.vector_load %arg9[%get3A_1019, %get3A_1020] {strides = array<i32>} : memref<181x112xi32, #tpu.memory_space<vmem>>, vector<1x16xi32>,
        %get3A_1022 = vector.shape_cast %get3A_1021 : vector<1x16xi32> to vector<16xi32>
        %mul3A_1023 = arith.constant 2 : i32
        %mul3A_1024 = vector.broadcast %mul3A_1023 : i32 to vector<16xi32>
        %mul3A_1025 = arith.muli %get3A_1022, %mul3A_1024 : vector<16xi32>
        %add3A_1026 = vector.broadcast %arg0 : i32 to vector<16xi32>
        %add3A_1027 = arith.addi %mul3A_1025, %add3A_1026 : vector<16xi32>
        %swap3A_1028 = arith.index_cast %add3A_1018 : i32 to index
        %swap3A_1029 = arith.constant 0 : index
        %swap3A_1030 = tpu.vector_load %arg9[%swap3A_1028, %swap3A_1029] {strides = array<i32>} : memref<181x112xi32, #tpu.memory_space<vmem>>, vector<1x16xi32>,
        %swap3A_1031 = vector.shape_cast %swap3A_1030 : vector<1x16xi32> to vector<16xi32>
        %swap3A_1032 = vector.shape_cast %add3A_1027 : vector<16xi32> to vector<1x16xi32>
        tpu.vector_store %arg9[%swap3A_1028, %swap3A_1029], %swap3A_1032 {strides = array<i32>} : memref<181x112xi32, #tpu.memory_space<vmem>>, vector<1x16xi32>,
        %get3A_1033 = arith.index_cast %add3A_1018 : i32 to index
        %get3A_1034 = arith.constant 0 : index
        %get3A_1035 = tpu.vector_load %arg10[%get3A_1033, %get3A_1034] {strides = array<i32>} : memref<181x112xi32, #tpu.memory_space<vmem>>, vector<1x16xi32>,
        %get3A_1036 = vector.shape_cast %get3A_1035 : vector<1x16xi32> to vector<16xi32>
        %mul3A_1037 = arith.constant 16 : i32
        %mul3A_1038 = vector.broadcast %mul3A_1037 : i32 to vector<16xi32>
        %mul3A_1039 = arith.muli %get3A_1036, %mul3A_1038 : vector<16xi32>
        %get3A_1040 = arith.index_cast %add3A_1018 : i32 to index
        %get3A_1041 = arith.constant 0 : index
        %get3A_1042 = tpu.vector_load %arg11[%get3A_1040, %get3A_1041] {strides = array<i32>} : memref<181x112xi32, #tpu.memory_space<vmem>>, vector<1x16xi32>,
        %get3A_1043 = vector.shape_cast %get3A_1042 : vector<1x16xi32> to vector<16xi32>
        %add3A_1044 = arith.addi %mul3A_1039, %get3A_1043 : vector<16xi32>
        %sub3A_1045 = vector.broadcast %mul3A_94 : i32 to vector<16xi32>
        %sub3A_1046 = arith.subi %add3A_1044, %sub3A_1045 : vector<16xi32>
        %ge3A_1047 = arith.constant 0 : i32
        %ge3A_1048 = vector.broadcast %ge3A_1047 : i32 to vector<16xi32>
        %ge3A_1049 = arith.cmpi sge, %sub3A_1046, %ge3A_1048 : vector<16xi32>
        %lt3A_1050 = arith.constant 80000 : i32
        %lt3A_1051 = vector.broadcast %lt3A_1050 : i32 to vector<16xi32>
        %lt3A_1052 = arith.cmpi slt, %sub3A_1046, %lt3A_1051 : vector<16xi32>
        %and3A_1053 = arith.andi %ge3A_1049, %lt3A_1052 : vector<16xi1>
        %and3A_1054 = arith.constant 1023 : i32
        %and3A_1055 = vector.broadcast %and3A_1054 : i32 to vector<16xi32>
        %and3A_1056 = arith.andi %add3A_1044, %and3A_1055 : vector<16xi32>
        %add3A_1057 = arith.constant 80000 : i32
        %add3A_1058 = vector.broadcast %add3A_1057 : i32 to vector<16xi32>
        %add3A_1059 = arith.addi %add3A_1058, %and3A_1056 : vector<16xi32>
        %select_n3A_1060 = arith.select %and3A_1053, %sub3A_1046, %add3A_1059 : vector<16xi1>, vector<16xi32>
        %swap3A_1061 = arith.index_cast %add3A_1018 : i32 to index
        %swap3A_1062 = arith.constant 0 : index
        %swap3A_1063 = tpu.vector_load %arg11[%swap3A_1061, %swap3A_1062] {strides = array<i32>} : memref<181x112xi32, #tpu.memory_space<vmem>>, vector<1x16xi32>,
        %swap3A_1064 = vector.shape_cast %swap3A_1063 : vector<1x16xi32> to vector<16xi32>
        %swap3A_1065 = vector.shape_cast %select_n3A_1060 : vector<16xi32> to vector<1x16xi32>
        tpu.vector_store %arg11[%swap3A_1061, %swap3A_1062], %swap3A_1065 {strides = array<i32>} : memref<181x112xi32, #tpu.memory_space<vmem>>, vector<1x16xi32>,
        %get3A_1066 = arith.index_cast %add3A_1018 : i32 to index
        %get3A_1067 = arith.constant 16 : index
        %get3A_1068 = tpu.vector_load %arg9[%get3A_1066, %get3A_1067] {strides = array<i32>} : memref<181x112xi32, #tpu.memory_space<vmem>>, vector<1x16xi32>,
        %get3A_1069 = vector.shape_cast %get3A_1068 : vector<1x16xi32> to vector<16xi32>
        %mul3A_1070 = arith.constant 2 : i32
        %mul3A_1071 = vector.broadcast %mul3A_1070 : i32 to vector<16xi32>
        %mul3A_1072 = arith.muli %get3A_1069, %mul3A_1071 : vector<16xi32>
        %add3A_1073 = vector.broadcast %arg0 : i32 to vector<16xi32>
        %add3A_1074 = arith.addi %mul3A_1072, %add3A_1073 : vector<16xi32>
        %swap3A_1075 = arith.index_cast %add3A_1018 : i32 to index
        %swap3A_1076 = arith.constant 16 : index
        %swap3A_1077 = tpu.vector_load %arg9[%swap3A_1075, %swap3A_1076] {strides = array<i32>} : memref<181x112xi32, #tpu.memory_space<vmem>>, vector<1x16xi32>,
        %swap3A_1078 = vector.shape_cast %swap3A_1077 : vector<1x16xi32> to vector<16xi32>
        %swap3A_1079 = vector.shape_cast %add3A_1074 : vector<16xi32> to vector<1x16xi32>
        tpu.vector_store %arg9[%swap3A_1075, %swap3A_1076], %swap3A_1079 {strides = array<i32>} : memref<181x112xi32, #tpu.memory_space<vmem>>, vector<1x16xi32>,
        %get3A_1080 = arith.index_cast %add3A_1018 : i32 to index
        %get3A_1081 = arith.constant 16 : index
        %get3A_1082 = tpu.vector_load %arg10[%get3A_1080, %get3A_1081] {strides = array<i32>} : memref<181x112xi32, #tpu.memory_space<vmem>>, vector<1x16xi32>,
        %get3A_1083 = vector.shape_cast %get3A_1082 : vector<1x16xi32> to vector<16xi32>
        %mul3A_1084 = arith.constant 16 : i32
        %mul3A_1085 = vector.broadcast %mul3A_1084 : i32 to vector<16xi32>
        %mul3A_1086 = arith.muli %get3A_1083, %mul3A_1085 : vector<16xi32>
        %get3A_1087 = arith.index_cast %add3A_1018 : i32 to index
        %get3A_1088 = arith.constant 16 : index
        %get3A_1089 = tpu.vector_load %arg11[%get3A_1087, %get3A_1088] {strides = array<i32>} : memref<181x112xi32, #tpu.memory_space<vmem>>, vector<1x16xi32>,
        %get3A_1090 = vector.shape_cast %get3A_1089 : vector<1x16xi32> to vector<16xi32>
        %add3A_1091 = arith.addi %mul3A_1086, %get3A_1090 : vector<16xi32>
        %sub3A_1092 = vector.broadcast %mul3A_94 : i32 to vector<16xi32>
        %sub3A_1093 = arith.subi %add3A_1091, %sub3A_1092 : vector<16xi32>
        %ge3A_1094 = arith.constant 0 : i32
        %ge3A_1095 = vector.broadcast %ge3A_1094 : i32 to vector<16xi32>
        %ge3A_1096 = arith.cmpi sge, %sub3A_1093, %ge3A_1095 : vector<16xi32>
        %lt3A_1097 = arith.constant 80000 : i32
        %lt3A_1098 = vector.broadcast %lt3A_1097 : i32 to vector<16xi32>
        %lt3A_1099 = arith.cmpi slt, %sub3A_1093, %lt3A_1098 : vector<16xi32>
        %and3A_1100 = arith.andi %ge3A_1096, %lt3A_1099 : vector<16xi1>
        %and3A_1101 = arith.constant 1023 : i32
        %and3A_1102 = vector.broadcast %and3A_1101 : i32 to vector<16xi32>
        %and3A_1103 = arith.andi %add3A_1091, %and3A_1102 : vector<16xi32>
        %add3A_1104 = arith.constant 80000 : i32
        %add3A_1105 = vector.broadcast %add3A_1104 : i32 to vector<16xi32>
        %add3A_1106 = arith.addi %add3A_1105, %and3A_1103 : vector<16xi32>
        %select_n3A_1107 = arith.select %and3A_1100, %sub3A_1093, %add3A_1106 : vector<16xi1>, vector<16xi32>
        %swap3A_1108 = arith.index_cast %add3A_1018 : i32 to index
        %swap3A_1109 = arith.constant 16 : index
        %swap3A_1110 = tpu.vector_load %arg11[%swap3A_1108, %swap3A_1109] {strides = array<i32>} : memref<181x112xi32, #tpu.memory_space<vmem>>, vector<1x16xi32>,
        %swap3A_1111 = vector.shape_cast %swap3A_1110 : vector<1x16xi32> to vector<16xi32>
        %swap3A_1112 = vector.shape_cast %select_n3A_1107 : vector<16xi32> to vector<1x16xi32>
        tpu.vector_store %arg11[%swap3A_1108, %swap3A_1109], %swap3A_1112 {strides = array<i32>} : memref<181x112xi32, #tpu.memory_space<vmem>>, vector<1x16xi32>,
        %get3A_1113 = arith.index_cast %add3A_1018 : i32 to index
        %get3A_1114 = arith.constant 32 : index
        %get3A_1115 = tpu.vector_load %arg9[%get3A_1113, %get3A_1114] {strides = array<i32>} : memref<181x112xi32, #tpu.memory_space<vmem>>, vector<1x16xi32>,
        %get3A_1116 = vector.shape_cast %get3A_1115 : vector<1x16xi32> to vector<16xi32>
        %mul3A_1117 = arith.constant 2 : i32
        %mul3A_1118 = vector.broadcast %mul3A_1117 : i32 to vector<16xi32>
        %mul3A_1119 = arith.muli %get3A_1116, %mul3A_1118 : vector<16xi32>
        %add3A_1120 = vector.broadcast %arg0 : i32 to vector<16xi32>
        %add3A_1121 = arith.addi %mul3A_1119, %add3A_1120 : vector<16xi32>
        %swap3A_1122 = arith.index_cast %add3A_1018 : i32 to index
        %swap3A_1123 = arith.constant 32 : index
        %swap3A_1124 = tpu.vector_load %arg9[%swap3A_1122, %swap3A_1123] {strides = array<i32>} : memref<181x112xi32, #tpu.memory_space<vmem>>, vector<1x16xi32>,
        %swap3A_1125 = vector.shape_cast %swap3A_1124 : vector<1x16xi32> to vector<16xi32>
        %swap3A_1126 = vector.shape_cast %add3A_1121 : vector<16xi32> to vector<1x16xi32>
        tpu.vector_store %arg9[%swap3A_1122, %swap3A_1123], %swap3A_1126 {strides = array<i32>} : memref<181x112xi32, #tpu.memory_space<vmem>>, vector<1x16xi32>,
        %get3A_1127 = arith.index_cast %add3A_1018 : i32 to index
        %get3A_1128 = arith.constant 32 : index
        %get3A_1129 = tpu.vector_load %arg10[%get3A_1127, %get3A_1128] {strides = array<i32>} : memref<181x112xi32, #tpu.memory_space<vmem>>, vector<1x16xi32>,
        %get3A_1130 = vector.shape_cast %get3A_1129 : vector<1x16xi32> to vector<16xi32>
        %mul3A_1131 = arith.constant 16 : i32
        %mul3A_1132 = vector.broadcast %mul3A_1131 : i32 to vector<16xi32>
        %mul3A_1133 = arith.muli %get3A_1130, %mul3A_1132 : vector<16xi32>
        %get3A_1134 = arith.index_cast %add3A_1018 : i32 to index
        %get3A_1135 = arith.constant 32 : index
        %get3A_1136 = tpu.vector_load %arg11[%get3A_1134, %get3A_1135] {strides = array<i32>} : memref<181x112xi32, #tpu.memory_space<vmem>>, vector<1x16xi32>,
        %get3A_1137 = vector.shape_cast %get3A_1136 : vector<1x16xi32> to vector<16xi32>
        %add3A_1138 = arith.addi %mul3A_1133, %get3A_1137 : vector<16xi32>
        %sub3A_1139 = vector.broadcast %mul3A_94 : i32 to vector<16xi32>
        %sub3A_1140 = arith.subi %add3A_1138, %sub3A_1139 : vector<16xi32>
        %ge3A_1141 = arith.constant 0 : i32
        %ge3A_1142 = vector.broadcast %ge3A_1141 : i32 to vector<16xi32>
        %ge3A_1143 = arith.cmpi sge, %sub3A_1140, %ge3A_1142 : vector<16xi32>
        %lt3A_1144 = arith.constant 80000 : i32
        %lt3A_1145 = vector.broadcast %lt3A_1144 : i32 to vector<16xi32>
        %lt3A_1146 = arith.cmpi slt, %sub3A_1140, %lt3A_1145 : vector<16xi32>
        %and3A_1147 = arith.andi %ge3A_1143, %lt3A_1146 : vector<16xi1>
        %and3A_1148 = arith.constant 1023 : i32
        %and3A_1149 = vector.broadcast %and3A_1148 : i32 to vector<16xi32>
        %and3A_1150 = arith.andi %add3A_1138, %and3A_1149 : vector<16xi32>
        %add3A_1151 = arith.constant 80000 : i32
        %add3A_1152 = vector.broadcast %add3A_1151 : i32 to vector<16xi32>
        %add3A_1153 = arith.addi %add3A_1152, %and3A_1150 : vector<16xi32>
        %select_n3A_1154 = arith.select %and3A_1147, %sub3A_1140, %add3A_1153 : vector<16xi1>, vector<16xi32>
        %swap3A_1155 = arith.index_cast %add3A_1018 : i32 to index
        %swap3A_1156 = arith.constant 32 : index
        %swap3A_1157 = tpu.vector_load %arg11[%swap3A_1155, %swap3A_1156] {strides = array<i32>} : memref<181x112xi32, #tpu.memory_space<vmem>>, vector<1x16xi32>,
        %swap3A_1158 = vector.shape_cast %swap3A_1157 : vector<1x16xi32> to vector<16xi32>
        %swap3A_1159 = vector.shape_cast %select_n3A_1154 : vector<16xi32> to vector<1x16xi32>
        tpu.vector_store %arg11[%swap3A_1155, %swap3A_1156], %swap3A_1159 {strides = array<i32>} : memref<181x112xi32, #tpu.memory_space<vmem>>, vector<1x16xi32>,
        %get3A_1160 = arith.index_cast %add3A_1018 : i32 to index
        %get3A_1161 = arith.constant 48 : index
        %get3A_1162 = tpu.vector_load %arg9[%get3A_1160, %get3A_1161] {strides = array<i32>} : memref<181x112xi32, #tpu.memory_space<vmem>>, vector<1x16xi32>,
        %get3A_1163 = vector.shape_cast %get3A_1162 : vector<1x16xi32> to vector<16xi32>
        %mul3A_1164 = arith.constant 2 : i32
        %mul3A_1165 = vector.broadcast %mul3A_1164 : i32 to vector<16xi32>
        %mul3A_1166 = arith.muli %get3A_1163, %mul3A_1165 : vector<16xi32>
        %add3A_1167 = vector.broadcast %arg0 : i32 to vector<16xi32>
        %add3A_1168 = arith.addi %mul3A_1166, %add3A_1167 : vector<16xi32>
        %swap3A_1169 = arith.index_cast %add3A_1018 : i32 to index
        %swap3A_1170 = arith.constant 48 : index
        %swap3A_1171 = tpu.vector_load %arg9[%swap3A_1169, %swap3A_1170] {strides = array<i32>} : memref<181x112xi32, #tpu.memory_space<vmem>>, vector<1x16xi32>,
        %swap3A_1172 = vector.shape_cast %swap3A_1171 : vector<1x16xi32> to vector<16xi32>
        %swap3A_1173 = vector.shape_cast %add3A_1168 : vector<16xi32> to vector<1x16xi32>
        tpu.vector_store %arg9[%swap3A_1169, %swap3A_1170], %swap3A_1173 {strides = array<i32>} : memref<181x112xi32, #tpu.memory_space<vmem>>, vector<1x16xi32>,
        %get3A_1174 = arith.index_cast %add3A_1018 : i32 to index
        %get3A_1175 = arith.constant 48 : index
        %get3A_1176 = tpu.vector_load %arg10[%get3A_1174, %get3A_1175] {strides = array<i32>} : memref<181x112xi32, #tpu.memory_space<vmem>>, vector<1x16xi32>,
        %get3A_1177 = vector.shape_cast %get3A_1176 : vector<1x16xi32> to vector<16xi32>
        %mul3A_1178 = arith.constant 16 : i32
        %mul3A_1179 = vector.broadcast %mul3A_1178 : i32 to vector<16xi32>
        %mul3A_1180 = arith.muli %get3A_1177, %mul3A_1179 : vector<16xi32>
        %get3A_1181 = arith.index_cast %add3A_1018 : i32 to index
        %get3A_1182 = arith.constant 48 : index
        %get3A_1183 = tpu.vector_load %arg11[%get3A_1181, %get3A_1182] {strides = array<i32>} : memref<181x112xi32, #tpu.memory_space<vmem>>, vector<1x16xi32>,
        %get3A_1184 = vector.shape_cast %get3A_1183 : vector<1x16xi32> to vector<16xi32>
        %add3A_1185 = arith.addi %mul3A_1180, %get3A_1184 : vector<16xi32>
        %sub3A_1186 = vector.broadcast %mul3A_94 : i32 to vector<16xi32>
        %sub3A_1187 = arith.subi %add3A_1185, %sub3A_1186 : vector<16xi32>
        %ge3A_1188 = arith.constant 0 : i32
        %ge3A_1189 = vector.broadcast %ge3A_1188 : i32 to vector<16xi32>
        %ge3A_1190 = arith.cmpi sge, %sub3A_1187, %ge3A_1189 : vector<16xi32>
        %lt3A_1191 = arith.constant 80000 : i32
        %lt3A_1192 = vector.broadcast %lt3A_1191 : i32 to vector<16xi32>
        %lt3A_1193 = arith.cmpi slt, %sub3A_1187, %lt3A_1192 : vector<16xi32>
        %and3A_1194 = arith.andi %ge3A_1190, %lt3A_1193 : vector<16xi1>
        %and3A_1195 = arith.constant 1023 : i32
        %and3A_1196 = vector.broadcast %and3A_1195 : i32 to vector<16xi32>
        %and3A_1197 = arith.andi %add3A_1185, %and3A_1196 : vector<16xi32>
        %add3A_1198 = arith.constant 80000 : i32
        %add3A_1199 = vector.broadcast %add3A_1198 : i32 to vector<16xi32>
        %add3A_1200 = arith.addi %add3A_1199, %and3A_1197 : vector<16xi32>
        %select_n3A_1201 = arith.select %and3A_1194, %sub3A_1187, %add3A_1200 : vector<16xi1>, vector<16xi32>
        %swap3A_1202 = arith.index_cast %add3A_1018 : i32 to index
        %swap3A_1203 = arith.constant 48 : index
        %swap3A_1204 = tpu.vector_load %arg11[%swap3A_1202, %swap3A_1203] {strides = array<i32>} : memref<181x112xi32, #tpu.memory_space<vmem>>, vector<1x16xi32>,
        %swap3A_1205 = vector.shape_cast %swap3A_1204 : vector<1x16xi32> to vector<16xi32>
        %swap3A_1206 = vector.shape_cast %select_n3A_1201 : vector<16xi32> to vector<1x16xi32>
        tpu.vector_store %arg11[%swap3A_1202, %swap3A_1203], %swap3A_1206 {strides = array<i32>} : memref<181x112xi32, #tpu.memory_space<vmem>>, vector<1x16xi32>,
        %get3A_1207 = arith.index_cast %add3A_1018 : i32 to index
        %get3A_1208 = arith.constant 64 : index
        %get3A_1209 = tpu.vector_load %arg9[%get3A_1207, %get3A_1208] {strides = array<i32>} : memref<181x112xi32, #tpu.memory_space<vmem>>, vector<1x16xi32>,
        %get3A_1210 = vector.shape_cast %get3A_1209 : vector<1x16xi32> to vector<16xi32>
        %mul3A_1211 = arith.constant 2 : i32
        %mul3A_1212 = vector.broadcast %mul3A_1211 : i32 to vector<16xi32>
        %mul3A_1213 = arith.muli %get3A_1210, %mul3A_1212 : vector<16xi32>
        %add3A_1214 = vector.broadcast %arg0 : i32 to vector<16xi32>
        %add3A_1215 = arith.addi %mul3A_1213, %add3A_1214 : vector<16xi32>
        %swap3A_1216 = arith.index_cast %add3A_1018 : i32 to index
        %swap3A_1217 = arith.constant 64 : index
        %swap3A_1218 = tpu.vector_load %arg9[%swap3A_1216, %swap3A_1217] {strides = array<i32>} : memref<181x112xi32, #tpu.memory_space<vmem>>, vector<1x16xi32>,
        %swap3A_1219 = vector.shape_cast %swap3A_1218 : vector<1x16xi32> to vector<16xi32>
        %swap3A_1220 = vector.shape_cast %add3A_1215 : vector<16xi32> to vector<1x16xi32>
        tpu.vector_store %arg9[%swap3A_1216, %swap3A_1217], %swap3A_1220 {strides = array<i32>} : memref<181x112xi32, #tpu.memory_space<vmem>>, vector<1x16xi32>,
        %get3A_1221 = arith.index_cast %add3A_1018 : i32 to index
        %get3A_1222 = arith.constant 64 : index
        %get3A_1223 = tpu.vector_load %arg10[%get3A_1221, %get3A_1222] {strides = array<i32>} : memref<181x112xi32, #tpu.memory_space<vmem>>, vector<1x16xi32>,
        %get3A_1224 = vector.shape_cast %get3A_1223 : vector<1x16xi32> to vector<16xi32>
        %mul3A_1225 = arith.constant 16 : i32
        %mul3A_1226 = vector.broadcast %mul3A_1225 : i32 to vector<16xi32>
        %mul3A_1227 = arith.muli %get3A_1224, %mul3A_1226 : vector<16xi32>
        %get3A_1228 = arith.index_cast %add3A_1018 : i32 to index
        %get3A_1229 = arith.constant 64 : index
        %get3A_1230 = tpu.vector_load %arg11[%get3A_1228, %get3A_1229] {strides = array<i32>} : memref<181x112xi32, #tpu.memory_space<vmem>>, vector<1x16xi32>,
        %get3A_1231 = vector.shape_cast %get3A_1230 : vector<1x16xi32> to vector<16xi32>
        %add3A_1232 = arith.addi %mul3A_1227, %get3A_1231 : vector<16xi32>
        %sub3A_1233 = vector.broadcast %mul3A_94 : i32 to vector<16xi32>
        %sub3A_1234 = arith.subi %add3A_1232, %sub3A_1233 : vector<16xi32>
        %ge3A_1235 = arith.constant 0 : i32
        %ge3A_1236 = vector.broadcast %ge3A_1235 : i32 to vector<16xi32>
        %ge3A_1237 = arith.cmpi sge, %sub3A_1234, %ge3A_1236 : vector<16xi32>
        %lt3A_1238 = arith.constant 80000 : i32
        %lt3A_1239 = vector.broadcast %lt3A_1238 : i32 to vector<16xi32>
        %lt3A_1240 = arith.cmpi slt, %sub3A_1234, %lt3A_1239 : vector<16xi32>
        %and3A_1241 = arith.andi %ge3A_1237, %lt3A_1240 : vector<16xi1>
        %and3A_1242 = arith.constant 1023 : i32
        %and3A_1243 = vector.broadcast %and3A_1242 : i32 to vector<16xi32>
        %and3A_1244 = arith.andi %add3A_1232, %and3A_1243 : vector<16xi32>
        %add3A_1245 = arith.constant 80000 : i32
        %add3A_1246 = vector.broadcast %add3A_1245 : i32 to vector<16xi32>
        %add3A_1247 = arith.addi %add3A_1246, %and3A_1244 : vector<16xi32>
        %select_n3A_1248 = arith.select %and3A_1241, %sub3A_1234, %add3A_1247 : vector<16xi1>, vector<16xi32>
        %swap3A_1249 = arith.index_cast %add3A_1018 : i32 to index
        %swap3A_1250 = arith.constant 64 : index
        %swap3A_1251 = tpu.vector_load %arg11[%swap3A_1249, %swap3A_1250] {strides = array<i32>} : memref<181x112xi32, #tpu.memory_space<vmem>>, vector<1x16xi32>,
        %swap3A_1252 = vector.shape_cast %swap3A_1251 : vector<1x16xi32> to vector<16xi32>
        %swap3A_1253 = vector.shape_cast %select_n3A_1248 : vector<16xi32> to vector<1x16xi32>
        tpu.vector_store %arg11[%swap3A_1249, %swap3A_1250], %swap3A_1253 {strides = array<i32>} : memref<181x112xi32, #tpu.memory_space<vmem>>, vector<1x16xi32>,
        %get3A_1254 = arith.index_cast %add3A_1018 : i32 to index
        %get3A_1255 = arith.constant 80 : index
        %get3A_1256 = tpu.vector_load %arg9[%get3A_1254, %get3A_1255] {strides = array<i32>} : memref<181x112xi32, #tpu.memory_space<vmem>>, vector<1x16xi32>,
        %get3A_1257 = vector.shape_cast %get3A_1256 : vector<1x16xi32> to vector<16xi32>
        %mul3A_1258 = arith.constant 2 : i32
        %mul3A_1259 = vector.broadcast %mul3A_1258 : i32 to vector<16xi32>
        %mul3A_1260 = arith.muli %get3A_1257, %mul3A_1259 : vector<16xi32>
        %add3A_1261 = vector.broadcast %arg0 : i32 to vector<16xi32>
        %add3A_1262 = arith.addi %mul3A_1260, %add3A_1261 : vector<16xi32>
        %swap3A_1263 = arith.index_cast %add3A_1018 : i32 to index
        %swap3A_1264 = arith.constant 80 : index
        %swap3A_1265 = tpu.vector_load %arg9[%swap3A_1263, %swap3A_1264] {strides = array<i32>} : memref<181x112xi32, #tpu.memory_space<vmem>>, vector<1x16xi32>,
        %swap3A_1266 = vector.shape_cast %swap3A_1265 : vector<1x16xi32> to vector<16xi32>
        %swap3A_1267 = vector.shape_cast %add3A_1262 : vector<16xi32> to vector<1x16xi32>
        tpu.vector_store %arg9[%swap3A_1263, %swap3A_1264], %swap3A_1267 {strides = array<i32>} : memref<181x112xi32, #tpu.memory_space<vmem>>, vector<1x16xi32>,
        %get3A_1268 = arith.index_cast %add3A_1018 : i32 to index
        %get3A_1269 = arith.constant 80 : index
        %get3A_1270 = tpu.vector_load %arg10[%get3A_1268, %get3A_1269] {strides = array<i32>} : memref<181x112xi32, #tpu.memory_space<vmem>>, vector<1x16xi32>,
        %get3A_1271 = vector.shape_cast %get3A_1270 : vector<1x16xi32> to vector<16xi32>
        %mul3A_1272 = arith.constant 16 : i32
        %mul3A_1273 = vector.broadcast %mul3A_1272 : i32 to vector<16xi32>
        %mul3A_1274 = arith.muli %get3A_1271, %mul3A_1273 : vector<16xi32>
        %get3A_1275 = arith.index_cast %add3A_1018 : i32 to index
        %get3A_1276 = arith.constant 80 : index
        %get3A_1277 = tpu.vector_load %arg11[%get3A_1275, %get3A_1276] {strides = array<i32>} : memref<181x112xi32, #tpu.memory_space<vmem>>, vector<1x16xi32>,
        %get3A_1278 = vector.shape_cast %get3A_1277 : vector<1x16xi32> to vector<16xi32>
        %add3A_1279 = arith.addi %mul3A_1274, %get3A_1278 : vector<16xi32>
        %sub3A_1280 = vector.broadcast %mul3A_94 : i32 to vector<16xi32>
        %sub3A_1281 = arith.subi %add3A_1279, %sub3A_1280 : vector<16xi32>
        %ge3A_1282 = arith.constant 0 : i32
        %ge3A_1283 = vector.broadcast %ge3A_1282 : i32 to vector<16xi32>
        %ge3A_1284 = arith.cmpi sge, %sub3A_1281, %ge3A_1283 : vector<16xi32>
        %lt3A_1285 = arith.constant 80000 : i32
        %lt3A_1286 = vector.broadcast %lt3A_1285 : i32 to vector<16xi32>
        %lt3A_1287 = arith.cmpi slt, %sub3A_1281, %lt3A_1286 : vector<16xi32>
        %and3A_1288 = arith.andi %ge3A_1284, %lt3A_1287 : vector<16xi1>
        %and3A_1289 = arith.constant 1023 : i32
        %and3A_1290 = vector.broadcast %and3A_1289 : i32 to vector<16xi32>
        %and3A_1291 = arith.andi %add3A_1279, %and3A_1290 : vector<16xi32>
        %add3A_1292 = arith.constant 80000 : i32
        %add3A_1293 = vector.broadcast %add3A_1292 : i32 to vector<16xi32>
        %add3A_1294 = arith.addi %add3A_1293, %and3A_1291 : vector<16xi32>
        %select_n3A_1295 = arith.select %and3A_1288, %sub3A_1281, %add3A_1294 : vector<16xi1>, vector<16xi32>
        %swap3A_1296 = arith.index_cast %add3A_1018 : i32 to index
        %swap3A_1297 = arith.constant 80 : index
        %swap3A_1298 = tpu.vector_load %arg11[%swap3A_1296, %swap3A_1297] {strides = array<i32>} : memref<181x112xi32, #tpu.memory_space<vmem>>, vector<1x16xi32>,
        %swap3A_1299 = vector.shape_cast %swap3A_1298 : vector<1x16xi32> to vector<16xi32>
        %swap3A_1300 = vector.shape_cast %select_n3A_1295 : vector<16xi32> to vector<1x16xi32>
        tpu.vector_store %arg11[%swap3A_1296, %swap3A_1297], %swap3A_1300 {strides = array<i32>} : memref<181x112xi32, #tpu.memory_space<vmem>>, vector<1x16xi32>,
        %get3A_1301 = arith.index_cast %add3A_1018 : i32 to index
        %get3A_1302 = arith.constant 96 : index
        %get3A_1303 = tpu.vector_load %arg9[%get3A_1301, %get3A_1302] {strides = array<i32>} : memref<181x112xi32, #tpu.memory_space<vmem>>, vector<1x16xi32>,
        %get3A_1304 = vector.shape_cast %get3A_1303 : vector<1x16xi32> to vector<16xi32>
        %mul3A_1305 = arith.constant 2 : i32
        %mul3A_1306 = vector.broadcast %mul3A_1305 : i32 to vector<16xi32>
        %mul3A_1307 = arith.muli %get3A_1304, %mul3A_1306 : vector<16xi32>
        %add3A_1308 = vector.broadcast %arg0 : i32 to vector<16xi32>
        %add3A_1309 = arith.addi %mul3A_1307, %add3A_1308 : vector<16xi32>
        %swap3A_1310 = arith.index_cast %add3A_1018 : i32 to index
        %swap3A_1311 = arith.constant 96 : index
        %swap3A_1312 = tpu.vector_load %arg9[%swap3A_1310, %swap3A_1311] {strides = array<i32>} : memref<181x112xi32, #tpu.memory_space<vmem>>, vector<1x16xi32>,
        %swap3A_1313 = vector.shape_cast %swap3A_1312 : vector<1x16xi32> to vector<16xi32>
        %swap3A_1314 = vector.shape_cast %add3A_1309 : vector<16xi32> to vector<1x16xi32>
        tpu.vector_store %arg9[%swap3A_1310, %swap3A_1311], %swap3A_1314 {strides = array<i32>} : memref<181x112xi32, #tpu.memory_space<vmem>>, vector<1x16xi32>,
        %get3A_1315 = arith.index_cast %add3A_1018 : i32 to index
        %get3A_1316 = arith.constant 96 : index
        %get3A_1317 = tpu.vector_load %arg10[%get3A_1315, %get3A_1316] {strides = array<i32>} : memref<181x112xi32, #tpu.memory_space<vmem>>, vector<1x16xi32>,
        %get3A_1318 = vector.shape_cast %get3A_1317 : vector<1x16xi32> to vector<16xi32>
        %mul3A_1319 = arith.constant 16 : i32
        %mul3A_1320 = vector.broadcast %mul3A_1319 : i32 to vector<16xi32>
        %mul3A_1321 = arith.muli %get3A_1318, %mul3A_1320 : vector<16xi32>
        %get3A_1322 = arith.index_cast %add3A_1018 : i32 to index
        %get3A_1323 = arith.constant 96 : index
        %get3A_1324 = tpu.vector_load %arg11[%get3A_1322, %get3A_1323] {strides = array<i32>} : memref<181x112xi32, #tpu.memory_space<vmem>>, vector<1x16xi32>,
        %get3A_1325 = vector.shape_cast %get3A_1324 : vector<1x16xi32> to vector<16xi32>
        %add3A_1326 = arith.addi %mul3A_1321, %get3A_1325 : vector<16xi32>
        %sub3A_1327 = vector.broadcast %mul3A_94 : i32 to vector<16xi32>
        %sub3A_1328 = arith.subi %add3A_1326, %sub3A_1327 : vector<16xi32>
        %ge3A_1329 = arith.constant 0 : i32
        %ge3A_1330 = vector.broadcast %ge3A_1329 : i32 to vector<16xi32>
        %ge3A_1331 = arith.cmpi sge, %sub3A_1328, %ge3A_1330 : vector<16xi32>
        %lt3A_1332 = arith.constant 80000 : i32
        %lt3A_1333 = vector.broadcast %lt3A_1332 : i32 to vector<16xi32>
        %lt3A_1334 = arith.cmpi slt, %sub3A_1328, %lt3A_1333 : vector<16xi32>
        %and3A_1335 = arith.andi %ge3A_1331, %lt3A_1334 : vector<16xi1>
        %and3A_1336 = arith.constant 1023 : i32
        %and3A_1337 = vector.broadcast %and3A_1336 : i32 to vector<16xi32>
        %and3A_1338 = arith.andi %add3A_1326, %and3A_1337 : vector<16xi32>
        %add3A_1339 = arith.constant 80000 : i32
        %add3A_1340 = vector.broadcast %add3A_1339 : i32 to vector<16xi32>
        %add3A_1341 = arith.addi %add3A_1340, %and3A_1338 : vector<16xi32>
        %select_n3A_1342 = arith.select %and3A_1335, %sub3A_1328, %add3A_1341 : vector<16xi1>, vector<16xi32>
        %swap3A_1343 = arith.index_cast %add3A_1018 : i32 to index
        %swap3A_1344 = arith.constant 96 : index
        %swap3A_1345 = tpu.vector_load %arg11[%swap3A_1343, %swap3A_1344] {strides = array<i32>} : memref<181x112xi32, #tpu.memory_space<vmem>>, vector<1x16xi32>,
        %swap3A_1346 = vector.shape_cast %swap3A_1345 : vector<1x16xi32> to vector<16xi32>
        %swap3A_1347 = vector.shape_cast %select_n3A_1342 : vector<16xi32> to vector<1x16xi32>
        tpu.vector_store %arg11[%swap3A_1343, %swap3A_1344], %swap3A_1347 {strides = array<i32>} : memref<181x112xi32, #tpu.memory_space<vmem>>, vector<1x16xi32>,
        %add3A_1348 = arith.constant 2 : i32
        %add3A_1349 = arith.addi %add3A_945, %add3A_1348 : i32
        %dma_start3A_1350 = arith.constant 0 : i32
        %dma_start3A_1351 = tpu.memref_slice %arg9[%add3A_1349, %dma_start3A_1350] : memref<181x112xi32, #tpu.memory_space<vmem>> -> memref<1x112xi32, #tpu.memory_space<vmem>>
        %dma_start3A_1352 = tpu.memref_squeeze %dma_start3A_1351 : memref<1x112xi32, #tpu.memory_space<vmem>> -> memref<112xi32, #tpu.memory_space<vmem>>
        %dma_start3A_1353 = arith.constant 0 : i32
        %dma_start3A_1354 = arith.constant 0 : i32
        %dma_start3A_1355 = tpu.memref_slice %arg2[%dma_start3A_1353, %dma_start3A_1354] : memref<20000x64xf32, #tpu.memory_space<hbm>> -> memref<20000x64xf32, #tpu.memory_space<hbm>>
        tpu.enqueue_indirect_dma source(%dma_start3A_1355 : memref<20000x64xf32, #tpu.memory_space<hbm>>) target(%arg12 : memref<112x64xf32, #tpu.memory_space<vmem>>) offsets(%dma_start3A_1352 : memref<112xi32, #tpu.memory_space<vmem>>) semaphore(%arg18 : memref<!tpu.dma_semaphore, #tpu.memory_space<semaphore_mem>>)
      } else {
      }
      %ge3A_975 = arith.constant 3 : i32
      %ge3A_976 = arith.cmpi sge, %add3A_945, %ge3A_975 : i32
      %convert_element_type3A_977 = arith.extui %ge3A_976 : i1 to i32
      %cond3A_978 = arith.constant 0 : i32
      %cond3A_979 = arith.cmpi ne, %convert_element_type3A_977, %cond3A_978 : i32
      scf.if %cond3A_979 {
        %sub3A_1017 = arith.constant 3 : i32
        %sub3A_1018 = arith.subi %add3A_945, %sub3A_1017 : i32
        %dma_wait3A_1019 = arith.constant 0 : i32
        %dma_wait3A_1020 = tpu.memref_slice %arg11[%sub3A_1018, %dma_wait3A_1019] : memref<181x112xi32, #tpu.memory_space<vmem>> -> memref<1x112xi32, #tpu.memory_space<vmem>>
        %dma_wait3A_1021 = tpu.memref_squeeze %dma_wait3A_1020 : memref<1x112xi32, #tpu.memory_space<vmem>> -> memref<112xi32, #tpu.memory_space<vmem>>
        %dma_wait3A_1022 = arith.constant 0 : i32
        %dma_wait3A_1023 = tpu.memref_slice %arg17[%dma_wait3A_1022] : memref<81920xf32, #tpu.memory_space<vmem_shared>> -> memref<81920xf32, #tpu.memory_space<vmem_shared>>
        tpu.wait_indirect_dma semaphore(%arg22 : memref<!tpu.dma_semaphore, #tpu.memory_space<semaphore_mem>>) src(%arg15 : memref<112xf32, #tpu.memory_space<vmem>>) dst(%dma_wait3A_1023 : memref<81920xf32, #tpu.memory_space<vmem_shared>>)
      } else {
      }
      %add3A_980 = arith.constant 2 : i32
      %add3A_981 = arith.addi %mul3A_909, %add3A_980 : i32
      %dma_wait3A_982 = arith.constant 0 : i32
      %dma_wait3A_983 = tpu.memref_slice %arg9[%add3A_981, %dma_wait3A_982] : memref<181x112xi32, #tpu.memory_space<vmem>> -> memref<1x112xi32, #tpu.memory_space<vmem>>
      %dma_wait3A_984 = tpu.memref_squeeze %dma_wait3A_983 : memref<1x112xi32, #tpu.memory_space<vmem>> -> memref<112xi32, #tpu.memory_space<vmem>>
      %dma_wait3A_985 = arith.constant 0 : i32
      %dma_wait3A_986 = arith.constant 0 : i32
      %dma_wait3A_987 = tpu.memref_slice %arg2[%dma_wait3A_985, %dma_wait3A_986] : memref<20000x64xf32, #tpu.memory_space<hbm>> -> memref<20000x64xf32, #tpu.memory_space<hbm>>
      tpu.wait_indirect_dma semaphore(%arg20 : memref<!tpu.dma_semaphore, #tpu.memory_space<semaphore_mem>>) src(%dma_wait3A_987 : memref<20000x64xf32, #tpu.memory_space<hbm>>) dst(%arg14 : memref<112x64xf32, #tpu.memory_space<vmem>>)
      %ge3A_988 = arith.constant 1 : i32
      %ge3A_989 = arith.cmpi sge, %add3A_981, %ge3A_988 : i32
      %convert_element_type3A_990 = arith.extui %ge3A_989 : i1 to i32
      %cond3A_991 = arith.constant 0 : i32
      %cond3A_992 = arith.cmpi ne, %convert_element_type3A_990, %cond3A_991 : i32
      scf.if %cond3A_992 {
        %sub3A_1017 = arith.constant 1 : i32
        %sub3A_1018 = arith.subi %add3A_981, %sub3A_1017 : i32
        %dma_wait3A_1019 = arith.constant 0 : i32
        %dma_wait3A_1020 = tpu.memref_slice %arg10[%sub3A_1018, %dma_wait3A_1019] : memref<181x112xi32, #tpu.memory_space<vmem>> -> memref<1x112xi32, #tpu.memory_space<vmem>>
        %dma_wait3A_1021 = tpu.memref_squeeze %dma_wait3A_1020 : memref<1x112xi32, #tpu.memory_space<vmem>> -> memref<112xi32, #tpu.memory_space<vmem>>
        %dma_wait3A_1022 = arith.constant 0 : i32
        %dma_wait3A_1023 = arith.constant 0 : i32
        %dma_wait3A_1024 = tpu.memref_slice %arg16[%dma_wait3A_1022, %dma_wait3A_1023] : memref<10016x64xf32, #tpu.memory_space<vmem_shared>> -> memref<10016x64xf32, #tpu.memory_space<vmem_shared>>
        tpu.wait_indirect_dma semaphore(%arg21 : memref<!tpu.dma_semaphore, #tpu.memory_space<semaphore_mem>>) src(%arg13 : memref<112x64xf32, #tpu.memory_space<vmem>>) dst(%dma_wait3A_1024 : memref<10016x64xf32, #tpu.memory_space<vmem_shared>>)
      } else {
      }
      %dma_start3A_993 = arith.constant 0 : i32
      %dma_start3A_994 = tpu.memref_slice %arg10[%add3A_981, %dma_start3A_993] : memref<181x112xi32, #tpu.memory_space<vmem>> -> memref<1x112xi32, #tpu.memory_space<vmem>>
      %dma_start3A_995 = tpu.memref_squeeze %dma_start3A_994 : memref<1x112xi32, #tpu.memory_space<vmem>> -> memref<112xi32, #tpu.memory_space<vmem>>
      %dma_start3A_996 = arith.constant 0 : i32
      %dma_start3A_997 = arith.constant 0 : i32
      %dma_start3A_998 = tpu.memref_slice %arg16[%dma_start3A_996, %dma_start3A_997] : memref<10016x64xf32, #tpu.memory_space<vmem_shared>> -> memref<10016x64xf32, #tpu.memory_space<vmem_shared>>
      tpu.enqueue_indirect_dma source(%arg14 : memref<112x64xf32, #tpu.memory_space<vmem>>) target(%dma_start3A_998 : memref<10016x64xf32, #tpu.memory_space<vmem_shared>>) offsets(%dma_start3A_995 : memref<112xi32, #tpu.memory_space<vmem>>) semaphore(%arg21 : memref<!tpu.dma_semaphore, #tpu.memory_space<semaphore_mem>>) {add = true}
      %dma_start3A_999 = arith.constant 0 : i32
      %dma_start3A_1000 = tpu.memref_slice %arg11[%add3A_981, %dma_start3A_999] : memref<181x112xi32, #tpu.memory_space<vmem>> -> memref<1x112xi32, #tpu.memory_space<vmem>>
      %dma_start3A_1001 = tpu.memref_squeeze %dma_start3A_1000 : memref<1x112xi32, #tpu.memory_space<vmem>> -> memref<112xi32, #tpu.memory_space<vmem>>
      %dma_start3A_1002 = arith.constant 0 : i32
      %dma_start3A_1003 = tpu.memref_slice %arg17[%dma_start3A_1002] : memref<81920xf32, #tpu.memory_space<vmem_shared>> -> memref<81920xf32, #tpu.memory_space<vmem_shared>>
      tpu.enqueue_indirect_dma source(%arg15 : memref<112xf32, #tpu.memory_space<vmem>>) target(%dma_start3A_1003 : memref<81920xf32, #tpu.memory_space<vmem_shared>>) offsets(%dma_start3A_1001 : memref<112xi32, #tpu.memory_space<vmem>>) semaphore(%arg22 : memref<!tpu.dma_semaphore, #tpu.memory_space<semaphore_mem>>) {add = true}
      %add3A_1004 = arith.constant 2 : i32
      %add3A_1005 = arith.addi %add3A_981, %add3A_1004 : i32
      %lt3A_1006 = arith.constant 181 : i32
      %lt3A_1007 = arith.cmpi slt, %add3A_1005, %lt3A_1006 : i32
      %convert_element_type3A_1008 = arith.extui %lt3A_1007 : i1 to i32
      %cond3A_1009 = arith.constant 0 : i32
      %cond3A_1010 = arith.cmpi ne, %convert_element_type3A_1008, %cond3A_1009 : i32
      scf.if %cond3A_1010 {
        %add3A_1017 = arith.constant 2 : i32
        %add3A_1018 = arith.addi %add3A_981, %add3A_1017 : i32
        %get3A_1019 = arith.index_cast %add3A_1018 : i32 to index
        %get3A_1020 = arith.constant 0 : index
        %get3A_1021 = tpu.vector_load %arg9[%get3A_1019, %get3A_1020] {strides = array<i32>} : memref<181x112xi32, #tpu.memory_space<vmem>>, vector<1x16xi32>,
        %get3A_1022 = vector.shape_cast %get3A_1021 : vector<1x16xi32> to vector<16xi32>
        %mul3A_1023 = arith.constant 2 : i32
        %mul3A_1024 = vector.broadcast %mul3A_1023 : i32 to vector<16xi32>
        %mul3A_1025 = arith.muli %get3A_1022, %mul3A_1024 : vector<16xi32>
        %add3A_1026 = vector.broadcast %arg0 : i32 to vector<16xi32>
        %add3A_1027 = arith.addi %mul3A_1025, %add3A_1026 : vector<16xi32>
        %swap3A_1028 = arith.index_cast %add3A_1018 : i32 to index
        %swap3A_1029 = arith.constant 0 : index
        %swap3A_1030 = tpu.vector_load %arg9[%swap3A_1028, %swap3A_1029] {strides = array<i32>} : memref<181x112xi32, #tpu.memory_space<vmem>>, vector<1x16xi32>,
        %swap3A_1031 = vector.shape_cast %swap3A_1030 : vector<1x16xi32> to vector<16xi32>
        %swap3A_1032 = vector.shape_cast %add3A_1027 : vector<16xi32> to vector<1x16xi32>
        tpu.vector_store %arg9[%swap3A_1028, %swap3A_1029], %swap3A_1032 {strides = array<i32>} : memref<181x112xi32, #tpu.memory_space<vmem>>, vector<1x16xi32>,
        %get3A_1033 = arith.index_cast %add3A_1018 : i32 to index
        %get3A_1034 = arith.constant 0 : index
        %get3A_1035 = tpu.vector_load %arg10[%get3A_1033, %get3A_1034] {strides = array<i32>} : memref<181x112xi32, #tpu.memory_space<vmem>>, vector<1x16xi32>,
        %get3A_1036 = vector.shape_cast %get3A_1035 : vector<1x16xi32> to vector<16xi32>
        %mul3A_1037 = arith.constant 16 : i32
        %mul3A_1038 = vector.broadcast %mul3A_1037 : i32 to vector<16xi32>
        %mul3A_1039 = arith.muli %get3A_1036, %mul3A_1038 : vector<16xi32>
        %get3A_1040 = arith.index_cast %add3A_1018 : i32 to index
        %get3A_1041 = arith.constant 0 : index
        %get3A_1042 = tpu.vector_load %arg11[%get3A_1040, %get3A_1041] {strides = array<i32>} : memref<181x112xi32, #tpu.memory_space<vmem>>, vector<1x16xi32>,
        %get3A_1043 = vector.shape_cast %get3A_1042 : vector<1x16xi32> to vector<16xi32>
        %add3A_1044 = arith.addi %mul3A_1039, %get3A_1043 : vector<16xi32>
        %sub3A_1045 = vector.broadcast %mul3A_94 : i32 to vector<16xi32>
        %sub3A_1046 = arith.subi %add3A_1044, %sub3A_1045 : vector<16xi32>
        %ge3A_1047 = arith.constant 0 : i32
        %ge3A_1048 = vector.broadcast %ge3A_1047 : i32 to vector<16xi32>
        %ge3A_1049 = arith.cmpi sge, %sub3A_1046, %ge3A_1048 : vector<16xi32>
        %lt3A_1050 = arith.constant 80000 : i32
        %lt3A_1051 = vector.broadcast %lt3A_1050 : i32 to vector<16xi32>
        %lt3A_1052 = arith.cmpi slt, %sub3A_1046, %lt3A_1051 : vector<16xi32>
        %and3A_1053 = arith.andi %ge3A_1049, %lt3A_1052 : vector<16xi1>
        %and3A_1054 = arith.constant 1023 : i32
        %and3A_1055 = vector.broadcast %and3A_1054 : i32 to vector<16xi32>
        %and3A_1056 = arith.andi %add3A_1044, %and3A_1055 : vector<16xi32>
        %add3A_1057 = arith.constant 80000 : i32
        %add3A_1058 = vector.broadcast %add3A_1057 : i32 to vector<16xi32>
        %add3A_1059 = arith.addi %add3A_1058, %and3A_1056 : vector<16xi32>
        %select_n3A_1060 = arith.select %and3A_1053, %sub3A_1046, %add3A_1059 : vector<16xi1>, vector<16xi32>
        %swap3A_1061 = arith.index_cast %add3A_1018 : i32 to index
        %swap3A_1062 = arith.constant 0 : index
        %swap3A_1063 = tpu.vector_load %arg11[%swap3A_1061, %swap3A_1062] {strides = array<i32>} : memref<181x112xi32, #tpu.memory_space<vmem>>, vector<1x16xi32>,
        %swap3A_1064 = vector.shape_cast %swap3A_1063 : vector<1x16xi32> to vector<16xi32>
        %swap3A_1065 = vector.shape_cast %select_n3A_1060 : vector<16xi32> to vector<1x16xi32>
        tpu.vector_store %arg11[%swap3A_1061, %swap3A_1062], %swap3A_1065 {strides = array<i32>} : memref<181x112xi32, #tpu.memory_space<vmem>>, vector<1x16xi32>,
        %get3A_1066 = arith.index_cast %add3A_1018 : i32 to index
        %get3A_1067 = arith.constant 16 : index
        %get3A_1068 = tpu.vector_load %arg9[%get3A_1066, %get3A_1067] {strides = array<i32>} : memref<181x112xi32, #tpu.memory_space<vmem>>, vector<1x16xi32>,
        %get3A_1069 = vector.shape_cast %get3A_1068 : vector<1x16xi32> to vector<16xi32>
        %mul3A_1070 = arith.constant 2 : i32
        %mul3A_1071 = vector.broadcast %mul3A_1070 : i32 to vector<16xi32>
        %mul3A_1072 = arith.muli %get3A_1069, %mul3A_1071 : vector<16xi32>
        %add3A_1073 = vector.broadcast %arg0 : i32 to vector<16xi32>
        %add3A_1074 = arith.addi %mul3A_1072, %add3A_1073 : vector<16xi32>
        %swap3A_1075 = arith.index_cast %add3A_1018 : i32 to index
        %swap3A_1076 = arith.constant 16 : index
        %swap3A_1077 = tpu.vector_load %arg9[%swap3A_1075, %swap3A_1076] {strides = array<i32>} : memref<181x112xi32, #tpu.memory_space<vmem>>, vector<1x16xi32>,
        %swap3A_1078 = vector.shape_cast %swap3A_1077 : vector<1x16xi32> to vector<16xi32>
        %swap3A_1079 = vector.shape_cast %add3A_1074 : vector<16xi32> to vector<1x16xi32>
        tpu.vector_store %arg9[%swap3A_1075, %swap3A_1076], %swap3A_1079 {strides = array<i32>} : memref<181x112xi32, #tpu.memory_space<vmem>>, vector<1x16xi32>,
        %get3A_1080 = arith.index_cast %add3A_1018 : i32 to index
        %get3A_1081 = arith.constant 16 : index
        %get3A_1082 = tpu.vector_load %arg10[%get3A_1080, %get3A_1081] {strides = array<i32>} : memref<181x112xi32, #tpu.memory_space<vmem>>, vector<1x16xi32>,
        %get3A_1083 = vector.shape_cast %get3A_1082 : vector<1x16xi32> to vector<16xi32>
        %mul3A_1084 = arith.constant 16 : i32
        %mul3A_1085 = vector.broadcast %mul3A_1084 : i32 to vector<16xi32>
        %mul3A_1086 = arith.muli %get3A_1083, %mul3A_1085 : vector<16xi32>
        %get3A_1087 = arith.index_cast %add3A_1018 : i32 to index
        %get3A_1088 = arith.constant 16 : index
        %get3A_1089 = tpu.vector_load %arg11[%get3A_1087, %get3A_1088] {strides = array<i32>} : memref<181x112xi32, #tpu.memory_space<vmem>>, vector<1x16xi32>,
        %get3A_1090 = vector.shape_cast %get3A_1089 : vector<1x16xi32> to vector<16xi32>
        %add3A_1091 = arith.addi %mul3A_1086, %get3A_1090 : vector<16xi32>
        %sub3A_1092 = vector.broadcast %mul3A_94 : i32 to vector<16xi32>
        %sub3A_1093 = arith.subi %add3A_1091, %sub3A_1092 : vector<16xi32>
        %ge3A_1094 = arith.constant 0 : i32
        %ge3A_1095 = vector.broadcast %ge3A_1094 : i32 to vector<16xi32>
        %ge3A_1096 = arith.cmpi sge, %sub3A_1093, %ge3A_1095 : vector<16xi32>
        %lt3A_1097 = arith.constant 80000 : i32
        %lt3A_1098 = vector.broadcast %lt3A_1097 : i32 to vector<16xi32>
        %lt3A_1099 = arith.cmpi slt, %sub3A_1093, %lt3A_1098 : vector<16xi32>
        %and3A_1100 = arith.andi %ge3A_1096, %lt3A_1099 : vector<16xi1>
        %and3A_1101 = arith.constant 1023 : i32
        %and3A_1102 = vector.broadcast %and3A_1101 : i32 to vector<16xi32>
        %and3A_1103 = arith.andi %add3A_1091, %and3A_1102 : vector<16xi32>
        %add3A_1104 = arith.constant 80000 : i32
        %add3A_1105 = vector.broadcast %add3A_1104 : i32 to vector<16xi32>
        %add3A_1106 = arith.addi %add3A_1105, %and3A_1103 : vector<16xi32>
        %select_n3A_1107 = arith.select %and3A_1100, %sub3A_1093, %add3A_1106 : vector<16xi1>, vector<16xi32>
        %swap3A_1108 = arith.index_cast %add3A_1018 : i32 to index
        %swap3A_1109 = arith.constant 16 : index
        %swap3A_1110 = tpu.vector_load %arg11[%swap3A_1108, %swap3A_1109] {strides = array<i32>} : memref<181x112xi32, #tpu.memory_space<vmem>>, vector<1x16xi32>,
        %swap3A_1111 = vector.shape_cast %swap3A_1110 : vector<1x16xi32> to vector<16xi32>
        %swap3A_1112 = vector.shape_cast %select_n3A_1107 : vector<16xi32> to vector<1x16xi32>
        tpu.vector_store %arg11[%swap3A_1108, %swap3A_1109], %swap3A_1112 {strides = array<i32>} : memref<181x112xi32, #tpu.memory_space<vmem>>, vector<1x16xi32>,
        %get3A_1113 = arith.index_cast %add3A_1018 : i32 to index
        %get3A_1114 = arith.constant 32 : index
        %get3A_1115 = tpu.vector_load %arg9[%get3A_1113, %get3A_1114] {strides = array<i32>} : memref<181x112xi32, #tpu.memory_space<vmem>>, vector<1x16xi32>,
        %get3A_1116 = vector.shape_cast %get3A_1115 : vector<1x16xi32> to vector<16xi32>
        %mul3A_1117 = arith.constant 2 : i32
        %mul3A_1118 = vector.broadcast %mul3A_1117 : i32 to vector<16xi32>
        %mul3A_1119 = arith.muli %get3A_1116, %mul3A_1118 : vector<16xi32>
        %add3A_1120 = vector.broadcast %arg0 : i32 to vector<16xi32>
        %add3A_1121 = arith.addi %mul3A_1119, %add3A_1120 : vector<16xi32>
        %swap3A_1122 = arith.index_cast %add3A_1018 : i32 to index
        %swap3A_1123 = arith.constant 32 : index
        %swap3A_1124 = tpu.vector_load %arg9[%swap3A_1122, %swap3A_1123] {strides = array<i32>} : memref<181x112xi32, #tpu.memory_space<vmem>>, vector<1x16xi32>,
        %swap3A_1125 = vector.shape_cast %swap3A_1124 : vector<1x16xi32> to vector<16xi32>
        %swap3A_1126 = vector.shape_cast %add3A_1121 : vector<16xi32> to vector<1x16xi32>
        tpu.vector_store %arg9[%swap3A_1122, %swap3A_1123], %swap3A_1126 {strides = array<i32>} : memref<181x112xi32, #tpu.memory_space<vmem>>, vector<1x16xi32>,
        %get3A_1127 = arith.index_cast %add3A_1018 : i32 to index
        %get3A_1128 = arith.constant 32 : index
        %get3A_1129 = tpu.vector_load %arg10[%get3A_1127, %get3A_1128] {strides = array<i32>} : memref<181x112xi32, #tpu.memory_space<vmem>>, vector<1x16xi32>,
        %get3A_1130 = vector.shape_cast %get3A_1129 : vector<1x16xi32> to vector<16xi32>
        %mul3A_1131 = arith.constant 16 : i32
        %mul3A_1132 = vector.broadcast %mul3A_1131 : i32 to vector<16xi32>
        %mul3A_1133 = arith.muli %get3A_1130, %mul3A_1132 : vector<16xi32>
        %get3A_1134 = arith.index_cast %add3A_1018 : i32 to index
        %get3A_1135 = arith.constant 32 : index
        %get3A_1136 = tpu.vector_load %arg11[%get3A_1134, %get3A_1135] {strides = array<i32>} : memref<181x112xi32, #tpu.memory_space<vmem>>, vector<1x16xi32>,
        %get3A_1137 = vector.shape_cast %get3A_1136 : vector<1x16xi32> to vector<16xi32>
        %add3A_1138 = arith.addi %mul3A_1133, %get3A_1137 : vector<16xi32>
        %sub3A_1139 = vector.broadcast %mul3A_94 : i32 to vector<16xi32>
        %sub3A_1140 = arith.subi %add3A_1138, %sub3A_1139 : vector<16xi32>
        %ge3A_1141 = arith.constant 0 : i32
        %ge3A_1142 = vector.broadcast %ge3A_1141 : i32 to vector<16xi32>
        %ge3A_1143 = arith.cmpi sge, %sub3A_1140, %ge3A_1142 : vector<16xi32>
        %lt3A_1144 = arith.constant 80000 : i32
        %lt3A_1145 = vector.broadcast %lt3A_1144 : i32 to vector<16xi32>
        %lt3A_1146 = arith.cmpi slt, %sub3A_1140, %lt3A_1145 : vector<16xi32>
        %and3A_1147 = arith.andi %ge3A_1143, %lt3A_1146 : vector<16xi1>
        %and3A_1148 = arith.constant 1023 : i32
        %and3A_1149 = vector.broadcast %and3A_1148 : i32 to vector<16xi32>
        %and3A_1150 = arith.andi %add3A_1138, %and3A_1149 : vector<16xi32>
        %add3A_1151 = arith.constant 80000 : i32
        %add3A_1152 = vector.broadcast %add3A_1151 : i32 to vector<16xi32>
        %add3A_1153 = arith.addi %add3A_1152, %and3A_1150 : vector<16xi32>
        %select_n3A_1154 = arith.select %and3A_1147, %sub3A_1140, %add3A_1153 : vector<16xi1>, vector<16xi32>
        %swap3A_1155 = arith.index_cast %add3A_1018 : i32 to index
        %swap3A_1156 = arith.constant 32 : index
        %swap3A_1157 = tpu.vector_load %arg11[%swap3A_1155, %swap3A_1156] {strides = array<i32>} : memref<181x112xi32, #tpu.memory_space<vmem>>, vector<1x16xi32>,
        %swap3A_1158 = vector.shape_cast %swap3A_1157 : vector<1x16xi32> to vector<16xi32>
        %swap3A_1159 = vector.shape_cast %select_n3A_1154 : vector<16xi32> to vector<1x16xi32>
        tpu.vector_store %arg11[%swap3A_1155, %swap3A_1156], %swap3A_1159 {strides = array<i32>} : memref<181x112xi32, #tpu.memory_space<vmem>>, vector<1x16xi32>,
        %get3A_1160 = arith.index_cast %add3A_1018 : i32 to index
        %get3A_1161 = arith.constant 48 : index
        %get3A_1162 = tpu.vector_load %arg9[%get3A_1160, %get3A_1161] {strides = array<i32>} : memref<181x112xi32, #tpu.memory_space<vmem>>, vector<1x16xi32>,
        %get3A_1163 = vector.shape_cast %get3A_1162 : vector<1x16xi32> to vector<16xi32>
        %mul3A_1164 = arith.constant 2 : i32
        %mul3A_1165 = vector.broadcast %mul3A_1164 : i32 to vector<16xi32>
        %mul3A_1166 = arith.muli %get3A_1163, %mul3A_1165 : vector<16xi32>
        %add3A_1167 = vector.broadcast %arg0 : i32 to vector<16xi32>
        %add3A_1168 = arith.addi %mul3A_1166, %add3A_1167 : vector<16xi32>
        %swap3A_1169 = arith.index_cast %add3A_1018 : i32 to index
        %swap3A_1170 = arith.constant 48 : index
        %swap3A_1171 = tpu.vector_load %arg9[%swap3A_1169, %swap3A_1170] {strides = array<i32>} : memref<181x112xi32, #tpu.memory_space<vmem>>, vector<1x16xi32>,
        %swap3A_1172 = vector.shape_cast %swap3A_1171 : vector<1x16xi32> to vector<16xi32>
        %swap3A_1173 = vector.shape_cast %add3A_1168 : vector<16xi32> to vector<1x16xi32>
        tpu.vector_store %arg9[%swap3A_1169, %swap3A_1170], %swap3A_1173 {strides = array<i32>} : memref<181x112xi32, #tpu.memory_space<vmem>>, vector<1x16xi32>,
        %get3A_1174 = arith.index_cast %add3A_1018 : i32 to index
        %get3A_1175 = arith.constant 48 : index
        %get3A_1176 = tpu.vector_load %arg10[%get3A_1174, %get3A_1175] {strides = array<i32>} : memref<181x112xi32, #tpu.memory_space<vmem>>, vector<1x16xi32>,
        %get3A_1177 = vector.shape_cast %get3A_1176 : vector<1x16xi32> to vector<16xi32>
        %mul3A_1178 = arith.constant 16 : i32
        %mul3A_1179 = vector.broadcast %mul3A_1178 : i32 to vector<16xi32>
        %mul3A_1180 = arith.muli %get3A_1177, %mul3A_1179 : vector<16xi32>
        %get3A_1181 = arith.index_cast %add3A_1018 : i32 to index
        %get3A_1182 = arith.constant 48 : index
        %get3A_1183 = tpu.vector_load %arg11[%get3A_1181, %get3A_1182] {strides = array<i32>} : memref<181x112xi32, #tpu.memory_space<vmem>>, vector<1x16xi32>,
        %get3A_1184 = vector.shape_cast %get3A_1183 : vector<1x16xi32> to vector<16xi32>
        %add3A_1185 = arith.addi %mul3A_1180, %get3A_1184 : vector<16xi32>
        %sub3A_1186 = vector.broadcast %mul3A_94 : i32 to vector<16xi32>
        %sub3A_1187 = arith.subi %add3A_1185, %sub3A_1186 : vector<16xi32>
        %ge3A_1188 = arith.constant 0 : i32
        %ge3A_1189 = vector.broadcast %ge3A_1188 : i32 to vector<16xi32>
        %ge3A_1190 = arith.cmpi sge, %sub3A_1187, %ge3A_1189 : vector<16xi32>
        %lt3A_1191 = arith.constant 80000 : i32
        %lt3A_1192 = vector.broadcast %lt3A_1191 : i32 to vector<16xi32>
        %lt3A_1193 = arith.cmpi slt, %sub3A_1187, %lt3A_1192 : vector<16xi32>
        %and3A_1194 = arith.andi %ge3A_1190, %lt3A_1193 : vector<16xi1>
        %and3A_1195 = arith.constant 1023 : i32
        %and3A_1196 = vector.broadcast %and3A_1195 : i32 to vector<16xi32>
        %and3A_1197 = arith.andi %add3A_1185, %and3A_1196 : vector<16xi32>
        %add3A_1198 = arith.constant 80000 : i32
        %add3A_1199 = vector.broadcast %add3A_1198 : i32 to vector<16xi32>
        %add3A_1200 = arith.addi %add3A_1199, %and3A_1197 : vector<16xi32>
        %select_n3A_1201 = arith.select %and3A_1194, %sub3A_1187, %add3A_1200 : vector<16xi1>, vector<16xi32>
        %swap3A_1202 = arith.index_cast %add3A_1018 : i32 to index
        %swap3A_1203 = arith.constant 48 : index
        %swap3A_1204 = tpu.vector_load %arg11[%swap3A_1202, %swap3A_1203] {strides = array<i32>} : memref<181x112xi32, #tpu.memory_space<vmem>>, vector<1x16xi32>,
        %swap3A_1205 = vector.shape_cast %swap3A_1204 : vector<1x16xi32> to vector<16xi32>
        %swap3A_1206 = vector.shape_cast %select_n3A_1201 : vector<16xi32> to vector<1x16xi32>
        tpu.vector_store %arg11[%swap3A_1202, %swap3A_1203], %swap3A_1206 {strides = array<i32>} : memref<181x112xi32, #tpu.memory_space<vmem>>, vector<1x16xi32>,
        %get3A_1207 = arith.index_cast %add3A_1018 : i32 to index
        %get3A_1208 = arith.constant 64 : index
        %get3A_1209 = tpu.vector_load %arg9[%get3A_1207, %get3A_1208] {strides = array<i32>} : memref<181x112xi32, #tpu.memory_space<vmem>>, vector<1x16xi32>,
        %get3A_1210 = vector.shape_cast %get3A_1209 : vector<1x16xi32> to vector<16xi32>
        %mul3A_1211 = arith.constant 2 : i32
        %mul3A_1212 = vector.broadcast %mul3A_1211 : i32 to vector<16xi32>
        %mul3A_1213 = arith.muli %get3A_1210, %mul3A_1212 : vector<16xi32>
        %add3A_1214 = vector.broadcast %arg0 : i32 to vector<16xi32>
        %add3A_1215 = arith.addi %mul3A_1213, %add3A_1214 : vector<16xi32>
        %swap3A_1216 = arith.index_cast %add3A_1018 : i32 to index
        %swap3A_1217 = arith.constant 64 : index
        %swap3A_1218 = tpu.vector_load %arg9[%swap3A_1216, %swap3A_1217] {strides = array<i32>} : memref<181x112xi32, #tpu.memory_space<vmem>>, vector<1x16xi32>,
        %swap3A_1219 = vector.shape_cast %swap3A_1218 : vector<1x16xi32> to vector<16xi32>
        %swap3A_1220 = vector.shape_cast %add3A_1215 : vector<16xi32> to vector<1x16xi32>
        tpu.vector_store %arg9[%swap3A_1216, %swap3A_1217], %swap3A_1220 {strides = array<i32>} : memref<181x112xi32, #tpu.memory_space<vmem>>, vector<1x16xi32>,
        %get3A_1221 = arith.index_cast %add3A_1018 : i32 to index
        %get3A_1222 = arith.constant 64 : index
        %get3A_1223 = tpu.vector_load %arg10[%get3A_1221, %get3A_1222] {strides = array<i32>} : memref<181x112xi32, #tpu.memory_space<vmem>>, vector<1x16xi32>,
        %get3A_1224 = vector.shape_cast %get3A_1223 : vector<1x16xi32> to vector<16xi32>
        %mul3A_1225 = arith.constant 16 : i32
        %mul3A_1226 = vector.broadcast %mul3A_1225 : i32 to vector<16xi32>
        %mul3A_1227 = arith.muli %get3A_1224, %mul3A_1226 : vector<16xi32>
        %get3A_1228 = arith.index_cast %add3A_1018 : i32 to index
        %get3A_1229 = arith.constant 64 : index
        %get3A_1230 = tpu.vector_load %arg11[%get3A_1228, %get3A_1229] {strides = array<i32>} : memref<181x112xi32, #tpu.memory_space<vmem>>, vector<1x16xi32>,
        %get3A_1231 = vector.shape_cast %get3A_1230 : vector<1x16xi32> to vector<16xi32>
        %add3A_1232 = arith.addi %mul3A_1227, %get3A_1231 : vector<16xi32>
        %sub3A_1233 = vector.broadcast %mul3A_94 : i32 to vector<16xi32>
        %sub3A_1234 = arith.subi %add3A_1232, %sub3A_1233 : vector<16xi32>
        %ge3A_1235 = arith.constant 0 : i32
        %ge3A_1236 = vector.broadcast %ge3A_1235 : i32 to vector<16xi32>
        %ge3A_1237 = arith.cmpi sge, %sub3A_1234, %ge3A_1236 : vector<16xi32>
        %lt3A_1238 = arith.constant 80000 : i32
        %lt3A_1239 = vector.broadcast %lt3A_1238 : i32 to vector<16xi32>
        %lt3A_1240 = arith.cmpi slt, %sub3A_1234, %lt3A_1239 : vector<16xi32>
        %and3A_1241 = arith.andi %ge3A_1237, %lt3A_1240 : vector<16xi1>
        %and3A_1242 = arith.constant 1023 : i32
        %and3A_1243 = vector.broadcast %and3A_1242 : i32 to vector<16xi32>
        %and3A_1244 = arith.andi %add3A_1232, %and3A_1243 : vector<16xi32>
        %add3A_1245 = arith.constant 80000 : i32
        %add3A_1246 = vector.broadcast %add3A_1245 : i32 to vector<16xi32>
        %add3A_1247 = arith.addi %add3A_1246, %and3A_1244 : vector<16xi32>
        %select_n3A_1248 = arith.select %and3A_1241, %sub3A_1234, %add3A_1247 : vector<16xi1>, vector<16xi32>
        %swap3A_1249 = arith.index_cast %add3A_1018 : i32 to index
        %swap3A_1250 = arith.constant 64 : index
        %swap3A_1251 = tpu.vector_load %arg11[%swap3A_1249, %swap3A_1250] {strides = array<i32>} : memref<181x112xi32, #tpu.memory_space<vmem>>, vector<1x16xi32>,
        %swap3A_1252 = vector.shape_cast %swap3A_1251 : vector<1x16xi32> to vector<16xi32>
        %swap3A_1253 = vector.shape_cast %select_n3A_1248 : vector<16xi32> to vector<1x16xi32>
        tpu.vector_store %arg11[%swap3A_1249, %swap3A_1250], %swap3A_1253 {strides = array<i32>} : memref<181x112xi32, #tpu.memory_space<vmem>>, vector<1x16xi32>,
        %get3A_1254 = arith.index_cast %add3A_1018 : i32 to index
        %get3A_1255 = arith.constant 80 : index
        %get3A_1256 = tpu.vector_load %arg9[%get3A_1254, %get3A_1255] {strides = array<i32>} : memref<181x112xi32, #tpu.memory_space<vmem>>, vector<1x16xi32>,
        %get3A_1257 = vector.shape_cast %get3A_1256 : vector<1x16xi32> to vector<16xi32>
        %mul3A_1258 = arith.constant 2 : i32
        %mul3A_1259 = vector.broadcast %mul3A_1258 : i32 to vector<16xi32>
        %mul3A_1260 = arith.muli %get3A_1257, %mul3A_1259 : vector<16xi32>
        %add3A_1261 = vector.broadcast %arg0 : i32 to vector<16xi32>
        %add3A_1262 = arith.addi %mul3A_1260, %add3A_1261 : vector<16xi32>
        %swap3A_1263 = arith.index_cast %add3A_1018 : i32 to index
        %swap3A_1264 = arith.constant 80 : index
        %swap3A_1265 = tpu.vector_load %arg9[%swap3A_1263, %swap3A_1264] {strides = array<i32>} : memref<181x112xi32, #tpu.memory_space<vmem>>, vector<1x16xi32>,
        %swap3A_1266 = vector.shape_cast %swap3A_1265 : vector<1x16xi32> to vector<16xi32>
        %swap3A_1267 = vector.shape_cast %add3A_1262 : vector<16xi32> to vector<1x16xi32>
        tpu.vector_store %arg9[%swap3A_1263, %swap3A_1264], %swap3A_1267 {strides = array<i32>} : memref<181x112xi32, #tpu.memory_space<vmem>>, vector<1x16xi32>,
        %get3A_1268 = arith.index_cast %add3A_1018 : i32 to index
        %get3A_1269 = arith.constant 80 : index
        %get3A_1270 = tpu.vector_load %arg10[%get3A_1268, %get3A_1269] {strides = array<i32>} : memref<181x112xi32, #tpu.memory_space<vmem>>, vector<1x16xi32>,
        %get3A_1271 = vector.shape_cast %get3A_1270 : vector<1x16xi32> to vector<16xi32>
        %mul3A_1272 = arith.constant 16 : i32
        %mul3A_1273 = vector.broadcast %mul3A_1272 : i32 to vector<16xi32>
        %mul3A_1274 = arith.muli %get3A_1271, %mul3A_1273 : vector<16xi32>
        %get3A_1275 = arith.index_cast %add3A_1018 : i32 to index
        %get3A_1276 = arith.constant 80 : index
        %get3A_1277 = tpu.vector_load %arg11[%get3A_1275, %get3A_1276] {strides = array<i32>} : memref<181x112xi32, #tpu.memory_space<vmem>>, vector<1x16xi32>,
        %get3A_1278 = vector.shape_cast %get3A_1277 : vector<1x16xi32> to vector<16xi32>
        %add3A_1279 = arith.addi %mul3A_1274, %get3A_1278 : vector<16xi32>
        %sub3A_1280 = vector.broadcast %mul3A_94 : i32 to vector<16xi32>
        %sub3A_1281 = arith.subi %add3A_1279, %sub3A_1280 : vector<16xi32>
        %ge3A_1282 = arith.constant 0 : i32
        %ge3A_1283 = vector.broadcast %ge3A_1282 : i32 to vector<16xi32>
        %ge3A_1284 = arith.cmpi sge, %sub3A_1281, %ge3A_1283 : vector<16xi32>
        %lt3A_1285 = arith.constant 80000 : i32
        %lt3A_1286 = vector.broadcast %lt3A_1285 : i32 to vector<16xi32>
        %lt3A_1287 = arith.cmpi slt, %sub3A_1281, %lt3A_1286 : vector<16xi32>
        %and3A_1288 = arith.andi %ge3A_1284, %lt3A_1287 : vector<16xi1>
        %and3A_1289 = arith.constant 1023 : i32
        %and3A_1290 = vector.broadcast %and3A_1289 : i32 to vector<16xi32>
        %and3A_1291 = arith.andi %add3A_1279, %and3A_1290 : vector<16xi32>
        %add3A_1292 = arith.constant 80000 : i32
        %add3A_1293 = vector.broadcast %add3A_1292 : i32 to vector<16xi32>
        %add3A_1294 = arith.addi %add3A_1293, %and3A_1291 : vector<16xi32>
        %select_n3A_1295 = arith.select %and3A_1288, %sub3A_1281, %add3A_1294 : vector<16xi1>, vector<16xi32>
        %swap3A_1296 = arith.index_cast %add3A_1018 : i32 to index
        %swap3A_1297 = arith.constant 80 : index
        %swap3A_1298 = tpu.vector_load %arg11[%swap3A_1296, %swap3A_1297] {strides = array<i32>} : memref<181x112xi32, #tpu.memory_space<vmem>>, vector<1x16xi32>,
        %swap3A_1299 = vector.shape_cast %swap3A_1298 : vector<1x16xi32> to vector<16xi32>
        %swap3A_1300 = vector.shape_cast %select_n3A_1295 : vector<16xi32> to vector<1x16xi32>
        tpu.vector_store %arg11[%swap3A_1296, %swap3A_1297], %swap3A_1300 {strides = array<i32>} : memref<181x112xi32, #tpu.memory_space<vmem>>, vector<1x16xi32>,
        %get3A_1301 = arith.index_cast %add3A_1018 : i32 to index
        %get3A_1302 = arith.constant 96 : index
        %get3A_1303 = tpu.vector_load %arg9[%get3A_1301, %get3A_1302] {strides = array<i32>} : memref<181x112xi32, #tpu.memory_space<vmem>>, vector<1x16xi32>,
        %get3A_1304 = vector.shape_cast %get3A_1303 : vector<1x16xi32> to vector<16xi32>
        %mul3A_1305 = arith.constant 2 : i32
        %mul3A_1306 = vector.broadcast %mul3A_1305 : i32 to vector<16xi32>
        %mul3A_1307 = arith.muli %get3A_1304, %mul3A_1306 : vector<16xi32>
        %add3A_1308 = vector.broadcast %arg0 : i32 to vector<16xi32>
        %add3A_1309 = arith.addi %mul3A_1307, %add3A_1308 : vector<16xi32>
        %swap3A_1310 = arith.index_cast %add3A_1018 : i32 to index
        %swap3A_1311 = arith.constant 96 : index
        %swap3A_1312 = tpu.vector_load %arg9[%swap3A_1310, %swap3A_1311] {strides = array<i32>} : memref<181x112xi32, #tpu.memory_space<vmem>>, vector<1x16xi32>,
        %swap3A_1313 = vector.shape_cast %swap3A_1312 : vector<1x16xi32> to vector<16xi32>
        %swap3A_1314 = vector.shape_cast %add3A_1309 : vector<16xi32> to vector<1x16xi32>
        tpu.vector_store %arg9[%swap3A_1310, %swap3A_1311], %swap3A_1314 {strides = array<i32>} : memref<181x112xi32, #tpu.memory_space<vmem>>, vector<1x16xi32>,
        %get3A_1315 = arith.index_cast %add3A_1018 : i32 to index
        %get3A_1316 = arith.constant 96 : index
        %get3A_1317 = tpu.vector_load %arg10[%get3A_1315, %get3A_1316] {strides = array<i32>} : memref<181x112xi32, #tpu.memory_space<vmem>>, vector<1x16xi32>,
        %get3A_1318 = vector.shape_cast %get3A_1317 : vector<1x16xi32> to vector<16xi32>
        %mul3A_1319 = arith.constant 16 : i32
        %mul3A_1320 = vector.broadcast %mul3A_1319 : i32 to vector<16xi32>
        %mul3A_1321 = arith.muli %get3A_1318, %mul3A_1320 : vector<16xi32>
        %get3A_1322 = arith.index_cast %add3A_1018 : i32 to index
        %get3A_1323 = arith.constant 96 : index
        %get3A_1324 = tpu.vector_load %arg11[%get3A_1322, %get3A_1323] {strides = array<i32>} : memref<181x112xi32, #tpu.memory_space<vmem>>, vector<1x16xi32>,
        %get3A_1325 = vector.shape_cast %get3A_1324 : vector<1x16xi32> to vector<16xi32>
        %add3A_1326 = arith.addi %mul3A_1321, %get3A_1325 : vector<16xi32>
        %sub3A_1327 = vector.broadcast %mul3A_94 : i32 to vector<16xi32>
        %sub3A_1328 = arith.subi %add3A_1326, %sub3A_1327 : vector<16xi32>
        %ge3A_1329 = arith.constant 0 : i32
        %ge3A_1330 = vector.broadcast %ge3A_1329 : i32 to vector<16xi32>
        %ge3A_1331 = arith.cmpi sge, %sub3A_1328, %ge3A_1330 : vector<16xi32>
        %lt3A_1332 = arith.constant 80000 : i32
        %lt3A_1333 = vector.broadcast %lt3A_1332 : i32 to vector<16xi32>
        %lt3A_1334 = arith.cmpi slt, %sub3A_1328, %lt3A_1333 : vector<16xi32>
        %and3A_1335 = arith.andi %ge3A_1331, %lt3A_1334 : vector<16xi1>
        %and3A_1336 = arith.constant 1023 : i32
        %and3A_1337 = vector.broadcast %and3A_1336 : i32 to vector<16xi32>
        %and3A_1338 = arith.andi %add3A_1326, %and3A_1337 : vector<16xi32>
        %add3A_1339 = arith.constant 80000 : i32
        %add3A_1340 = vector.broadcast %add3A_1339 : i32 to vector<16xi32>
        %add3A_1341 = arith.addi %add3A_1340, %and3A_1338 : vector<16xi32>
        %select_n3A_1342 = arith.select %and3A_1335, %sub3A_1328, %add3A_1341 : vector<16xi1>, vector<16xi32>
        %swap3A_1343 = arith.index_cast %add3A_1018 : i32 to index
        %swap3A_1344 = arith.constant 96 : index
        %swap3A_1345 = tpu.vector_load %arg11[%swap3A_1343, %swap3A_1344] {strides = array<i32>} : memref<181x112xi32, #tpu.memory_space<vmem>>, vector<1x16xi32>,
        %swap3A_1346 = vector.shape_cast %swap3A_1345 : vector<1x16xi32> to vector<16xi32>
        %swap3A_1347 = vector.shape_cast %select_n3A_1342 : vector<16xi32> to vector<1x16xi32>
        tpu.vector_store %arg11[%swap3A_1343, %swap3A_1344], %swap3A_1347 {strides = array<i32>} : memref<181x112xi32, #tpu.memory_space<vmem>>, vector<1x16xi32>,
        %add3A_1348 = arith.constant 2 : i32
        %add3A_1349 = arith.addi %add3A_981, %add3A_1348 : i32
        %dma_start3A_1350 = arith.constant 0 : i32
        %dma_start3A_1351 = tpu.memref_slice %arg9[%add3A_1349, %dma_start3A_1350] : memref<181x112xi32, #tpu.memory_space<vmem>> -> memref<1x112xi32, #tpu.memory_space<vmem>>
        %dma_start3A_1352 = tpu.memref_squeeze %dma_start3A_1351 : memref<1x112xi32, #tpu.memory_space<vmem>> -> memref<112xi32, #tpu.memory_space<vmem>>
        %dma_start3A_1353 = arith.constant 0 : i32
        %dma_start3A_1354 = arith.constant 0 : i32
        %dma_start3A_1355 = tpu.memref_slice %arg2[%dma_start3A_1353, %dma_start3A_1354] : memref<20000x64xf32, #tpu.memory_space<hbm>> -> memref<20000x64xf32, #tpu.memory_space<hbm>>
        tpu.enqueue_indirect_dma source(%dma_start3A_1355 : memref<20000x64xf32, #tpu.memory_space<hbm>>) target(%arg13 : memref<112x64xf32, #tpu.memory_space<vmem>>) offsets(%dma_start3A_1352 : memref<112xi32, #tpu.memory_space<vmem>>) semaphore(%arg19 : memref<!tpu.dma_semaphore, #tpu.memory_space<semaphore_mem>>)
      } else {
      }
      %ge3A_1011 = arith.constant 3 : i32
      %ge3A_1012 = arith.cmpi sge, %add3A_981, %ge3A_1011 : i32
      %convert_element_type3A_1013 = arith.extui %ge3A_1012 : i1 to i32
      %cond3A_1014 = arith.constant 0 : i32
      %cond3A_1015 = arith.cmpi ne, %convert_element_type3A_1013, %cond3A_1014 : i32
      scf.if %cond3A_1015 {
        %sub3A_1017 = arith.constant 3 : i32
        %sub3A_1018 = arith.subi %add3A_981, %sub3A_1017 : i32
        %dma_wait3A_1019 = arith.constant 0 : i32
        %dma_wait3A_1020 = tpu.memref_slice %arg11[%sub3A_1018, %dma_wait3A_1019] : memref<181x112xi32, #tpu.memory_space<vmem>> -> memref<1x112xi32, #tpu.memory_space<vmem>>
        %dma_wait3A_1021 = tpu.memref_squeeze %dma_wait3A_1020 : memref<1x112xi32, #tpu.memory_space<vmem>> -> memref<112xi32, #tpu.memory_space<vmem>>
        %dma_wait3A_1022 = arith.constant 0 : i32
        %dma_wait3A_1023 = tpu.memref_slice %arg17[%dma_wait3A_1022] : memref<81920xf32, #tpu.memory_space<vmem_shared>> -> memref<81920xf32, #tpu.memory_space<vmem_shared>>
        tpu.wait_indirect_dma semaphore(%arg22 : memref<!tpu.dma_semaphore, #tpu.memory_space<semaphore_mem>>) src(%arg15 : memref<112xf32, #tpu.memory_space<vmem>>) dst(%dma_wait3A_1023 : memref<81920xf32, #tpu.memory_space<vmem_shared>>)
      } else {
      }
      %scan3A_1016 = arith.constant 0 : i32
      scf.yield %scan3A_1016 : i32
    }
    %scan3A_835 = arith.constant 60 : i32
    %dma_wait3A_836 = arith.constant 180 : i32
    %dma_wait3A_837 = arith.constant 0 : i32
    %dma_wait3A_838 = tpu.memref_slice %arg9[%dma_wait3A_836, %dma_wait3A_837] : memref<181x112xi32, #tpu.memory_space<vmem>> -> memref<1x112xi32, #tpu.memory_space<vmem>>
    %dma_wait3A_839 = tpu.memref_squeeze %dma_wait3A_838 : memref<1x112xi32, #tpu.memory_space<vmem>> -> memref<112xi32, #tpu.memory_space<vmem>>
    %dma_wait3A_840 = arith.constant 0 : i32
    %dma_wait3A_841 = arith.constant 0 : i32
    %dma_wait3A_842 = tpu.memref_slice %arg2[%dma_wait3A_840, %dma_wait3A_841] : memref<20000x64xf32, #tpu.memory_space<hbm>> -> memref<20000x64xf32, #tpu.memory_space<hbm>>
    tpu.wait_indirect_dma semaphore(%arg18 : memref<!tpu.dma_semaphore, #tpu.memory_space<semaphore_mem>>) src(%dma_wait3A_842 : memref<20000x64xf32, #tpu.memory_space<hbm>>) dst(%arg12 : memref<112x64xf32, #tpu.memory_space<vmem>>)
    %dma_wait3A_843 = arith.constant 179 : i32
    %dma_wait3A_844 = arith.constant 0 : i32
    %dma_wait3A_845 = tpu.memref_slice %arg10[%dma_wait3A_843, %dma_wait3A_844] : memref<181x112xi32, #tpu.memory_space<vmem>> -> memref<1x112xi32, #tpu.memory_space<vmem>>
    %dma_wait3A_846 = tpu.memref_squeeze %dma_wait3A_845 : memref<1x112xi32, #tpu.memory_space<vmem>> -> memref<112xi32, #tpu.memory_space<vmem>>
    %dma_wait3A_847 = arith.constant 0 : i32
    %dma_wait3A_848 = arith.constant 0 : i32
    %dma_wait3A_849 = tpu.memref_slice %arg16[%dma_wait3A_847, %dma_wait3A_848] : memref<10016x64xf32, #tpu.memory_space<vmem_shared>> -> memref<10016x64xf32, #tpu.memory_space<vmem_shared>>
    tpu.wait_indirect_dma semaphore(%arg21 : memref<!tpu.dma_semaphore, #tpu.memory_space<semaphore_mem>>) src(%arg14 : memref<112x64xf32, #tpu.memory_space<vmem>>) dst(%dma_wait3A_849 : memref<10016x64xf32, #tpu.memory_space<vmem_shared>>)
    %dma_start3A_850 = arith.constant 180 : i32
    %dma_start3A_851 = arith.constant 0 : i32
    %dma_start3A_852 = tpu.memref_slice %arg10[%dma_start3A_850, %dma_start3A_851] : memref<181x112xi32, #tpu.memory_space<vmem>> -> memref<1x112xi32, #tpu.memory_space<vmem>>
    %dma_start3A_853 = tpu.memref_squeeze %dma_start3A_852 : memref<1x112xi32, #tpu.memory_space<vmem>> -> memref<112xi32, #tpu.memory_space<vmem>>
    %dma_start3A_854 = arith.constant 0 : i32
    %dma_start3A_855 = arith.constant 0 : i32
    %dma_start3A_856 = tpu.memref_slice %arg16[%dma_start3A_854, %dma_start3A_855] : memref<10016x64xf32, #tpu.memory_space<vmem_shared>> -> memref<10016x64xf32, #tpu.memory_space<vmem_shared>>
    tpu.enqueue_indirect_dma source(%arg12 : memref<112x64xf32, #tpu.memory_space<vmem>>) target(%dma_start3A_856 : memref<10016x64xf32, #tpu.memory_space<vmem_shared>>) offsets(%dma_start3A_853 : memref<112xi32, #tpu.memory_space<vmem>>) semaphore(%arg21 : memref<!tpu.dma_semaphore, #tpu.memory_space<semaphore_mem>>) {add = true}
    %dma_start3A_857 = arith.constant 180 : i32
    %dma_start3A_858 = arith.constant 0 : i32
    %dma_start3A_859 = tpu.memref_slice %arg11[%dma_start3A_857, %dma_start3A_858] : memref<181x112xi32, #tpu.memory_space<vmem>> -> memref<1x112xi32, #tpu.memory_space<vmem>>
    %dma_start3A_860 = tpu.memref_squeeze %dma_start3A_859 : memref<1x112xi32, #tpu.memory_space<vmem>> -> memref<112xi32, #tpu.memory_space<vmem>>
    %dma_start3A_861 = arith.constant 0 : i32
    %dma_start3A_862 = tpu.memref_slice %arg17[%dma_start3A_861] : memref<81920xf32, #tpu.memory_space<vmem_shared>> -> memref<81920xf32, #tpu.memory_space<vmem_shared>>
    tpu.enqueue_indirect_dma source(%arg15 : memref<112xf32, #tpu.memory_space<vmem>>) target(%dma_start3A_862 : memref<81920xf32, #tpu.memory_space<vmem_shared>>) offsets(%dma_start3A_860 : memref<112xi32, #tpu.memory_space<vmem>>) semaphore(%arg22 : memref<!tpu.dma_semaphore, #tpu.memory_space<semaphore_mem>>) {add = true}
    %dma_wait3A_863 = arith.constant 180 : i32
    %dma_wait3A_864 = arith.constant 0 : i32
    %dma_wait3A_865 = tpu.memref_slice %arg10[%dma_wait3A_863, %dma_wait3A_864] : memref<181x112xi32, #tpu.memory_space<vmem>> -> memref<1x112xi32, #tpu.memory_space<vmem>>
    %dma_wait3A_866 = tpu.memref_squeeze %dma_wait3A_865 : memref<1x112xi32, #tpu.memory_space<vmem>> -> memref<112xi32, #tpu.memory_space<vmem>>
    %dma_wait3A_867 = arith.constant 0 : i32
    %dma_wait3A_868 = arith.constant 0 : i32
    %dma_wait3A_869 = tpu.memref_slice %arg16[%dma_wait3A_867, %dma_wait3A_868] : memref<10016x64xf32, #tpu.memory_space<vmem_shared>> -> memref<10016x64xf32, #tpu.memory_space<vmem_shared>>
    tpu.wait_indirect_dma semaphore(%arg21 : memref<!tpu.dma_semaphore, #tpu.memory_space<semaphore_mem>>) src(%arg12 : memref<112x64xf32, #tpu.memory_space<vmem>>) dst(%dma_wait3A_869 : memref<10016x64xf32, #tpu.memory_space<vmem_shared>>)
    %dma_wait3A_870 = arith.constant 177 : i32
    %dma_wait3A_871 = arith.constant 0 : i32
    %dma_wait3A_872 = tpu.memref_slice %arg11[%dma_wait3A_870, %dma_wait3A_871] : memref<181x112xi32, #tpu.memory_space<vmem>> -> memref<1x112xi32, #tpu.memory_space<vmem>>
    %dma_wait3A_873 = tpu.memref_squeeze %dma_wait3A_872 : memref<1x112xi32, #tpu.memory_space<vmem>> -> memref<112xi32, #tpu.memory_space<vmem>>
    %dma_wait3A_874 = arith.constant 0 : i32
    %dma_wait3A_875 = tpu.memref_slice %arg17[%dma_wait3A_874] : memref<81920xf32, #tpu.memory_space<vmem_shared>> -> memref<81920xf32, #tpu.memory_space<vmem_shared>>
    tpu.wait_indirect_dma semaphore(%arg22 : memref<!tpu.dma_semaphore, #tpu.memory_space<semaphore_mem>>) src(%arg15 : memref<112xf32, #tpu.memory_space<vmem>>) dst(%dma_wait3A_875 : memref<81920xf32, #tpu.memory_space<vmem_shared>>)
    %dma_wait3A_876 = arith.constant 178 : i32
    %dma_wait3A_877 = arith.constant 0 : i32
    %dma_wait3A_878 = tpu.memref_slice %arg11[%dma_wait3A_876, %dma_wait3A_877] : memref<181x112xi32, #tpu.memory_space<vmem>> -> memref<1x112xi32, #tpu.memory_space<vmem>>
    %dma_wait3A_879 = tpu.memref_squeeze %dma_wait3A_878 : memref<1x112xi32, #tpu.memory_space<vmem>> -> memref<112xi32, #tpu.memory_space<vmem>>
    %dma_wait3A_880 = arith.constant 0 : i32
    %dma_wait3A_881 = tpu.memref_slice %arg17[%dma_wait3A_880] : memref<81920xf32, #tpu.memory_space<vmem_shared>> -> memref<81920xf32, #tpu.memory_space<vmem_shared>>
    tpu.wait_indirect_dma semaphore(%arg22 : memref<!tpu.dma_semaphore, #tpu.memory_space<semaphore_mem>>) src(%arg15 : memref<112xf32, #tpu.memory_space<vmem>>) dst(%dma_wait3A_881 : memref<81920xf32, #tpu.memory_space<vmem_shared>>)
    %dma_wait3A_882 = arith.constant 179 : i32
    %dma_wait3A_883 = arith.constant 0 : i32
    %dma_wait3A_884 = tpu.memref_slice %arg11[%dma_wait3A_882, %dma_wait3A_883] : memref<181x112xi32, #tpu.memory_space<vmem>> -> memref<1x112xi32, #tpu.memory_space<vmem>>
    %dma_wait3A_885 = tpu.memref_squeeze %dma_wait3A_884 : memref<1x112xi32, #tpu.memory_space<vmem>> -> memref<112xi32, #tpu.memory_space<vmem>>
    %dma_wait3A_886 = arith.constant 0 : i32
    %dma_wait3A_887 = tpu.memref_slice %arg17[%dma_wait3A_886] : memref<81920xf32, #tpu.memory_space<vmem_shared>> -> memref<81920xf32, #tpu.memory_space<vmem_shared>>
    tpu.wait_indirect_dma semaphore(%arg22 : memref<!tpu.dma_semaphore, #tpu.memory_space<semaphore_mem>>) src(%arg15 : memref<112xf32, #tpu.memory_space<vmem>>) dst(%dma_wait3A_887 : memref<81920xf32, #tpu.memory_space<vmem_shared>>)
    %dma_wait3A_888 = arith.constant 180 : i32
    %dma_wait3A_889 = arith.constant 0 : i32
    %dma_wait3A_890 = tpu.memref_slice %arg11[%dma_wait3A_888, %dma_wait3A_889] : memref<181x112xi32, #tpu.memory_space<vmem>> -> memref<1x112xi32, #tpu.memory_space<vmem>>
    %dma_wait3A_891 = tpu.memref_squeeze %dma_wait3A_890 : memref<1x112xi32, #tpu.memory_space<vmem>> -> memref<112xi32, #tpu.memory_space<vmem>>
    %dma_wait3A_892 = arith.constant 0 : i32
    %dma_wait3A_893 = tpu.memref_slice %arg17[%dma_wait3A_892] : memref<81920xf32, #tpu.memory_space<vmem_shared>> -> memref<81920xf32, #tpu.memory_space<vmem_shared>>
    tpu.wait_indirect_dma semaphore(%arg22 : memref<!tpu.dma_semaphore, #tpu.memory_space<semaphore_mem>>) src(%arg15 : memref<112xf32, #tpu.memory_space<vmem>>) dst(%dma_wait3A_893 : memref<81920xf32, #tpu.memory_space<vmem_shared>>)
    %barrier3A_894 = arith.constant 0 : index
    tpu.barrier barrier_id(%barrier3A_894)
    %mul3A_895 = arith.constant 626 : i32
    %mul3A_896 = arith.muli %arg1, %mul3A_895 : i32
    %add3A_897 = arith.constant 0 : i32
    %add3A_898 = arith.addi %mul3A_896, %add3A_897 : i32
    "tpu.region"() ({
      %run_scoped3A = tpu.sem_alloc : memref<!tpu.dma_semaphore, #tpu.memory_space<semaphore_mem>>
      %dma_start3A_906 = arith.constant 0 : i32
      %dma_start3A_907 = tpu.memref_slice %arg7[%arg0, %add3A_898, %dma_start3A_906] : memref<2x10016x64xf32, #tpu.memory_space<hbm>> -> memref<1x626x64xf32, #tpu.memory_space<hbm>>
      %dma_start3A_908 = tpu.memref_squeeze %dma_start3A_907 : memref<1x626x64xf32, #tpu.memory_space<hbm>> -> memref<626x64xf32, #tpu.memory_space<hbm>>
      %dma_start3A_909 = arith.constant 0 : i32
      %dma_start3A_910 = tpu.memref_slice %arg16[%add3A_898, %dma_start3A_909] : memref<10016x64xf32, #tpu.memory_space<vmem_shared>> -> memref<626x64xf32, #tpu.memory_space<vmem_shared>>
      tpu.enqueue_dma source(%dma_start3A_910 : memref<626x64xf32, #tpu.memory_space<vmem_shared>>) target(%dma_start3A_908 : memref<626x64xf32, #tpu.memory_space<hbm>>) target_semaphore(%run_scoped3A : memref<!tpu.dma_semaphore, #tpu.memory_space<semaphore_mem>>)
      %dma_wait3A_911 = arith.constant 0 : i32
      %dma_wait3A_912 = tpu.memref_slice %arg7[%arg0, %add3A_898, %dma_wait3A_911] : memref<2x10016x64xf32, #tpu.memory_space<hbm>> -> memref<1x626x64xf32, #tpu.memory_space<hbm>>
      %dma_wait3A_913 = tpu.memref_squeeze %dma_wait3A_912 : memref<1x626x64xf32, #tpu.memory_space<hbm>> -> memref<626x64xf32, #tpu.memory_space<hbm>>
      %dma_wait3A_914 = arith.constant 0 : i32
      %dma_wait3A_915 = tpu.memref_slice %arg16[%add3A_898, %dma_wait3A_914] : memref<10016x64xf32, #tpu.memory_space<vmem_shared>> -> memref<626x64xf32, #tpu.memory_space<vmem_shared>>
      tpu.wait_dma2 semaphore(%run_scoped3A : memref<!tpu.dma_semaphore, #tpu.memory_space<semaphore_mem>>) src(%dma_wait3A_915 : memref<626x64xf32, #tpu.memory_space<vmem_shared>>) dst(%dma_wait3A_913 : memref<626x64xf32, #tpu.memory_space<hbm>>)
      tpu.yield
    }) : () -> ()
    %mul3A_899 = arith.constant 5120 : i32
    %mul3A_900 = arith.muli %arg1, %mul3A_899 : i32
    %mul3A_901 = arith.constant 81920 : i32
    %mul3A_902 = arith.muli %arg0, %mul3A_901 : i32
    %mul3A_903 = arith.constant 5120 : i32
    %mul3A_904 = arith.muli %arg1, %mul3A_903 : i32
    %add3A_905 = arith.addi %mul3A_902, %mul3A_904 : i32
    "tpu.region"() ({
      %run_scoped3A = tpu.sem_alloc : memref<!tpu.dma_semaphore, #tpu.memory_space<semaphore_mem>>
      %dma_start3A_906 = tpu.memref_slice %arg8[%add3A_905] : memref<163840xf32, #tpu.memory_space<hbm>> -> memref<5120xf32, #tpu.memory_space<hbm>>
      %dma_start3A_907 = tpu.memref_slice %arg17[%mul3A_900] : memref<81920xf32, #tpu.memory_space<vmem_shared>> -> memref<5120xf32, #tpu.memory_space<vmem_shared>>
      tpu.enqueue_dma source(%dma_start3A_907 : memref<5120xf32, #tpu.memory_space<vmem_shared>>) target(%dma_start3A_906 : memref<5120xf32, #tpu.memory_space<hbm>>) target_semaphore(%run_scoped3A : memref<!tpu.dma_semaphore, #tpu.memory_space<semaphore_mem>>)
      %dma_wait3A_908 = tpu.memref_slice %arg8[%add3A_905] : memref<163840xf32, #tpu.memory_space<hbm>> -> memref<5120xf32, #tpu.memory_space<hbm>>
      %dma_wait3A_909 = tpu.memref_slice %arg17[%mul3A_900] : memref<81920xf32, #tpu.memory_space<vmem_shared>> -> memref<5120xf32, #tpu.memory_space<vmem_shared>>
      tpu.wait_dma2 semaphore(%run_scoped3A : memref<!tpu.dma_semaphore, #tpu.memory_space<semaphore_mem>>) src(%dma_wait3A_909 : memref<5120xf32, #tpu.memory_space<vmem_shared>>) dst(%dma_wait3A_908 : memref<5120xf32, #tpu.memory_space<hbm>>)
      tpu.yield
    }) : () -> ()
    return
  }
}

module attributes {stable_mosaic.version = 14 : i64} {
  func.func @_tc_body(%arg0: i32, %arg1: memref<2x2000x64xf32, #tpu.memory_space<vmem>>, %arg2: memref<2000x16xf32, #tpu.memory_space<vmem>>, %arg3: memref<2000x128xf32, #tpu.memory_space<vmem>>, %arg4: memref<16x128xf32, #tpu.memory_space<vmem>>, %arg5: memref<128x128xf32, #tpu.memory_space<vmem>>, %arg6: memref<1x128xf32, #tpu.memory_space<vmem>>, %arg7: memref<128x128xf32, #tpu.memory_space<vmem>>, %arg8: memref<2000x128xf32, #tpu.memory_space<vmem>>) attributes {dimension_semantics = [#tpu.dimension_semantics<arbitrary>], iteration_bounds = array<i64: 5>, scalar_prefetch = 0 : i64, scratch_operands = 0 : i64, tpu.core_type = #tpu.core_type<tc>, window_params = [{transform_indices = @transform_0, window_bounds = array<i64: 2, 2000, 64>}, {transform_indices = @transform_1, window_bounds = array<i64: 2000, 16>}, {transform_indices = @transform_2, window_bounds = array<i64: 2000, 128>}, {pipeline_mode = #tpu.pipeline_mode<synchronous>, transform_indices = @transform_3, window_bounds = array<i64: 16, 128>}, {pipeline_mode = #tpu.pipeline_mode<synchronous>, transform_indices = @transform_4, window_bounds = array<i64: 128, 128>}, {pipeline_mode = #tpu.pipeline_mode<synchronous>, transform_indices = @transform_5, window_bounds = array<i64: 1, 128>}, {pipeline_mode = #tpu.pipeline_mode<synchronous>, transform_indices = @transform_6, window_bounds = array<i64: 128, 128>}, {transform_indices = @transform_7, window_bounds = array<i64: 2000, 128>}]} {
    %get3A = arith.constant 0 : index
    %get3A_0 = arith.constant 0 : index
    %get3A_1 = arith.constant 0 : index
    %get3A_2 = vector.load %arg1[%get3A, %get3A_0, %get3A_1] : memref<2x2000x64xf32, #tpu.memory_space<vmem>>, vector<1x2000x64xf32>
    %get3A_3 = vector.shape_cast %get3A_2 : vector<1x2000x64xf32> to vector<2000x64xf32>
    %get3A_4 = arith.constant 1 : index
    %get3A_5 = arith.constant 0 : index
    %get3A_6 = arith.constant 0 : index
    %get3A_7 = vector.load %arg1[%get3A_4, %get3A_5, %get3A_6] : memref<2x2000x64xf32, #tpu.memory_space<vmem>>, vector<1x2000x64xf32>
    %get3A_8 = vector.shape_cast %get3A_7 : vector<1x2000x64xf32> to vector<2000x64xf32>
    %concatenate3A = tpu.concatenate %get3A_3, %get3A_8 in 1 : vector<2000x64xf32>, vector<2000x64xf32> -> vector<2000x128xf32>
    %get3A_9 = arith.constant 0 : index
    %get3A_10 = arith.constant 0 : index
    %get3A_11 = vector.load %arg2[%get3A_9, %get3A_10] : memref<2000x16xf32, #tpu.memory_space<vmem>>, vector<2000x16xf32>
    %get3A_12 = arith.constant 0 : index
    %get3A_13 = arith.constant 0 : index
    %get3A_14 = vector.load %arg4[%get3A_12, %get3A_13] : memref<16x128xf32, #tpu.memory_space<vmem>>, vector<16x128xf32>
    %get3A_15 = arith.constant 0 : index
    %get3A_16 = arith.constant 0 : index
    %get3A_17 = vector.load %arg5[%get3A_15, %get3A_16] : memref<128x128xf32, #tpu.memory_space<vmem>>, vector<128x128xf32>
    %dot_general3A = arith.constant dense<0.000000e+00> : vector<16x128xf32>
    %dot_general3A_18 = tpu.matmul %get3A_14, %get3A_17, %dot_general3A {dimension_numbers = #tpu.dot_dimension_numbers<[1], [0], [0], [1], [0, 0, 1, 1], [], []>, transpose_lhs_hint = false} : vector<16x128xf32>, vector<128x128xf32>, vector<16x128xf32> -> vector<16x128xf32>
    %get3A_19 = arith.constant 0 : index
    %get3A_20 = arith.constant 0 : index
    %get3A_21 = vector.load %arg5[%get3A_19, %get3A_20] : memref<128x128xf32, #tpu.memory_space<vmem>>, vector<128x128xf32>
    %dot_general3A_22 = arith.constant dense<0.000000e+00> : vector<2000x128xf32>
    %dot_general3A_23 = tpu.matmul %concatenate3A, %get3A_21, %dot_general3A_22 {dimension_numbers = #tpu.dot_dimension_numbers<[1], [0], [0], [1], [0, 0, 1, 1], [], []>, transpose_lhs_hint = false} : vector<2000x128xf32>, vector<128x128xf32>, vector<2000x128xf32> -> vector<2000x128xf32>
    %dot_general3A_24 = arith.constant dense<0.000000e+00> : vector<2000x128xf32>
    %dot_general3A_25 = tpu.matmul %get3A_11, %dot_general3A_18, %dot_general3A_24 {dimension_numbers = #tpu.dot_dimension_numbers<[1], [0], [0], [1], [0, 0, 1, 1], [], []>, transpose_lhs_hint = false} : vector<2000x16xf32>, vector<16x128xf32>, vector<2000x128xf32> -> vector<2000x128xf32>
    %add3A = arith.addf %dot_general3A_23, %dot_general3A_25 : vector<2000x128xf32>
    %get3A_26 = arith.constant 0 : index
    %get3A_27 = arith.constant 0 : index
    %get3A_28 = vector.load %arg3[%get3A_26, %get3A_27] : memref<2000x128xf32, #tpu.memory_space<vmem>>, vector<2000x128xf32>
    %get3A_29 = arith.constant 0 : index
    %get3A_30 = arith.constant 0 : index
    %get3A_31 = vector.load %arg7[%get3A_29, %get3A_30] : memref<128x128xf32, #tpu.memory_space<vmem>>, vector<128x128xf32>
    %dot_general3A_32 = arith.constant dense<0.000000e+00> : vector<2000x128xf32>
    %dot_general3A_33 = tpu.matmul %get3A_28, %get3A_31, %dot_general3A_32 {dimension_numbers = #tpu.dot_dimension_numbers<[1], [0], [0], [1], [0, 0, 1, 1], [], []>, transpose_lhs_hint = false} : vector<2000x128xf32>, vector<128x128xf32>, vector<2000x128xf32> -> vector<2000x128xf32>
    %add3A_34 = arith.addf %add3A, %dot_general3A_33 : vector<2000x128xf32>
    %get3A_35 = arith.constant 0 : index
    %get3A_36 = arith.constant 0 : index
    %get3A_37 = vector.load %arg6[%get3A_35, %get3A_36] : memref<1x128xf32, #tpu.memory_space<vmem>>, vector<1x128xf32>
    %add3A_38 = vector.broadcast %get3A_37 : vector<1x128xf32> to vector<2000x128xf32>
    %add3A_39 = arith.addf %add3A_34, %add3A_38 : vector<2000x128xf32>
    %swap3A = arith.constant 0 : index
    %swap3A_40 = arith.constant 0 : index
    %swap3A_41 = vector.load %arg8[%swap3A, %swap3A_40] : memref<2000x128xf32, #tpu.memory_space<vmem>>, vector<2000x128xf32>
    tpu.vector_store %arg8[%swap3A, %swap3A_40], %add3A_39 {strides = array<i32>} : memref<2000x128xf32, #tpu.memory_space<vmem>>, vector<2000x128xf32>,
    return
  }
  func.func @transform_0(%arg0: i32) -> (i32, i32, i32) {
    %c0_i32 = arith.constant 0 : i32
    %c0_i32_0 = arith.constant 0 : i32
    %c0_i32_1 = arith.constant 0 : i32
    return %c0_i32, %arg0, %c0_i32_0 : i32, i32, i32
  }
  func.func @transform_1(%arg0: i32) -> (i32, i32) {
    %c0_i32 = arith.constant 0 : i32
    %c0_i32_0 = arith.constant 0 : i32
    return %arg0, %c0_i32 : i32, i32
  }
  func.func @transform_2(%arg0: i32) -> (i32, i32) {
    %c0_i32 = arith.constant 0 : i32
    %c0_i32_0 = arith.constant 0 : i32
    return %arg0, %c0_i32 : i32, i32
  }
  func.func @transform_3(%arg0: i32) -> (i32, i32) {
    %c0_i32 = arith.constant 0 : i32
    %c0_i32_0 = arith.constant 0 : i32
    %c0_i32_1 = arith.constant 0 : i32
    return %c0_i32, %c0_i32_0 : i32, i32
  }
  func.func @transform_4(%arg0: i32) -> (i32, i32) {
    %c0_i32 = arith.constant 0 : i32
    %c0_i32_0 = arith.constant 0 : i32
    %c0_i32_1 = arith.constant 0 : i32
    return %c0_i32, %c0_i32_0 : i32, i32
  }
  func.func @transform_5(%arg0: i32) -> (i32, i32) {
    %c0_i32 = arith.constant 0 : i32
    %c0_i32_0 = arith.constant 0 : i32
    %c0_i32_1 = arith.constant 0 : i32
    return %c0_i32, %c0_i32_0 : i32, i32
  }
  func.func @transform_6(%arg0: i32) -> (i32, i32) {
    %c0_i32 = arith.constant 0 : i32
    %c0_i32_0 = arith.constant 0 : i32
    %c0_i32_1 = arith.constant 0 : i32
    return %c0_i32, %c0_i32_0 : i32, i32
  }
  func.func @transform_7(%arg0: i32) -> (i32, i32) {
    %c0_i32 = arith.constant 0 : i32
    %c0_i32_0 = arith.constant 0 : i32
    return %arg0, %c0_i32 : i32, i32
  }
}

</mosaic_0001>

<sc_bundles>
// kernel: kernel.4.cloned.1.call-start
scs
__scs_entry_jumppad:
0x0: {  	(pc) =	sbr.rel $0x88, $3  }
0x1: {  	(tag) =	ssettag $0x0;
	lr =	simm.s32 $0x1  }
0x2: {  	[smem:$0x3F9A] =	sst lr;
	_ =	strace $0xD0000000  }
0x3: {  	_ = 	snop  }
0x4: {  	_ = 	snop  }
0x5: {  	_ = 	snop  }
0x6: {  	_ = 	snop  }
0x7: {  	_ = 	snop  }
__scs_overlays_trampoline_lowered:
0x8: {  	[smem:$0x3FA9] =	sst s0  }
0x9: {  	[smem:$0x3FAA] =	sst s1  }
0xa: {  	[smem:$0x3FAB] =	sst s2  }
0xb: {  	[smem:$0x3FAC] =	sst s3  }
0xc: {  	[smem:$0x3FAD] =	sst s4  }
0xd: {  	[smem:$0x3FAE] =	sst s5  }
0xe: {  	[smem:$0x3FAF] =	sst s6  }
0xf: {  	[smem:$0x3FB0] =	sst s7  }
0x10: {  	[smem:$0x3FB1] =	sst s8  }
0x11: {  	[smem:$0x3FB2] =	sst s9;
	s0 =	simm.s32 @!p0 $0x0  }
0x12: {  	s1 =	sld [smem:$0x3F98];
	s0 =	simm.s32 @p0 $0x1  }
0x13: {  	[smem:$0x3FB3] =	sst s0;
	s0 =	simm.s32 @!p1 $0x0  }
0x14: {  	s2 =	sld [smem:$0x3F97];
	s0 =	simm.s32 @p1 $0x1  }
0x15: {  	[smem:$0x3FB4] =	sst s0;
	s0 =	simm.s32 @!p2 $0x0  }
0x16: {  	s3 =	sld [smem:$0x3FDB];
	s0 =	simm.s32 @p2 $0x1  }
0x17: {  	s4 =	simm.s32 $0x1BF5;
	[smem:$0x3FB6] =	sst s0  }
0x18: {  	s0 =	sld [smem:$0x3F99];
	_ =	swait.ge [sflag:s4], $0x0  }
0x19: {  	s7 =	sld [smem:$0x3F9A]  }
0x1a: {  	s8 =	sadd.s32 $0xFFFFE003, lr  }
0x1b: {  	s9 =	sadd.s32 $0xFFFFFEF7, lr;
	s5 =	simm.s32 $0xFFFFFFFF;
	p2 =	slt.u32 s8, $0xFFFFF086  }
0x1c: {  	p1 =	slt.u32 s9, $0xF7A;
	s5 =	simm.s32 @!p2 $0x0  }
0x1d: {  	s5 =	simm.s32 @p1 $0x1;
	p0 =	seq.s32 s7, s2  }
0x1e: {  	s7 =	smul.u32 @!p0 $0xF7A, s2;
	p2 =	seq.s32 @!p0 s5, $0x0  }
0x1f: {  	s9 =	smul.u32 $0xF7A, s1;
	s8 =	simm.s32 @!p0 $0x1BF5;
	p2 =	por !p2, p0  }
0x20: {  	[sflag:s8] =	ssyncset.s32 @!p0 $0xFFFFF086;
	s6 =	sadd.s32 @!p0 s3, s7;
	s7 =	simm.s32 @!p0 $0x108  }
0x21: {  	s3 =	sadd.s32 s3, s9;
	s6 =	sadd.s32 @!p0 $0x88, s6;
	s7 =	simm.s32 @p2 $0x1082  }
0x22: {  	[simem:s7], [sflag:s8] =	dma.local @!p0 [hbm:s6], $0xF7A  }
0x23: {  	s9 =	sor.u32 $0xD0000000, s2;
	s6 =	simm.s32 $0x108;
	_ =	swait.ge @!p0 [sflag:s8], $0x0  }
0x24: {  	s3 =	sadd.s32 $0x88, s3;
	s6 =	simm.s32 @!p1 $0x1082;
	[sflag:s4] =	ssyncset.s32 $0xFFFFF086  }
0x25: {  	[simem:s6], [sflag:s4] =	dma.local [hbm:s3], $0xF7A  }
0x26: {  	[smem:$0x3F9A] =	sst s1;
	(tag) =	ssettag s2;
	_ =	strace s9  }
0x27: {  	s1 =	sld [smem:$0x3FAA]  }
0x28: {  	s2 =	sld [smem:$0x3FAB]  }
0x29: {  	s4 =	sld [smem:$0x3FAD]  }
0x2a: {  	p0 =	seq.s32 s5, $0x0;
	s5 =	sld [smem:$0x3FAE]  }
0x2b: {  	s6 =	sld [smem:$0x3FAF]  }
0x2c: {  	s7 =	sld [smem:$0x3FB0]  }
0x2d: {  	s3 =	simm.s32 $0x108;
	s8 =	sld [smem:$0x3FB1]  }
0x2e: {  	s3 =	simm.s32 @!p0 $0x1082;
	s9 =	sld [smem:$0x3FB2]  }
0x2f: {  	lr =	sadd.s32 s0, s3;
	s0 =	sld [smem:$0x3FA9]  }
0x30: {  	s3 =	sld [smem:$0x3FAC]  }
0x31: {  	[smem:$0x3FB5] =	sst s10  }
0x32: {  	s10 =	sld [smem:$0x3FB3];
	_ =	sdelay $0x3  }
0x33: {  	p0 =	seq.s32 s10, $0x1;
	s10 =	sld [smem:$0x3FB5];
	_ =	sdelay $0x3  }
0x34: {  	[smem:$0x3FB5] =	sst s10  }
0x35: {  	s10 =	sld [smem:$0x3FB4];
	_ =	sdelay $0x3  }
0x36: {  	p1 =	seq.s32 s10, $0x1;
	s10 =	sld [smem:$0x3FB5];
	_ =	sdelay $0x3  }
0x37: {  	[smem:$0x3FB5] =	sst s10  }
0x38: {  	s10 =	sld [smem:$0x3FB6]  }
0x39: {  	_ = 	snop;
	(pc) =	sbr.ind lr, $3  }
0x3a: {  	_ = 	snop  }
0x3b: {  	_ = 	snop  }
0x3c: {  	p2 =	seq.s32 s10, $0x1;
	s10 =	sld [smem:$0x3FB5]  }
0x3d: {  	_ =	shalt  }
0x3e: {  	_ =	shalt  }
0x3f: {  	_ =	shalt  }
0x40: {  	_ =	shalt  }
0x41: {  	_ =	shalt  }
0x42: {  	_ =	shalt  }
0x43: {  	_ =	shalt  }
0x44: {  	_ =	shalt  }
0x45: {  	_ =	shalt  }
0x46: {  	_ =	shalt  }
0x47: {  	_ =	shalt  }
0x48: {  	_ =	shalt  }
0x49: {  	_ =	shalt  }
0x4a: {  	_ =	shalt  }
0x4b: {  	_ =	shalt  }
0x4c: {  	_ =	shalt  }
0x4d: {  	_ =	shalt  }
0x4e: {  	_ =	shalt  }
0x4f: {  	_ =	shalt  }
0x50: {  	_ =	shalt  }
0x51: {  	_ =	shalt  }
0x52: {  	_ =	shalt  }
0x53: {  	_ =	shalt  }
0x54: {  	_ =	shalt  }
0x55: {  	_ =	shalt  }
0x56: {  	_ =	shalt  }
0x57: {  	_ =	shalt  }
0x58: {  	_ =	shalt  }
0x59: {  	_ =	shalt  }
0x5a: {  	_ =	shalt  }
0x5b: {  	_ =	shalt  }
0x5c: {  	_ =	shalt  }
0x5d: {  	_ =	shalt  }
0x5e: {  	_ =	shalt  }
0x5f: {  	_ =	shalt  }
0x60: {  	_ =	shalt  }
0x61: {  	_ =	shalt  }
0x62: {  	_ =	shalt  }
0x63: {  	_ =	shalt  }
0x64: {  	_ =	shalt  }
0x65: {  	_ =	shalt  }
0x66: {  	_ =	shalt  }
0x67: {  	_ =	shalt  }
0x68: {  	_ =	shalt  }
0x69: {  	_ =	shalt  }
0x6a: {  	_ =	shalt  }
0x6b: {  	_ =	shalt  }
0x6c: {  	_ =	shalt  }
0x6d: {  	_ =	shalt  }
0x6e: {  	_ =	shalt  }
0x6f: {  	_ =	shalt  }
0x70: {  	_ =	shalt  }
0x71: {  	_ =	shalt  }
0x72: {  	_ =	shalt  }
0x73: {  	_ =	shalt  }
0x74: {  	_ =	shalt  }
0x75: {  	_ =	shalt  }
0x76: {  	_ =	shalt  }
0x77: {  	_ =	shalt  }
0x78: {  	_ =	shalt  }
0x79: {  	_ =	shalt  }
0x7a: {  	_ =	shalt  }
0x7b: {  	_ =	shalt  }
0x7c: {  	_ =	shalt  }
0x7d: {  	_ =	shalt  }
0x7e: {  	_ =	shalt  }
0x7f: {  	_ =	shalt  }
0x80: {  	_ =	shalt  }
0x81: {  	_ =	shalt  }
0x82: {  	_ =	shalt  }
0x83: {  	_ =	shalt  }
0x84: {  	_ =	shalt  }
0x85: {  	_ =	shalt  }
0x86: {  	_ =	shalt  }
0x87: {  	_ =	shalt  }
.Lfunc_end0:
.L_simem_size_0:
called_computation_lowered:
.L_overlay_start_0:
0x88: {  	s2 =	sld [smem:$0x3FD9]  }
0x89: {  	s3 =	sld [smem:$0x3FFE];
	_ =	sdelay $0x1  }
0x8a: {  	s1 =	srdreg.scid  }
0x8b: {  	s0 =	sand.u32 $0x1, s1  }
0x8c: {  	s17 =	sshll.u32 s0, $0xA;
	s2 =	sadd.s32 s3, s2  }
0x8d: {  	s2 =	sadd.s32 s2, s17  }
0x8e: {  	[smem:$0x3FC1] =	sst s2  }
0x8f: {  	_ = 	snop  }
0x90: {  	s2 =	sld [smem:$0x3FC9]  }
0x91: {  	s18 =	sld [smem:$0x3FD0];
	(tm) =	ssettm $0x1  }
0x92: {  	s4 =	sld [smem:$0x3FFB];
	_ =	sdelay $0x3  }
0x93: {  	_ =	strace s4  }
0x94: {  	s4 =	sld [smem:$0x3FFC];
	_ =	sdelay $0x3  }
0x95: {  	_ =	strace s4  }
0x96: {  	s4 =	sld [smem:$0x3FFD];
	_ =	sdelay $0x3  }
0x97: {  	_ =	strace s4  }
0x98: {  	_ =	strace $0x8FFFFFFF  }
0x99: {  	s19 =	sld [smem:$0x3FDB];
	_ =	sdelay $0x1  }
0x9a: {  	s5 =	simm.s32 $_scs_section_size  }
0x9b: {  	s6 =	simm.s32 $_size__tile_overlayer_lowered;
	s7 =	simm.s32 $_tile_overlayer_lowered  }
0x9c: {  	s22 =	simm.s32 $0x1BFF;
	s21 =	sshll.u32 s7, $0x1;
	s4 =	sadd.s32 s5, s19  }
0x9d: {  	s8 =	simm.s32 $0x0;
	s20 =	sshll.u32 s6, $0x1;
	s6 =	sadd.s32 s21, s4  }
0x9e: {  	[timem:s8], [sflag:s22] =	dma.local [hbm:s6], s20  }
0x9f: {  	_ =	swait.ge [sflag:s22], s20  }
0xa0: {  	s5 =	ssub.s32 $0x0, s20;
	[sflag:s22] =	ssyncset.done $0x0  }
0xa1: {  	[sflag:s22] =	ssyncadd.s32 s5;
	_ =	sdelay $0x1  }
0xa2: {  	s23 =	simm.s32 $0x1B8B  }
0xa3: {  	_ =	swait.ge [sflag:s23], $0x1  }
0xa4: {  	[sflag:s23] =	ssyncset.done $0x0  }
0xa5: {  	s25 =	simm.s32 $0x1B8E;
	s24 =	sld [smem:$0x3FFE];
	[sflag:s23] =	ssyncadd.s32 $0xFFFFFFFF  }
0xa6: {  	s26 =	simm.s32 $execute0_lowered;
	[smem:$0x3FD2] =	sst s25  }
0xa7: {  	s6 =	sshll.u32 s26, $0x1;
	_ =	strace $0x80000046;
	[dreg:$0x1] =	wrdreg $0xFFFFFFFF  }
0xa8: {  	s28 =	simm.s32 $_size_execute0_lowered;
	s4 =	sadd.s32 s4, s6;
	[dreg:$0x0] =	wrdreg $0x0  }
0xa9: {  	s6 =	sshll.u32 s28, $0x1;
	[dreg:$0x2] =	wrdreg s4  }
0xaa: {  	[dreg:$0x3] =	wrdreg s6  }
0xab: {  	[dreg:$0x4] =	wrdreg $0xC0  }
0xac: {  	_ =	task [dreg:s8], $0x5FFFF  }
0xad: {  	[dreg:$0x1] =	wrdreg $0xFFFFFFFF  }
0xae: {  	[dreg:$0x0] =	wrdreg $0x60  }
0xaf: {  	[dreg:$0x2] =	wrdreg s2  }
0xb0: {  	[dreg:$0x3] =	wrdreg s18  }
0xb1: {  	[dreg:$0x4] =	wrdreg s24  }
0xb2: {  	[dreg:$0x5] =	wrdreg $0x142000  }
0xb3: {  	[dreg:$0x6] =	wrdreg $0x1DE800  }
0xb4: {  	[dreg:$0x7] =	wrdreg $0x9  }
0xb5: {  	_ =	task.clear_ibuf [dreg:s8], $0x8FFFF;
	_ =	strace $0x90000046  }
0xb6: {  	s29 =	simm.s32 $0x9;
	_ =	strace $0x80000048  }
0xb7: {  	_ =	swait.ge [sflag:s29], $0x1  }
0xb8: {  	[sflag:s29] =	ssyncadd.s32 $0xFFFFFFFF  }
0xb9: {  	_ =	strace $0x90000048  }
0xba: {  	_ =	sfence  }
0xbb: {  	s30 =	sld [smem:$0x0];
	_ =	sdelay $0x2  }
0xbc: {  	s31 =	sshll.u32 s1, $0xD;
	s1 =	sshrl.u32 s1, $0x2  }
0xbd: {  	s3 =	sand.u32 $0x4000, s31;
	s1 =	sadd.s32 s1, s30  }
0xbe: {  	s0 =	sor.u32 s3, s0;
	s1 =	sshll.u32 s1, $0x11  }
0xbf: {  	s0 =	sor.u32 s1, s0  }
0xc0: {  	s0 =	sadd.s32 $0x8F2B, s0  }
0xc1: {  	[sflag:s0] =	ssyncadd.remote.s32 $0x1  }
0xc2: {  	_ =	sfence.sel $0xFFFF  }
0xc3: {  	[dreg:$0x0] =	wrdreg $0xFFFFFFFF;
	(pc) =	sbr.abs _section_cstart, $3  }
0xc4: {  	[dreg:$0x1] =	wrdreg $0xFFFFFFFF  }
0xc5: {  	_ =	task.clear_ibuf [dreg:s8], $0x2FFFF;
	_ =	strace $0x9FFFFFFF  }
0xc6: {  	(tm) =	ssettm $0x7FFFFFFF  }
0xc7: {  	_ =	shalt  }
tec
execute0_lowered:
.L_overlay_start_1:
0x0: {  	(tag) =	ssettag $0x1  }
0x1: {  	s1 =	rddreg [dreg:$0x0]  }
0x2: {  	s0 =	rddreg [dreg:$0x1]  }
0x3: {  	s2 =	rddreg [dreg:$0x2]  }
0x4: {  	s3 =	rddreg [dreg:$0x3]  }
0x5: {  	s4 =	rddreg [dreg:$0x4];
	s5 =	simm.s32 $0x0;
	s17 =	stileid.u32  }
0x6: {  	s7 =	srdreg.scid;
	s18 =	simm.s32 $0x6;
	s6 =	smul.u32 $0x4F30, s17  }
0x7: {  	s20 =	simm.s32 $0x1;
	s21 =	simm.s32 $0x2;
	s9 =	smul.u32 $0x9C80, s17  }
0x8: {  	s28 =	simm.s32 $0x12590;
	s11 =	smul.u32 $0x1400, s17;
	s15 =	sand.u32 $0x1, s7  }
0x9: {  	s29 =	simm.s32 $0x4;
	s30 =	simm.s32 $0x3;
	s7 =	smul.u32 $0x9C800, s15  }
0xa: {  	[smem:$0x7FF] =	sst s5;
	s24 =	sshll.u32 s17, $0x6;
	s13 =	smul.u32 $0x14000, s15  }
0xb: {  	_ =	strace $0x80000047;
	s14 =	ssub.s32 $0x2, s15;
	s31 =	smul.u32 $0x13880, s15  }
0xc: {  	s6 =	sshrl.u32 s6, $0x3;
	s10 =	sshrl.u32 s9, $0x3;
	s12 =	sshrl.u32 s11, $0x3  }
0xd: {  	s23 =	sshrl.u32 s14, $0x1;
	s25 =	sadd.s32 s9, s3;
	s26 =	sadd.s32 s11, s4  }
0xe: {  	s8 =	sadd.s32 s6, s2;
	s10 =	sadd.s32 s10, s2;
	s12 =	sadd.s32 s12, s2  }
0xf: {  	s7 =	sadd.s32 s9, s7;
	s13 =	sadd.s32 s11, s13;
	s14 =	ssub.s32 s14, s23  }
0x10: {  	s6 =	sadd.s32 s0, s6;
	s17 =	sshrl.u32 s25, $0x3;
	s19 =	sshrl.u32 s26, $0x3  }
0x11: {  	s23 =	simm.s32 $0x70;
	s25 =	simm.s32 $0x10990;
	s26 =	simm.s32 $0x14190  }
0x12: {  	s7 =	sshrl.u32 s7, $0x3;
	s22 =	sshrl.u32 s13, $0x3;
	s8 =	sadd.s32 $0x1C00, s8  }
0x13: {  	s9 =	sadd.s32 $0xBC00, s10;
	s10 =	sor.u32 $0x1C06, s24;
	s11 =	sadd.s32 $0x1F600, s12  }
0x14: {  	s14 =	smax.u32 s14, $0x1;
	s24 =	simm.s32 $0xED90;
	s16 =	sadd.s32 s7, s2  }
0x15: {  	s2 =	sadd.s32 s22, s2;
	s7 =	sadd.s32 $0x9E60, s6;
	s22 =	simm.s32 $0x5  }
0x16: {  	v2 =	vimm.f32 $1.000000000e+00;
	v0 =	vmov s15;
	v1 =	vmov s31;
	s12 =	sadd.s32 $0x21E00, s16;
	s13 =	sadd.s32 $0x49000, s2;
	s2 =	simm.s32 $0x0  }
.LBB2_1:
0x17: {  	[tilespmem:s5], [sflag:$0x1] =	stream.linear.gather [hbm4b:s6+s5], $0x4F30, $0x38;
	[tilespmem:$0x1F280] =	vst v63  }
0x18: {  	s0 =	simm.s32 $0x4F30  }
0x19: {  	[tilespmem:s0], [sflag:$0x2] =	stream.linear.gather [hbm4b:s7+s5], $0x4F30, $0x38;
	[tilespmem:$0x1F280] =	vst v63  }
0x1a: {  	s31 =	simm.s32 $0x9E60  }
0x1b: {  	[tilespmem:s31], [sflag:$0x5] =	stream.linear.gather [hbm4b:s8+s5], $0x4F30, $0x38;
	[tilespmem:$0x1F280] =	vst v63  }
0x1c: {  	[tilespmem:$0x14190] =	vst v2  }
0x1d: {  	[tilespmem:$0x141A0] =	vst v2  }
0x1e: {  	[tilespmem:$0x141B0] =	vst v2  }
0x1f: {  	[tilespmem:$0x141C0] =	vst v2  }
0x20: {  	[tilespmem:$0x141D0] =	vst v2  }
0x21: {  	[tilespmem:$0x141E0] =	vst v2  }
0x22: {  	[tilespmem:$0x141F0] =	vst v2  }
0x23: {  	[spmem:s17], [sflag:s10] =	dma.local [hbm:s9], $0x1390  }
0x24: {  	_ =	swait.ge [sflag:s18], $0x1390  }
0x25: {  	[sflag:s18] =	ssyncset.done $0x0  }
0x26: {  	[sflag:s18] =	ssyncadd.s32 $0xFFFFEC70  }
0x27: {  	[spmem:s19], [sflag:s10] =	dma.local [hbm:s11], $0x280  }
0x28: {  	_ =	swait.ge [sflag:s18], $0x280  }
0x29: {  	[sflag:s18] =	ssyncset.done $0x0  }
0x2a: {  	[sflag:s18] =	ssyncadd.s32 $0xFFFFFD80  }
0x2b: {  	_ =	swait.ge [sflag:s20], $0x4F30  }
0x2c: {  	[sflag:s20] =	ssyncset.done $0x0  }
0x2d: {  	[sflag:s20] =	ssyncadd.s32 $0xFFFFB0D0  }
0x2e: {  	_ =	swait.ge [sflag:s21], $0x4F30  }
0x2f: {  	[sflag:s21] =	ssyncset.done $0x0  }
0x30: {  	[sflag:s21] =	ssyncadd.s32 $0xFFFFB0D0  }
0x31: {  	_ =	swait.ge [sflag:s22], $0x4F30  }
0x32: {  	[sflag:s22] =	ssyncset.done $0x0  }
0x33: {  	[sflag:s22] =	ssyncadd.s32 $0xFFFFB0D0  }
0x34: {  	v3 =	vld [tilespmem:$0x4F30]  }
0x35: {  	v4 =	vld [tilespmem:$0x9E60]  }
0x36: {  	v5 =	vld [tilespmem:$0x0]  }
0x37: {  	v6 =	vld [tilespmem:$0x4F40]  }
0x38: {  	v7 =	vld [tilespmem:$0x9E70]  }
0x39: {  	v8 =	vld [tilespmem:$0x10]  }
0x3a: {  	v39 =	vld [tilespmem:$0x4F50]  }
0x3b: {  	v11 =	vld [tilespmem:$0x20]  }
0x3c: {  	v13 =	vld [tilespmem:$0x30]  }
0x3d: {  	v15 =	vld [tilespmem:$0x40]  }
0x3e: {  	v45 =	vld [tilespmem:$0x4F80]  }
0x3f: {  	v17 =	vld [tilespmem:$0x50]  }
0x40: {  	v48 =	vld [tilespmem:$0x4F90]  }
0x41: {  	v19 =	vld [tilespmem:$0x60]  }
0x42: {  	v51 =	vld [tilespmem:$0x4FA0]  }
0x43: {  	v55 =	vld [tilespmem:$0x70]  }
0x44: {  	v57 =	vld [tilespmem:$0x4FB0]  }
0x45: {  	v62 =	vld [tilespmem:$0x80]  }
0x46: {  	v22 =	vld [tilespmem:$0x4FC0]  }
0x47: {  	v28 =	vld [tilespmem:$0x90];
	v3 =	vshll.u32 v3, $0x4;
	v5 =	vshll.u32 v5, $0x1  }
0x48: {  	v40 =	vld [tilespmem:$0x4F60];
	v6 =	vshll.u32 v6, $0x4;
	v8 =	vshll.u32 v8, $0x1;
	v43 =	vshll.u32 v11, $0x1  }
0x49: {  	v16 =	vld [tilespmem:$0x9EB0];
	v46 =	vshll.u32 v13, $0x1;
	v49 =	vshll.u32 v15, $0x1;
	v11 =	vshll.u32 v45, $0x4  }
0x4a: {  	v18 =	vld [tilespmem:$0x9EC0];
	v52 =	vshll.u32 v17, $0x1;
	v54 =	vshll.u32 v48, $0x4;
	v58 =	vshll.u32 v19, $0x1  }
0x4b: {  	v53 =	vld [tilespmem:$0x9ED0];
	v61 =	vshll.u32 v51, $0x4;
	v23 =	vshll.u32 v55, $0x1;
	v27 =	vshll.u32 v57, $0x4  }
0x4c: {  	v10 =	vld [tilespmem:$0x9E80];
	v30 =	vshll.u32 v62, $0x1;
	v34 =	vshll.u32 v22, $0x4;
	v37 =	vshll.u32 v28, $0x1  }
0x4d: {  	v12 =	vld [tilespmem:$0x9E90];
	v3 =	vadd.s32 v4, v3;
	v5 =	vor.u32 v0, v5;
	v6 =	vadd.s32 v7, v6  }
0x4e: {  	v4 =	vshll.u32 v39, $0x4;
	v8 =	vor.u32 v0, v8;
	v7 =	vshll.u32 v40, $0x4  }
0x4f: {  	v11 =	vadd.s32 v16, v11;
	v56 =	vadd.s32 v18, v54;
	v63 =	vor.u32 v0, v58  }
0x50: {  	v21 =	vadd.s32 v53, v61;
	v9 =	vsub.s32 v3, v1;
	v3 =	vand.u32 $0x3FF, v3  }
0x51: {  	v41 =	vsub.s32 v6, v1;
	v6 =	vand.u32 $0x3FF, v6;
	v4 =	vadd.s32 v10, v4  }
0x52: {  	v10 =	vor.u32 v0, v43;
	v7 =	vadd.s32 v12, v7;
	v12 =	vor.u32 v0, v46  }
0x53: {  	[tilespmem:$0x0] =	vst v5;
	v16 =	vsub.s32 v11, v1;
	v11 =	vand.u32 $0x3FF, v11;
	v5 =	vor.u32 v0, v52  }
0x54: {  	v42 =	vld [tilespmem:$0x4F70];
	[tilespmem:$0x10] =	vst v8;
	v59 =	vsub.s32 v56, v1;
	v8 =	vand.u32 $0x3FF, v56;
	v24 =	vsub.s32 v21, v1  }
0x55: {  	v14 =	vld [tilespmem:$0x9EA0];
	vm0 =	vlt.u32 v9, $0x13880;
	v3 =	vadd.s32 $0x13880, v3;
	vm15 =	vlt.u32 v41, $0x13880  }
0x56: {  	v60 =	vld [tilespmem:$0x9EE0];
	v6 =	vadd.s32 $0x13880, v6;
	v44 =	vsub.s32 v4, v1;
	v4 =	vand.u32 $0x3FF, v4  }
0x57: {  	v29 =	vld [tilespmem:$0x4FD0];
	v47 =	vsub.s32 v7, v1;
	v7 =	vand.u32 $0x3FF, v7;
	vm7 =	vlt.u32 v16, $0x13880  }
0x58: {  	v35 =	vld [tilespmem:$0xA0];
	vm8 =	vlt.u32 v59, $0x13880;
	v8 =	vadd.s32 $0x13880, v8;
	vm9 =	vlt.u32 v24, $0x13880  }
0x59: {  	v36 =	vld [tilespmem:$0x4FE0];
	[tilespmem:$0x30] =	vst v12;
	v12 =	vor.u32 v0, v23;
	v3 =	vsel vm0, v9, v3;
	v6 =	vsel vm15, v41, v6  }
0x5a: {  	v51 =	vld [tilespmem:$0x5000];
	[tilespmem:$0x60] =	vst v63;
	vm4 =	vlt.u32 v44, $0x13880;
	v4 =	vadd.s32 $0x13880, v4;
	vm5 =	vlt.u32 v47, $0x13880  }
0x5b: {  	[tilespmem:$0x20] =	vst v10;
	v7 =	vadd.s32 $0x13880, v7;
	v9 =	vshll.u32 v42, $0x4;
	v20 =	vsel vm8, v59, v8  }
0x5c: {  	[tilespmem:$0x50] =	vst v5;
	v8 =	vand.u32 $0x3FF, v21;
	v41 =	vshll.u32 v29, $0x4;
	v4 =	vsel vm4, v44, v4  }
0x5d: {  	v54 =	vld [tilespmem:$0x9F30];
	[tilespmem:$0x70] =	vst v12;
	v7 =	vsel vm5, v47, v7;
	v9 =	vadd.s32 v14, v9;
	v14 =	vor.u32 v0, v49  }
0x5e: {  	v25 =	vld [tilespmem:$0x9EF0];
	[tilespmem:$0x9E60] =	vst v3;
	v3 =	vadd.s32 $0x13880, v11;
	v26 =	vadd.s32 $0x13880, v8;
	v8 =	vadd.s32 v60, v27  }
0x5f: {  	v32 =	vld [tilespmem:$0x9F00];
	[tilespmem:$0x9E70] =	vst v6;
	v44 =	vshll.u32 v35, $0x1;
	v47 =	vshll.u32 v36, $0x4;
	v61 =	vshll.u32 v51, $0x4  }
0x60: {  	v43 =	vld [tilespmem:$0x4FF0];
	[tilespmem:$0x9EC0] =	vst v20;
	v50 =	vsub.s32 v9, v1;
	v9 =	vand.u32 $0x3FF, v9;
	v3 =	vsel vm7, v16, v3  }
0x61: {  	v39 =	vld [tilespmem:$0x9F10];
	[tilespmem:$0x9E90] =	vst v7;
	v7 =	vsel vm9, v24, v26;
	v31 =	vsub.s32 v8, v1;
	v8 =	vand.u32 $0x3FF, v8  }
0x62: {  	v46 =	vld [tilespmem:$0x9F20];
	[tilespmem:$0x9E80] =	vst v4;
	v4 =	vor.u32 v0, v37;
	v49 =	vor.u32 v0, v44;
	v62 =	vadd.s32 v54, v61  }
0x63: {  	v42 =	vld [tilespmem:$0xB0];
	[tilespmem:$0x40] =	vst v14;
	vm6 =	vlt.u32 v50, $0x13880;
	v9 =	vadd.s32 $0x13880, v9;
	vm10 =	vlt.u32 v31, $0x13880  }
0x64: {  	v33 =	vadd.s32 $0x13880, v8;
	[tilespmem:$0x9EB0] =	vst v3;
	v3 =	vor.u32 v0, v30;
	v8 =	vadd.s32 v25, v34  }
0x65: {  	[tilespmem:$0x9ED0] =	vst v7;
	v56 =	vshll.u32 v43, $0x4;
	v9 =	vsel vm6, v50, v9;
	v5 =	vsel vm10, v31, v33  }
0x66: {  	[tilespmem:$0x90] =	vst v4;
	v38 =	vsub.s32 v8, v1;
	v8 =	vand.u32 $0x3FF, v8;
	v50 =	vadd.s32 v39, v47  }
0x67: {  	[tilespmem:$0xA0] =	vst v49;
	v59 =	vadd.s32 v46, v56;
	vm11 =	vlt.u32 v38, $0x13880;
	v40 =	vadd.s32 $0x13880, v8  }
0x68: {  	v48 =	vld [tilespmem:$0xC0];
	[tilespmem:$0x80] =	vst v3;
	v8 =	vadd.s32 v32, v41;
	v52 =	vshll.u32 v42, $0x1;
	v53 =	vsub.s32 v50, v1  }
0x69: {  	[tilespmem:$0x9EE0] =	vst v5;
	v7 =	vand.u32 $0x3FF, v50;
	v5 =	vand.u32 $0x3FF, v62;
	v6 =	vsel vm11, v38, v40  }
0x6a: {  	v57 =	vld [tilespmem:$0xD0];
	[tilespmem:$0x9EA0] =	vst v9;
	v45 =	vsub.s32 v8, v1;
	v8 =	vand.u32 $0x3FF, v8;
	vm13 =	vlt.u32 v53, $0x13880  }
0x6b: {  	v4 =	vor.u32 v0, v52;
	vm12 =	vlt.u32 v45, $0x13880;
	v3 =	vadd.s32 $0x13880, v8;
	[tilespmem:$0x9EF0] =	vst v6  }
0x6c: {  	v55 =	vadd.s32 $0x13880, v7;
	v7 =	vsub.s32 v59, v1;
	[tilespmem:$0xB0] =	vst v4;
	v3 =	vsel vm12, v45, v3  }
0x6d: {  	v58 =	vsel vm13, v53, v55;
	v6 =	vand.u32 $0x3FF, v59;
	[tilespmem:$0x9F00] =	vst v3;
	v3 =	vshll.u32 v48, $0x1  }
0x6e: {  	vm14 =	vlt.u32 v7, $0x13880;
	v60 =	vadd.s32 $0x13880, v6;
	[tilespmem:$0x9F10] =	vst v58;
	v3 =	vor.u32 v0, v3  }
0x6f: {  	v6 =	vsub.s32 v62, v1;
	v4 =	vsel vm14, v7, v60;
	[tilespmem:$0xC0] =	vst v3;
	v3 =	vshll.u32 v57, $0x1  }
0x70: {  	v63 =	vadd.s32 $0x13880, v5;
	vm15 =	vlt.u32 v6, $0x13880;
	[tilespmem:$0x9F20] =	vst v4;
	v3 =	vor.u32 v0, v3  }
0x71: {  	[tilespmem:$0xD0] =	vst v3;
	v3 =	vsel vm15, v6, v63  }
0x72: {  	[tilespmem:$0x9F30] =	vst v3  }
0x73: {  	[tilespmem:s24], [sflag:$0x1] =	stream.indirect.gather [hbm4b:s1+s23], $0x40, s5, s23, $0xb8;
	[tilespmem:$0x1F280] =	vst v63  }
0x74: {  	_ = 	snop  }
0x75: {  	[tilespmem:s25], [sflag:$0x2] =	stream.indirect.gather [hbm4b:s1+s23], $0x40, s23, s23, $0xb8;
	[tilespmem:$0x1F280] =	vst v63  }
0x76: {  	s15 =	simm.s32 $0x0;
	[bflag:$0x0] =	sbarrier.arrive $0xFFFF  }
.LBB2_2:
0x77: {  	_ =	swait.ge [sflag:s20], $0x1C00  }
0x78: {  	p0 =	seq.s32 s15, $0x0;
	[sflag:s20] =	ssyncset.done $0x0  }
0x79: {  	s31 =	simm.s32 @!p0 $0x4;
	[sflag:s20] =	ssyncadd.s32 $0xFFFFE400  }
0x7a: {  	_ =	swait.ge @!p0 [sflag:s31], $0x1C00  }
0x7b: {  	s16 =	sshra.s32 s15, $0x2;
	[sflag:s31] =	ssyncset.done @!p0 $0x0  }
0x7c: {  	s0 =	sadd.s32 $0x4F30, s16;
	[sflag:s31] =	ssyncadd.s32 @!p0 $0xFFFFE400  }
0x7d: {  	[spmem:s3] =	stream.indirect.scatter.add.f32 [tilespmem:s24], [sflag:$0x4], $0x40, s0, s23, $0xb8;
	[tilespmem:$0x1F280] =	vst v63  }
0x7e: {  	s0 =	sadd.s32 $0x9E60, s16  }
0x7f: {  	[spmem:s4] =	stream.indirect.scatter.add.f32 [tilespmem:s26], [sflag:$0x5], $0x1, s0, s23, $0xb8;
	[tilespmem:$0x1F280] =	vst v63  }
0x80: {  	v3 =	vld [tilespmem:s16+$0x5010]  }
0x81: {  	v4 =	vld [tilespmem:s16+$0x9F40]  }
0x82: {  	v5 =	vld [tilespmem:s16+$0xE0]  }
0x83: {  	v6 =	vld [tilespmem:s16+$0x5020]  }
0x84: {  	v7 =	vld [tilespmem:s16+$0x9F50]  }
0x85: {  	v8 =	vld [tilespmem:s16+$0xF0]  }
0x86: {  	v46 =	vld [tilespmem:s16+$0x5030]  }
0x87: {  	v11 =	vld [tilespmem:s16+$0x100]  }
0x88: {  	v49 =	vld [tilespmem:s16+$0x5050]  }
0x89: {  	v15 =	vld [tilespmem:s16+$0x120]  }
0x8a: {  	v53 =	vld [tilespmem:s16+$0x5060]  }
0x8b: {  	v57 =	vld [tilespmem:s16+$0x130]  }
0x8c: {  	v60 =	vld [tilespmem:s16+$0x5070]  }
0x8d: {  	v16 =	vld [tilespmem:s16+$0x140]  }
0x8e: {  	v47 =	vld [tilespmem:s16+$0x5040]  }
0x8f: {  	v14 =	vld [tilespmem:s16+$0x9F80];
	v3 =	vshll.u32 v3, $0x4;
	v5 =	vshll.u32 v5, $0x1  }
0x90: {  	v55 =	vld [tilespmem:s16+$0x9F90];
	v6 =	vshll.u32 v6, $0x4;
	v8 =	vshll.u32 v8, $0x1;
	v50 =	vshll.u32 v11, $0x1  }
0x91: {  	v56 =	vshll.u32 v49, $0x4;
	v61 =	vshll.u32 v15, $0x1;
	v15 =	vshll.u32 v53, $0x4  }
0x92: {  	v10 =	vld [tilespmem:s16+$0x9F60];
	v18 =	vshll.u32 v57, $0x1;
	v19 =	vshll.u32 v60, $0x4;
	v21 =	vshll.u32 v16, $0x1  }
0x93: {  	v12 =	vld [tilespmem:s16+$0x9F70];
	v3 =	vadd.s32 v4, v3;
	v5 =	vor.u32 v0, v5;
	v6 =	vadd.s32 v7, v6  }
0x94: {  	v4 =	vshll.u32 v46, $0x4;
	v8 =	vor.u32 v0, v8;
	v7 =	vshll.u32 v47, $0x4  }
0x95: {  	v52 =	vor.u32 v0, v50;
	v59 =	vadd.s32 v14, v56;
	v17 =	vadd.s32 v55, v15  }
0x96: {  	v20 =	vor.u32 v0, v18;
	v9 =	vsub.s32 v3, v1;
	v3 =	vand.u32 $0x3FF, v3  }
0x97: {  	v48 =	vsub.s32 v6, v1;
	v6 =	vand.u32 $0x3FF, v6;
	v4 =	vadd.s32 v10, v4  }
0x98: {  	[tilespmem:s16+$0xE0] =	vst v5;
	v7 =	vadd.s32 v12, v7;
	v62 =	vsub.s32 v59, v1;
	v5 =	vand.u32 $0x3FF, v17  }
0x99: {  	v13 =	vld [tilespmem:s16+$0x110];
	[tilespmem:s16+$0xF0] =	vst v8;
	vm0 =	vlt.u32 v9, $0x13880;
	v3 =	vadd.s32 $0x13880, v3;
	vm15 =	vlt.u32 v48, $0x13880  }
0x9a: {  	[tilespmem:s16+$0x100] =	vst v52;
	v6 =	vadd.s32 $0x13880, v6;
	v51 =	vsub.s32 v4, v1;
	v4 =	vand.u32 $0x3FF, v4  }
0x9b: {  	[tilespmem:s16+$0x130] =	vst v20;
	v54 =	vsub.s32 v7, v1;
	v7 =	vand.u32 $0x3FF, v7;
	v3 =	vsel vm0, v9, v3  }
0x9c: {  	v63 =	vld [tilespmem:s16+$0x9FA0];
	v6 =	vsel vm15, v48, v6;
	vm4 =	vlt.u32 v51, $0x13880;
	v4 =	vadd.s32 $0x13880, v4;
	[tilespmem:s16+$0x9F40] =	vst v3  }
0x9d: {  	vm5 =	vlt.u32 v54, $0x13880;
	v7 =	vadd.s32 $0x13880, v7;
	v4 =	vsel vm4, v51, v4;
	[tilespmem:s16+$0x9F50] =	vst v6  }
0x9e: {  	v3 =	vshll.u32 v13, $0x1;
	v58 =	vsel vm5, v54, v7;
	v7 =	vand.u32 $0x3FF, v59;
	[tilespmem:s16+$0x9F60] =	vst v4  }
0x9f: {  	vm6 =	vlt.u32 v62, $0x13880;
	v3 =	vor.u32 v0, v3;
	v14 =	vadd.s32 $0x13880, v7;
	[tilespmem:s16+$0x9F70] =	vst v58  }
0xa0: {  	v7 =	vsub.s32 v17, v1;
	[tilespmem:s16+$0x110] =	vst v3;
	v3 =	vor.u32 v0, v61;
	v4 =	vsel vm6, v62, v14  }
0xa1: {  	vm7 =	vlt.u32 v7, $0x13880;
	[tilespmem:s16+$0x120] =	vst v3;
	v3 =	vadd.s32 $0x13880, v5;
	v5 =	vadd.s32 v63, v19  }
0xa2: {  	[tilespmem:s16+$0x9F80] =	vst v4;
	v3 =	vsel vm7, v7, v3;
	v22 =	vsub.s32 v5, v1;
	v5 =	vand.u32 $0x3FF, v5  }
0xa3: {  	[tilespmem:s16+$0x9F90] =	vst v3;
	v3 =	vor.u32 v0, v21;
	vm8 =	vlt.u32 v22, $0x13880;
	v23 =	vadd.s32 $0x13880, v5  }
0xa4: {  	[tilespmem:s16+$0x140] =	vst v3;
	v3 =	vsel vm8, v22, v23  }
0xa5: {  	s31 =	simm.s32 @!p0 $0x5;
	s0 =	sadd.s32 $0xE0, s16;
	[tilespmem:s16+$0x9FA0] =	vst v3  }
0xa6: {  	[tilespmem:s28], [sflag:$0x3] =	stream.indirect.gather [hbm4b:s1+s23], $0x40, s0, s23, $0xb8;
	[tilespmem:$0x1F280] =	vst v63  }
0xa7: {  	_ =	swait.ge @!p0 [sflag:s31], $0x70  }
0xa8: {  	[sflag:s31] =	ssyncset.done @!p0 $0x0  }
0xa9: {  	[sflag:s31] =	ssyncadd.s32 @!p0 $0xFFFFFF90  }
0xaa: {  	_ =	swait.ge [sflag:s21], $0x1C00  }
0xab: {  	[sflag:s21] =	ssyncset.done $0x0  }
0xac: {  	[sflag:s21] =	ssyncadd.s32 $0xFFFFE400  }
0xad: {  	_ =	swait.ge [sflag:s29], $0x1C00  }
0xae: {  	[sflag:s29] =	ssyncset.done $0x0  }
0xaf: {  	s0 =	sadd.s32 $0x4FA0, s16;
	[sflag:s29] =	ssyncadd.s32 $0xFFFFE400  }
0xb0: {  	[spmem:s3] =	stream.indirect.scatter.add.f32 [tilespmem:s25], [sflag:$0x4], $0x40, s0, s23, $0xb8;
	[tilespmem:$0x1F280] =	vst v63  }
0xb1: {  	s0 =	sadd.s32 $0x9ED0, s16  }
0xb2: {  	[spmem:s4] =	stream.indirect.scatter.add.f32 [tilespmem:s26], [sflag:$0x5], $0x1, s0, s23, $0xb8;
	[tilespmem:$0x1F280] =	vst v63  }
0xb3: {  	v3 =	vld [tilespmem:s16+$0x5080]  }
0xb4: {  	v24 =	vld [tilespmem:s16+$0x9FB0]  }
0xb5: {  	v25 =	vld [tilespmem:s16+$0x150]  }
0xb6: {  	v26 =	vld [tilespmem:s16+$0x5090]  }
0xb7: {  	v27 =	vld [tilespmem:s16+$0x9FC0]  }
0xb8: {  	v28 =	vld [tilespmem:s16+$0x160]  }
0xb9: {  	v29 =	vld [tilespmem:s16+$0x50A0]  }
0xba: {  	v31 =	vld [tilespmem:s16+$0x9FD0]  }
0xbb: {  	v32 =	vld [tilespmem:s16+$0x170]  }
0xbc: {  	v33 =	vld [tilespmem:s16+$0x50B0]  }
0xbd: {  	v37 =	vld [tilespmem:s16+$0x50C0]  }
0xbe: {  	v41 =	vld [tilespmem:s16+$0x190]  }
0xbf: {  	v43 =	vld [tilespmem:s16+$0x50D0]  }
0xc0: {  	v47 =	vld [tilespmem:s16+$0x1A0]  }
0xc1: {  	v50 =	vld [tilespmem:s16+$0x50E0]  }
0xc2: {  	v56 =	vld [tilespmem:s16+$0x1B0]  }
0xc3: {  	v35 =	vld [tilespmem:s16+$0x9FE0];
	v3 =	vshll.u32 v3, $0x4;
	v5 =	vshll.u32 v25, $0x1  }
0xc4: {  	v40 =	vld [tilespmem:s16+$0x9FF0];
	v6 =	vshll.u32 v26, $0x4;
	v8 =	vshll.u32 v28, $0x1;
	v4 =	vshll.u32 v29, $0x4  }
0xc5: {  	v45 =	vld [tilespmem:s16+$0xA000];
	v38 =	vshll.u32 v32, $0x1;
	v7 =	vshll.u32 v33, $0x4;
	v46 =	vshll.u32 v37, $0x4  }
0xc6: {  	v51 =	vshll.u32 v41, $0x1;
	v55 =	vshll.u32 v43, $0x4;
	v58 =	vshll.u32 v47, $0x1  }
0xc7: {  	v59 =	vshll.u32 v50, $0x4;
	v61 =	vshll.u32 v56, $0x1;
	v3 =	vadd.s32 v24, v3  }
0xc8: {  	v5 =	vor.u32 v0, v5;
	v6 =	vadd.s32 v27, v6;
	v8 =	vor.u32 v0, v8  }
0xc9: {  	v4 =	vadd.s32 v31, v4;
	v42 =	vor.u32 v0, v38;
	v7 =	vadd.s32 v35, v7  }
0xca: {  	v49 =	vadd.s32 v40, v46;
	v57 =	vadd.s32 v45, v55;
	v60 =	vor.u32 v0, v58  }
0xcb: {  	v30 =	vsub.s32 v3, v1;
	v3 =	vand.u32 $0x3FF, v3;
	v34 =	vsub.s32 v6, v1  }
0xcc: {  	v6 =	vand.u32 $0x3FF, v6;
	v39 =	vsub.s32 v4, v1;
	v4 =	vand.u32 $0x3FF, v4;
	[tilespmem:s16+$0x150] =	vst v5  }
0xcd: {  	v36 =	vld [tilespmem:s16+$0x180];
	v44 =	vsub.s32 v7, v1;
	v7 =	vand.u32 $0x3FF, v7;
	[tilespmem:s16+$0x160] =	vst v8;
	v52 =	vsub.s32 v49, v1  }
0xce: {  	[tilespmem:s16+$0x170] =	vst v42;
	v5 =	vand.u32 $0x3FF, v57;
	vm9 =	vlt.u32 v30, $0x13880;
	v3 =	vadd.s32 $0x13880, v3  }
0xcf: {  	[tilespmem:s16+$0x1A0] =	vst v60;
	vm10 =	vlt.u32 v34, $0x13880;
	v6 =	vadd.s32 $0x13880, v6;
	v3 =	vsel vm9, v30, v3  }
0xd0: {  	v53 =	vld [tilespmem:s16+$0xA010];
	vm11 =	vlt.u32 v39, $0x13880;
	v4 =	vadd.s32 $0x13880, v4;
	v6 =	vsel vm10, v34, v6;
	[tilespmem:s16+$0x9FB0] =	vst v3  }
0xd1: {  	vm12 =	vlt.u32 v44, $0x13880;
	v7 =	vadd.s32 $0x13880, v7;
	v4 =	vsel vm11, v39, v4;
	[tilespmem:s16+$0x9FC0] =	vst v6  }
0xd2: {  	v48 =	vsel vm12, v44, v7;
	v7 =	vand.u32 $0x3FF, v49;
	v3 =	vshll.u32 v36, $0x1;
	[tilespmem:s16+$0x9FD0] =	vst v4  }
0xd3: {  	vm13 =	vlt.u32 v52, $0x13880;
	v54 =	vadd.s32 $0x13880, v7;
	[tilespmem:s16+$0x9FE0] =	vst v48;
	v3 =	vor.u32 v0, v3  }
0xd4: {  	v7 =	vsub.s32 v57, v1;
	v4 =	vsel vm13, v52, v54;
	[tilespmem:s16+$0x180] =	vst v3;
	v3 =	vor.u32 v0, v51  }
0xd5: {  	vm14 =	vlt.u32 v7, $0x13880;
	[tilespmem:s16+$0x190] =	vst v3;
	v3 =	vadd.s32 $0x13880, v5;
	v5 =	vadd.s32 v53, v59  }
0xd6: {  	[tilespmem:s16+$0x9FF0] =	vst v4;
	v3 =	vsel vm14, v7, v3;
	v62 =	vsub.s32 v5, v1;
	v5 =	vand.u32 $0x3FF, v5  }
0xd7: {  	[tilespmem:s16+$0xA000] =	vst v3;
	v3 =	vor.u32 v0, v61;
	vm15 =	vlt.u32 v62, $0x13880;
	v63 =	vadd.s32 $0x13880, v5  }
0xd8: {  	[tilespmem:s16+$0x1B0] =	vst v3;
	v3 =	vsel vm15, v62, v63  }
0xd9: {  	s0 =	sadd.s32 $0x150, s16;
	[tilespmem:s16+$0xA010] =	vst v3  }
0xda: {  	[tilespmem:s24], [sflag:$0x1] =	stream.indirect.gather [hbm4b:s1+s23], $0x40, s0, s23, $0xb8;
	[tilespmem:$0x1F280] =	vst v63  }
0xdb: {  	_ =	swait.ge @!p0 [sflag:s31], $0x70  }
0xdc: {  	[sflag:s31] =	ssyncset.done @!p0 $0x0  }
0xdd: {  	[sflag:s31] =	ssyncadd.s32 @!p0 $0xFFFFFF90  }
0xde: {  	_ =	swait.ge [sflag:s30], $0x1C00  }
0xdf: {  	[sflag:s30] =	ssyncset.done $0x0  }
0xe0: {  	[sflag:s30] =	ssyncadd.s32 $0xFFFFE400  }
0xe1: {  	_ =	swait.ge [sflag:s29], $0x1C00  }
0xe2: {  	[sflag:s29] =	ssyncset.done $0x0  }
0xe3: {  	s31 =	sadd.s32 $0x5010, s16;
	p0 =	seq.s32 s15, $0x135C0;
	[sflag:s29] =	ssyncadd.s32 $0xFFFFE400  }
0xe4: {  	[spmem:s3] =	stream.indirect.scatter.add.f32 [tilespmem:s28], [sflag:$0x4], $0x40, s31, s23, $0xb8;
	[tilespmem:$0x1F280] =	vst v63  }
0xe5: {  	s31 =	sadd.s32 $0x9F40, s16;
	s16 =	sshra.s32 @!p0 s15, $0x2  }
0xe6: {  	[spmem:s4] =	stream.indirect.scatter.add.f32 [tilespmem:s26], [sflag:$0x5], $0x1, s31, s23, $0xb8;
	[tilespmem:$0x1F280] =	vst v63  }
0xe7: {  	v3 =	vld @!p0 [tilespmem:s16+$0x50F0]  }
0xe8: {  	v4 =	vld @!p0 [tilespmem:s16+$0xA020]  }
0xe9: {  	v5 =	vld @!p0 [tilespmem:s16+$0x1C0]  }
0xea: {  	v6 =	vld @!p0 [tilespmem:s16+$0x5100]  }
0xeb: {  	v8 =	vld @!p0 [tilespmem:s16+$0x1D0]  }
0xec: {  	v7 =	vld @!p0 [tilespmem:s16+$0xA030]  }
0xed: {  	v10 =	vld @!p0 [tilespmem:s16+$0xA040]  }
0xee: {  	v11 =	vld @!p0 [tilespmem:s16+$0x1E0]  }
0xef: {  	v13 =	vld @!p0 [tilespmem:s16+$0x1F0];
	v3 =	vshll.u32 @!p0 v3, $0x4;
	v5 =	vshll.u32 @!p0 v5, $0x1  }
0xf0: {  	v6 =	vshll.u32 @!p0 v6, $0x4;
	v8 =	vshll.u32 @!p0 v8, $0x1;
	v3 =	vadd.s32 @!p0 v4, v3;
	v4 =	vld @!p0 [tilespmem:s16+$0x5110]  }
0xf1: {  	v6 =	vadd.s32 @!p0 v7, v6;
	v7 =	vld @!p0 [tilespmem:s16+$0x5120];
	v9 =	vsub.s32 @!p0 v3, v1;
	v3 =	vand.u32 @!p0 $0x3FF, v3  }
0xf2: {  	v12 =	vld @!p0 [tilespmem:s16+$0xA050];
	v5 =	vor.u32 @!p0 v0, v5;
	vm0 =	vlt.u32 @!p0 v9, $0x13880;
	v3 =	vadd.s32 @!p0 $0x13880, v3  }
0xf3: {  	v3 =	vsel @!p0 vm0, v9, v3;
	v9 =	vsub.s32 @!p0 v6, v1;
	v6 =	vand.u32 @!p0 $0x3FF, v6  }
0xf4: {  	v8 =	vor.u32 @!p0 v0, v8;
	vm0 =	vlt.u32 @!p0 v9, $0x13880;
	v6 =	vadd.s32 @!p0 $0x13880, v6  }
0xf5: {  	[tilespmem:s16+$0xA020] =	vst @!p0 v3;
	v3 =	vshll.u32 @!p0 v13, $0x1;
	v4 =	vshll.u32 @!p0 v4, $0x4;
	v6 =	vsel @!p0 vm0, v9, v6;
	v9 =	vld @!p0 [tilespmem:s16+$0x5130]  }
0xf6: {  	v14 =	vld @!p0 [tilespmem:s16+$0xA060];
	v7 =	vshll.u32 @!p0 v7, $0x4;
	v4 =	vadd.s32 @!p0 v10, v4;
	v10 =	vshll.u32 @!p0 v11, $0x1  }
0xf7: {  	v15 =	vld @!p0 [tilespmem:s16+$0x200];
	v7 =	vadd.s32 @!p0 v12, v7;
	v11 =	vsub.s32 @!p0 v4, v1;
	v4 =	vand.u32 @!p0 $0x3FF, v4  }
0xf8: {  	[tilespmem:s16+$0x1C0] =	vst @!p0 v5;
	v5 =	vor.u32 @!p0 v0, v10;
	v10 =	vld @!p0 [tilespmem:s16+$0x5140];
	vm0 =	vlt.u32 @!p0 v11, $0x13880;
	v4 =	vadd.s32 @!p0 $0x13880, v4  }
0xf9: {  	v12 =	vld @!p0 [tilespmem:s16+$0xA070];
	v4 =	vsel @!p0 vm0, v11, v4;
	v11 =	vsub.s32 @!p0 v7, v1;
	v7 =	vand.u32 @!p0 $0x3FF, v7  }
0xfa: {  	[tilespmem:s16+$0x1D0] =	vst @!p0 v8;
	vm0 =	vlt.u32 @!p0 v11, $0x13880;
	v7 =	vadd.s32 @!p0 $0x13880, v7;
	v8 =	vshll.u32 @!p0 v9, $0x4;
	v9 =	vld @!p0 [tilespmem:s16+$0x210]  }
0xfb: {  	v3 =	vor.u32 @!p0 v0, v3;
	[tilespmem:s16+$0xA030] =	vst @!p0 v6;
	v6 =	vsel @!p0 vm0, v11, v7;
	v7 =	vadd.s32 @!p0 v14, v8;
	v8 =	vld @!p0 [tilespmem:s16+$0x5150]  }
0xfc: {  	v13 =	vld @!p0 [tilespmem:s16+$0xA080];
	[tilespmem:s16+$0x1E0] =	vst @!p0 v5;
	v5 =	vshll.u32 @!p0 v15, $0x1;
	v11 =	vsub.s32 @!p0 v7, v1;
	v7 =	vand.u32 @!p0 $0x3FF, v7  }
0xfd: {  	[tilespmem:s16+$0xA040] =	vst @!p0 v4;
	vm0 =	vlt.u32 @!p0 v11, $0x13880;
	v4 =	vadd.s32 @!p0 $0x13880, v7;
	v7 =	vshll.u32 @!p0 v10, $0x4;
	v10 =	vld @!p0 [tilespmem:s16+$0x220]  }
0xfe: {  	[tilespmem:s16+$0x1F0] =	vst @!p0 v3;
	v5 =	vor.u32 @!p0 v0, v5;
	v3 =	vsel @!p0 vm0, v11, v4;
	v4 =	vadd.s32 @!p0 v12, v7  }
0xff: {  	[tilespmem:s16+$0xA050] =	vst @!p0 v6;
	v6 =	vshll.u32 @!p0 v9, $0x1;
	v7 =	vsub.s32 @!p0 v4, v1;
	v4 =	vand.u32 @!p0 $0x3FF, v4  }
0x100: {  	[tilespmem:s16+$0x200] =	vst @!p0 v5;
	vm0 =	vlt.u32 @!p0 v7, $0x13880;
	v4 =	vadd.s32 @!p0 $0x13880, v4;
	v5 =	vshll.u32 @!p0 v8, $0x4  }
0x101: {  	[tilespmem:s16+$0xA060] =	vst @!p0 v3;
	v3 =	vsel @!p0 vm0, v7, v4;
	v4 =	vadd.s32 @!p0 v13, v5;
	v5 =	vor.u32 @!p0 v0, v6  }
0x102: {  	[tilespmem:s16+$0x210] =	vst @!p0 v5;
	v5 =	vshll.u32 @!p0 v10, $0x1;
	v6 =	vsub.s32 @!p0 v4, v1;
	v4 =	vand.u32 @!p0 $0x3FF, v4  }
0x103: {  	[tilespmem:s16+$0xA070] =	vst @!p0 v3;
	v3 =	vor.u32 @!p0 v0, v5;
	vm0 =	vlt.u32 @!p0 v6, $0x13880;
	v4 =	vadd.s32 @!p0 $0x13880, v4  }
0x104: {  	p1 =	seq.s32 @!p0 s15, $0x0;
	[tilespmem:s16+$0x220] =	vst @!p0 v3;
	v3 =	vsel @!p0 vm0, v6, v4  }
0x105: {  	s0 =	sadd.s32 @!p0 $0x1C0, s16;
	s31 =	simm.s32 @!p0 $0x10990;
	[tilespmem:s16+$0xA080] =	vst @!p0 v3;
	s16 =	simm.s32 @!p0 $0x70  }
0x106: {  	[tilespmem:s31], [sflag:$0x2] =	stream.indirect.gather @!p0 [hbm4b:s1+s16], $0x40, s0, s16, $0xb8;
	[tilespmem:$0x1F280] =	vst v63  }
0x107: {  	p0 =	por p0, !p1  }
0x108: {  	_ =	swait.ge @p0 [sflag:s22], $0x70  }
0x109: {  	s15 =	sadd.s32 $0x540, s15;
	[sflag:s22] =	ssyncset.done @p0 $0x0  }
0x10a: {  	[sflag:s22] =	ssyncadd.s32 @p0 $0xFFFFFF90;
	p0 =	sne.s32 s15, $0x13B00  }
.Ltmp0:
0x10b: {  	_ = 	snop;
	(pc) =	sbr.rel @p0 .LBB2_2-.Ltmp0, $1  }
0x10c: {  	_ =	sdelay $0x3  }
0x10d: {  	_ =	swait.ge [sflag:s20], $0x1C00  }
0x10e: {  	[sflag:s20] =	ssyncset.done $0x0  }
0x10f: {  	[sflag:s20] =	ssyncadd.s32 $0xFFFFE400  }
0x110: {  	_ =	swait.ge [sflag:s29], $0x1C00  }
0x111: {  	[sflag:s29] =	ssyncset.done $0x0  }
0x112: {  	s0 =	simm.s32 $0x9DF0;
	[sflag:s29] =	ssyncadd.s32 $0xFFFFE400  }
0x113: {  	[spmem:s3] =	stream.indirect.scatter.add.f32 [tilespmem:s24], [sflag:$0x4], $0x40, s0, s23, $0xb8;
	[tilespmem:$0x1F280] =	vst v63  }
0x114: {  	s31 =	simm.s32 $0xED20  }
0x115: {  	[spmem:s4] =	stream.indirect.scatter.add.f32 [tilespmem:s26], [sflag:$0x5], $0x1, s31, s23, $0xb8;
	[tilespmem:$0x1F280] =	vst v63  }
0x116: {  	_ =	swait.ge [sflag:s29], $0x1C00  }
0x117: {  	[sflag:s29] =	ssyncset.done $0x0  }
0x118: {  	[sflag:s29] =	ssyncadd.s32 $0xFFFFE400  }
0x119: {  	_ =	swait.ge [sflag:s22], $0x70  }
0x11a: {  	[sflag:s22] =	ssyncset.done $0x0  }
0x11b: {  	[sflag:s22] =	ssyncadd.s32 $0xFFFFFF90  }
0x11c: {  	_ =	swait.ge [sflag:s22], $0x70  }
0x11d: {  	[sflag:s22] =	ssyncset.done $0x0  }
0x11e: {  	[sflag:s22] =	ssyncadd.s32 $0xFFFFFF90  }
0x11f: {  	_ =	swait.ge [sflag:s22], $0x70  }
0x120: {  	[sflag:s22] =	ssyncset.done $0x0  }
0x121: {  	[sflag:s22] =	ssyncadd.s32 $0xFFFFFF90  }
0x122: {  	_ =	swait.ge [sflag:s22], $0x70  }
0x123: {  	[sflag:s22] =	ssyncset.done $0x0  }
0x124: {  	[sflag:s22] =	ssyncadd.s32 $0xFFFFFF90  }
0x125: {  	[bflag:$0x0] =	sbarrier.arrive $0xFFFF  }
0x126: {  	[hbm:s12], [sflag:s10] =	dma.local [spmem:s17], $0x1390  }
0x127: {  	s2 =	sadd.s32 $0x1, s2;
	_ =	swait.ge [sflag:s18], $0x1390  }
0x128: {  	p0 =	sne.s32 s2, s14;
	[sflag:s18] =	ssyncset.done $0x0  }
.Ltmp1:
0x129: {  	[sflag:s18] =	ssyncadd.s32 $0xFFFFEC70;
	(pc) =	sbr.rel @p0 .LBB2_1-.Ltmp1, $4  }
0x12a: {  	[hbm:s13], [sflag:s10] =	dma.local [spmem:s19], $0x280  }
0x12b: {  	_ =	swait.ge [sflag:s18], $0x280  }
0x12c: {  	[sflag:s18] =	ssyncset.done $0x0  }
0x12d: {  	[sflag:s18] =	ssyncadd.s32 $0xFFFFFD80  }
0x12e: {  	_ =	sfence.sel $0x180000  }
0x12f: {  	[bflag:$0x0] =	sbarrier.arrive $0xFFFF  }
0x130: {  	_ =	strace $0x90000047  }
0x131: {  	s0 =	stileid.u32;
	[bflag:$0x2] =	sbarrier.arrive $0xFFFF  }
0x132: {  	p0 =	sne.s32 s0, $0x0;
	s0 =	rddreg [dreg:$0x5]  }
0x133: {  	s0 =	sadd.s32 @!p0 $0x100000, s0  }
0x134: {  	[sflag:s0] =	ssyncadd.tile.s32 @!p0 $0x1;
	_ =	shalt  }
.Lfunc_end2:
_tile_overlayer_lowered:
.L_overlay_start_2:
0x135: {  	(tag) =	ssettag $0x2  }
0x136: {  	s0 =	rddreg [dreg:$0x0];
	s2 =	stileid.u32  }
0x137: {  	s1 =	rddreg [dreg:$0x1];
	p0 =	sne.s32 s2, $0x0  }
0x138: {  	s3 =	rddreg [dreg:$0x2];
	[bflag:$0x3] =	sbarrier.arrive $0xFFFF;
	s2 =	simm.s32 @!p0 $0x1C06  }
0x139: {  	[timem:s3], [sflag:s2] =	dma.local @!p0 [hbm:s0], s1  }
0x13a: {  	s0 =	simm.s32 @!p0 $0x6  }
0x13b: {  	_ =	swait.ge @!p0 [sflag:s0], s1  }
0x13c: {  	s1 =	ssub.s32 @!p0 $0x0, s1;
	[sflag:s0] =	ssyncset.done @!p0 $0x0  }
0x13d: {  	[sflag:s0] =	ssyncadd.s32 @!p0 s1  }
0x13e: {  	[bflag:$0x3] =	sbarrier.arrive $0xFFFF  }
0x13f: {  	_ =	shalt  }

</sc_bundles>
